<compile_context>
chip_gen: v7x
topology: tpu7x:2x2x1
jax: 0.10.2.dev20260603
libtpu: 0.0.44.dev20260713+nightly
codegen_flags: <defaults>
</compile_context>

<pallas_src>
import functools

import jax
import jax.numpy as jnp
from jax import lax
from jax.experimental import pallas as pl
from jax.experimental.pallas import tpu as pltpu
from jax.experimental.pallas import tpu_sc as plsc

N = 2048
E = 65536
G = 8
ALPHA = 0.15
K_TOP = 64 * N

_BM = 1024
_BN = 1024
_RB = 256


_CHROWS = 512
_CHELEMS = _CHROWS * N
_SPAD = 2048
_ZSLICE = (_CHELEMS + _SPAD) // 16
_EPW = E // 16


def _sc_scatter_body(src_hbm, dst_hbm, zero_hbm, a_hbm, sh, s_v, d_v, i_v,
                     v_v):
    cid = lax.axis_index("c")
    sid = lax.axis_index("s")

    ones = jnp.full((16,), 1.0, jnp.float32)

    def fill(i, _):
        v_v[pl.ds(i * 16, 16)] = ones
        return 0

    lax.fori_loop(0, _EPW // 16, fill, 0)

    ebase = sid * _EPW
    pltpu.sync_copy(src_hbm.at[pl.ds(ebase, _EPW)], s_v)
    pltpu.sync_copy(dst_hbm.at[pl.ds(ebase, _EPW)], d_v)

    for ch in range(2):
        rbase = (cid * 2 + ch) * _CHROWS
        pltpu.sync_copy(zero_hbm.at[pl.ds(sid * _ZSLICE, _ZSLICE)],
                        sh.at[pl.ds(sid * _ZSLICE, _ZSLICE)])
        plsc.subcore_barrier()

        def idx_body(i, _):
            s16 = s_v[pl.ds(i * 16, 16)]
            d16 = d_v[pl.ds(i * 16, 16)]
            m = jnp.logical_and(s16 >= rbase, s16 < rbase + _CHROWS)
            flat = (s16 - rbase) * N + d16
            i_v[pl.ds(i * 16, 16)] = jnp.where(m, flat, _CHELEMS)
            return 0

        lax.fori_loop(0, _EPW // 16, idx_body, 0)
        for t in range(16):
            @pl.when(sid == t)
            def _():
                pltpu.sync_copy(v_v, sh.at[i_v], add=True)

            plsc.subcore_barrier()

        osz = _CHELEMS // 16
        pltpu.sync_copy(sh.at[pl.ds(sid * osz, osz)],
                        a_hbm.at[pl.ds(rbase * N + sid * osz, osz)])
        plsc.subcore_barrier()


def _sc_scatter(src, dst, zero_blk):
    return pl.kernel(
        _sc_scatter_body,
        out_type=jax.ShapeDtypeStruct((N * N,), jnp.float32),
        mesh=plsc.VectorSubcoreMesh(core_axis_name="c", subcore_axis_name="s"),
        compiler_params=pltpu.CompilerParams(needs_layout_passes=False),
        scratch_types=[
            pltpu.VMEM_SHARED((_CHELEMS + _SPAD,), jnp.float32),
            pltpu.VMEM((_EPW,), jnp.int32),
            pltpu.VMEM((_EPW,), jnp.int32),
            pltpu.VMEM((_EPW,), jnp.int32),
            pltpu.VMEM((_EPW,), jnp.float32),
        ],
    )(src, dst, zero_blk)


def _colsum_body(a_ref, o_ref):
    i = pl.program_id(0)

    @pl.when(i == 0)
    def _():
        o_ref[...] = jnp.zeros_like(o_ref)

    o_ref[...] += jnp.sum(a_ref[...], axis=0, keepdims=True)


def _colsum(a):
    return pl.pallas_call(
        _colsum_body,
        grid=(N // _RB,),
        in_specs=[pl.BlockSpec((_RB, N), lambda i: (i, 0))],
        out_specs=pl.BlockSpec((1, N), lambda i: (0, 0)),
        out_shape=jax.ShapeDtypeStruct((1, N), jnp.float32),
    )(a)


def _norm_body(a_ref, deg_ref, degt_ref, b_ref, p_ref):
    i = pl.program_id(0)
    rows = lax.broadcasted_iota(jnp.int32, (_RB, N), 0) + i * _RB
    cols = lax.broadcasted_iota(jnp.int32, (_RB, N), 1)
    eye = (rows == cols).astype(jnp.float32)
    deg = deg_ref[...]
    degt = degt_ref[...]
    dinv_c = jnp.where(deg > 0, lax.rsqrt(deg), 0.0)
    dinv_r = jnp.where(degt > 0, lax.rsqrt(degt), 0.0)
    b = (1.0 - ALPHA) * ((a_ref[...] + eye) * dinv_r * dinv_c)
    b_ref[...] = b
    p_ref[...] = b + eye


def _normalize(a, deg, deg_t):
    return pl.pallas_call(
        _norm_body,
        grid=(N // _RB,),
        in_specs=[
            pl.BlockSpec((_RB, N), lambda i: (i, 0)),
            pl.BlockSpec((1, N), lambda i: (0, 0)),
            pl.BlockSpec((_RB, 1), lambda i: (i, 0)),
        ],
        out_specs=[
            pl.BlockSpec((_RB, N), lambda i: (i, 0)),
            pl.BlockSpec((_RB, N), lambda i: (i, 0)),
        ],
        out_shape=[
            jax.ShapeDtypeStruct((N, N), jnp.float32),
            jax.ShapeDtypeStruct((N, N), jnp.float32),
        ],
    )(a, deg, deg_t)


def _mm_body(x_ref, y_ref, o_ref):
    o_ref[...] = jnp.dot(x_ref[...], y_ref[...],
                         preferred_element_type=jnp.float32)


def _mma_body(x_ref, y_ref, c_ref, o_ref):
    o_ref[...] = jnp.dot(x_ref[...], y_ref[...],
                         preferred_element_type=jnp.float32) + c_ref[...]


def _mm(x, y):
    return pl.pallas_call(
        _mm_body,
        grid=(N // _BM, N // _BN),
        in_specs=[
            pl.BlockSpec((_BM, N), lambda i, j: (i, 0)),
            pl.BlockSpec((N, _BN), lambda i, j: (0, j)),
        ],
        out_specs=pl.BlockSpec((_BM, _BN), lambda i, j: (i, j)),
        out_shape=jax.ShapeDtypeStruct((N, N), jnp.float32),
        compiler_params=pltpu.CompilerParams(
            dimension_semantics=("parallel", "parallel"),
            vmem_limit_bytes=100 * 1024 * 1024),
    )(x, y)


def _mma(x, y, c):
    return pl.pallas_call(
        _mma_body,
        grid=(N // _BM, N // _BN),
        in_specs=[
            pl.BlockSpec((_BM, N), lambda i, j: (i, 0)),
            pl.BlockSpec((N, _BN), lambda i, j: (0, j)),
            pl.BlockSpec((_BM, _BN), lambda i, j: (i, j)),
        ],
        out_specs=pl.BlockSpec((_BM, _BN), lambda i, j: (i, j)),
        out_shape=jax.ShapeDtypeStruct((N, N), jnp.float32),
        compiler_params=pltpu.CompilerParams(
            dimension_semantics=("parallel", "parallel"),
            vmem_limit_bytes=100 * 1024 * 1024),
    )(x, y, c)


_N_ITERS = 31
_POS_INF_BITS = 0x7F800000


def _select_body(p_ref, eps_ref, dg_ref):
    nblk = N // _RB

    def count_ge(mid1, mid2):
        c1 = jnp.int32(0)
        c2 = jnp.int32(0)
        for b in range(nblk):
            bits = lax.bitcast_convert_type(
                p_ref[pl.ds(b * _RB, _RB), :], jnp.int32)
            c1 += jnp.sum((bits >= mid1).astype(jnp.int32))
            c2 += jnp.sum((bits >= mid2).astype(jnp.int32))
        return c1, c2

    def body(_, carry):
        lo1, hi1, lo2, hi2 = carry
        mid1 = lo1 + (hi1 - lo1) // 2
        mid2 = lo2 + (hi2 - lo2) // 2
        c1, c2 = count_ge(mid1, mid2)
        ge1 = c1 >= K_TOP
        ge2 = c2 >= (K_TOP + 1)
        return (jnp.where(ge1, mid1, lo1), jnp.where(ge1, hi1, mid1),
                jnp.where(ge2, mid2, lo2), jnp.where(ge2, hi2, mid2))

    init = (jnp.int32(0), jnp.int32(_POS_INF_BITS),
            jnp.int32(0), jnp.int32(_POS_INF_BITS))
    lo1, _, lo2, _ = lax.fori_loop(0, _N_ITERS, body, init)
    vk = lax.bitcast_convert_type(lo1, jnp.float32)
    vk1 = lax.bitcast_convert_type(lo2, jnp.float32)
    eps = (vk + vk1) * 0.5
    eps_ref[0] = eps

    dg = jnp.zeros((1, N), jnp.float32)
    for b in range(nblk):
        rows = lax.broadcasted_iota(jnp.int32, (_RB, N), 0) + b * _RB
        cols = lax.broadcasted_iota(jnp.int32, (_RB, N), 1)
        adjf = (p_ref[pl.ds(b * _RB, _RB), :] >= eps).astype(jnp.float32)
        ag = jnp.where(rows == cols, 1.0, adjf)
        dg += jnp.sum(ag, axis=0, keepdims=True)
    dg_ref[...] = dg


def _select_eps(p):
    return pl.pallas_call(
        _select_body,
        out_specs=[
            pl.BlockSpec(memory_space=pltpu.SMEM),
            pl.BlockSpec((1, N), lambda: (0, 0)),
        ],
        out_shape=[
            jax.ShapeDtypeStruct((1,), jnp.float32),
            jax.ShapeDtypeStruct((1, N), jnp.float32),
        ],
        compiler_params=pltpu.CompilerParams(
            vmem_limit_bytes=50 * 1024 * 1024),
    )(p)


def _gat_body(p_ref, eps_ref, x_ref, wg_ref, asrc_ref, adst_ref, bg_ref,
              x1_ref):
    i = pl.program_id(0)
    eps = eps_ref[0]
    h = x_ref[...] * wg_ref[...]
    a_s = jnp.dot(h, asrc_ref[...], preferred_element_type=jnp.float32)
    h_blk = x_ref[pl.ds(i * _RB, _RB), :] * wg_ref[...]
    a_d = lax.dot_general(adst_ref[...], h_blk,
                          dimension_numbers=(((0,), (1,)), ((), ())),
                          preferred_element_type=jnp.float32)
    rows = lax.broadcasted_iota(jnp.int32, (N, _RB), 0)
    cols = lax.broadcasted_iota(jnp.int32, (N, _RB), 1) + i * _RB
    mask = jnp.logical_or(p_ref[...] >= eps, rows == cols)
    e = a_s + a_d
    e = jnp.where(e >= 0, e, 0.2 * e)
    e = jnp.where(mask, e, -1e9)
    m = jnp.max(e, axis=0, keepdims=True)
    pexp = jnp.exp(e - m)
    z = jnp.sum(pexp, axis=0, keepdims=True)
    attn = jnp.where(mask, pexp / z, 0.0)
    v = lax.dot_general(attn, h, dimension_numbers=(((0,), (0,)), ((), ())),
                        preferred_element_type=jnp.float32) + bg_ref[...]
    x1_ref[...] = jnp.where(v > 0, v, jnp.exp(v) - 1.0)


def _gat(p, eps, x, w_gat, att_src, att_dst, b_gat):
    return pl.pallas_call(
        _gat_body,
        grid=(N // _RB,),
        in_specs=[
            pl.BlockSpec((N, _RB), lambda i: (0, i)),
            pl.BlockSpec(memory_space=pltpu.SMEM),
            pl.BlockSpec((N, 1), lambda i: (0, 0)),
            pl.BlockSpec((1, 16), lambda i: (0, 0)),
            pl.BlockSpec((16, 1), lambda i: (0, 0)),
            pl.BlockSpec((16, 1), lambda i: (0, 0)),
            pl.BlockSpec((1, 16), lambda i: (0, 0)),
        ],
        out_specs=pl.BlockSpec((_RB, 16), lambda i: (i, 0)),
        out_shape=jax.ShapeDtypeStruct((N, 16), jnp.float32),
    )(p, eps, x, w_gat, att_src, att_dst, b_gat)


def _gcn_deg_body(p_ref, eps_ref, o_ref):
    i = pl.program_id(0)

    @pl.when(i == 0)
    def _():
        o_ref[...] = jnp.zeros_like(o_ref)

    eps = eps_ref[0]
    rows = lax.broadcasted_iota(jnp.int32, (_RB, N), 0) + i * _RB
    cols = lax.broadcasted_iota(jnp.int32, (_RB, N), 1)
    adjf = (p_ref[...] >= eps).astype(jnp.float32)
    ag = jnp.where(rows == cols, 1.0, adjf)
    o_ref[...] += jnp.sum(ag, axis=0, keepdims=True)


def _gcn_deg(p, eps):
    return pl.pallas_call(
        _gcn_deg_body,
        grid=(N // _RB,),
        in_specs=[
            pl.BlockSpec((_RB, N), lambda i: (i, 0)),
            pl.BlockSpec(memory_space=pltpu.SMEM),
        ],
        out_specs=pl.BlockSpec((1, N), lambda i: (0, 0)),
        out_shape=jax.ShapeDtypeStruct((1, N), jnp.float32),
    )(p, eps)


def _gcn_body(p_ref, eps_ref, dgt_ref, x1_ref, wg_ref, bg_ref, x2_ref):
    i = pl.program_id(0)
    eps = eps_ref[0]
    rows = lax.broadcasted_iota(jnp.int32, (N, _RB), 0)
    cols = lax.broadcasted_iota(jnp.int32, (N, _RB), 1) + i * _RB
    adjf = (p_ref[...] >= eps).astype(jnp.float32)
    ag = jnp.where(rows == cols, 1.0, adjf)
    dgi = lax.rsqrt(dgt_ref[...])
    y = jnp.dot(x1_ref[...], wg_ref[...],
                preferred_element_type=jnp.float32)
    w = dgi * y
    acc = lax.dot_general(ag, w, dimension_numbers=(((0,), (0,)), ((), ())),
                          preferred_element_type=jnp.float32)
    dgi_i = lax.rsqrt(dgt_ref[pl.ds(i * _RB, _RB), :])
    v = dgi_i * acc + bg_ref[...]
    x2_ref[...] = jnp.where(v > 0, v, jnp.exp(v) - 1.0)


def _gcn(p, eps, dg_t, x1, w_gcn, b_gcn):
    return pl.pallas_call(
        _gcn_body,
        grid=(N // _RB,),
        in_specs=[
            pl.BlockSpec((N, _RB), lambda i: (0, i)),
            pl.BlockSpec(memory_space=pltpu.SMEM),
            pl.BlockSpec((N, 1), lambda i: (0, 0)),
            pl.BlockSpec((N, 16), lambda i: (0, 0)),
            pl.BlockSpec((16, 32), lambda i: (0, 0)),
            pl.BlockSpec((1, 32), lambda i: (0, 0)),
        ],
        out_specs=pl.BlockSpec((_RB, 32), lambda i: (i, 0)),
        out_shape=jax.ShapeDtypeStruct((N, 32), jnp.float32),
    )(p, eps, dg_t, x1, w_gcn, b_gcn)


def _pool_body(x2_ref, b_ref, wl_ref, bl_ref, o_ref):
    x2 = x2_ref[...]
    batch = b_ref[...]
    giota = lax.broadcasted_iota(jnp.int32, (N, G), 1)
    segf = (batch == giota).astype(jnp.float32)
    ssum = lax.dot_general(segf, x2,
                           dimension_numbers=(((0,), (0,)), ((), ())),
                           preferred_element_type=jnp.float32)
    ones = jnp.ones((N, 1), jnp.float32)
    cnt = lax.dot_general(segf, ones,
                          dimension_numbers=(((0,), (0,)), ((), ())),
                          preferred_element_type=jnp.float32)
    smean = ssum / jnp.maximum(cnt, 1.0)
    rows = []
    for g in range(G):
        mg = jnp.max(jnp.where(batch == g, x2, -jnp.inf), axis=0,
                     keepdims=True)
        rows.append(mg)
    smax = jnp.concatenate(rows, axis=0)
    wl = wl_ref[...]
    out = (jnp.dot(smax, wl[0:32, :], preferred_element_type=jnp.float32)
           + jnp.dot(smean, wl[32:64, :], preferred_element_type=jnp.float32)
           + jnp.dot(ssum, wl[64:96, :], preferred_element_type=jnp.float32)
           + bl_ref[...])
    o_ref[...] = out


def _pool(x2, batch2d, w_lin, b_lin):
    return pl.pallas_call(
        _pool_body,
        grid=(1,),
        in_specs=[
            pl.BlockSpec((N, 32), lambda i: (0, 0)),
            pl.BlockSpec((N, 1), lambda i: (0, 0)),
            pl.BlockSpec((96, 2), lambda i: (0, 0)),
            pl.BlockSpec((1, 2), lambda i: (0, 0)),
        ],
        out_specs=pl.BlockSpec((G, 2), lambda i: (0, 0)),
        out_shape=jax.ShapeDtypeStruct((G, 2), jnp.float32),
    )(x2, batch2d, w_lin, b_lin)


def kernel(x, edge_index, batch, W_gat, att_src, att_dst, b_gat, W_gcn,
           b_gcn, W_lin, b_lin):
    src, dst = edge_index[0], edge_index[1]
    zero_blk = jnp.zeros((_ZSLICE * 16,), jnp.float32)
    a = _sc_scatter(src, dst, zero_blk).reshape(N, N)

    deg = _colsum(a) + 1.0
    deg_t = deg.reshape(N, 1)
    b, p = _normalize(a, deg, deg_t)

    bc = _mm(b, b)
    for j in range(1, 6):
        p = _mma(bc, p, p)
        if j < 5:
            bc = _mm(bc, bc)

    eps, dg = _select_eps(p)

    x1 = _gat(p, eps, x, W_gat,
              att_src.reshape(16, 1), att_dst.reshape(16, 1),
              b_gat.reshape(1, 16))
    x2 = _gcn(p, eps, dg.reshape(N, 1), x1, W_gcn, b_gcn.reshape(1, 32))
    out = _pool(x2, batch.reshape(N, 1), W_lin, b_lin.reshape(1, 2))
    return out

# --- scband reference (transcript-rebuilt; emitter-appended) ---
"""Pipeline reference for scband-gnn-v2-5927054868944 (READ-ONLY COPY).

The authoritative reference and input builder live on the scoring server;
editing this copy changes nothing except your own understanding.
"""

import jax, jax.numpy as jnp
import numpy as np

N = 2048
E = 65536
G = 8
ALPHA = 0.15
AVG_DEGREE = 64


def setup_inputs(seed: int = 0) -> dict:
    key = jax.random.key(seed)
    ks = jax.random.split(key, 12)
    x = jax.random.normal(ks[0], (N, 1), dtype=jnp.float32)
    edge_index = jax.random.randint(ks[1], (2, E), 0, N, dtype=jnp.int32)
    batch = jnp.sort(jax.random.randint(ks[2], (N,), 0, G, dtype=jnp.int32))
    s = 0.3
    W_gat = jax.random.normal(ks[3], (1, 16), dtype=jnp.float32) * s
    att_src = jax.random.normal(ks[4], (16,), dtype=jnp.float32) * s
    att_dst = jax.random.normal(ks[5], (16,), dtype=jnp.float32) * s
    b_gat = jnp.zeros((16,), jnp.float32)
    W_gcn = jax.random.normal(ks[6], (16, 32), dtype=jnp.float32) * s
    b_gcn = jnp.zeros((32,), jnp.float32)
    W_lin = jax.random.normal(ks[7], (96, 2), dtype=jnp.float32) * s
    b_lin = jnp.zeros((2,), jnp.float32)
    return {"x": x, "edge_index": edge_index, "batch": batch,
            "W_gat": W_gat, "att_src": att_src, "att_dst": att_dst, "b_gat": b_gat,
            "W_gcn": W_gcn, "b_gcn": b_gcn, "W_lin": W_lin, "b_lin": b_lin}


def _gdc_mask(edge_index):
    # Faithful dense PyG GDC with defaults: self_loop_weight=1, norm_in='sym',
    # exact PPR diffusion (alpha=0.15), threshold sparsification (avg_degree=64),
    # norm_out='col'. Returns boolean adjacency mask of the diffused graph.
    src, dst = edge_index[0], edge_index[1]
    A = jnp.zeros((N, N), jnp.float32).at[src, dst].add(1.0)  # coalesce sums dups
    A = A + jnp.eye(N, dtype=jnp.float32)  # add self loops, weight 1
    deg = A.sum(axis=0)
    dinv = jnp.where(deg > 0, deg ** -0.5, 0.0)
    T = A * dinv[:, None] * dinv[None, :]  # sym in-normalization
    S = ALPHA * jnp.linalg.inv(jnp.eye(N, dtype=jnp.float32) - (1.0 - ALPHA) * T)
    k = AVG_DEGREE * N
    topv = jax.lax.top_k(S.reshape(-1), k + 1)[0]
    eps = (topv[k - 1] + topv[k]) / 2.0
    M = jnp.where(S >= eps, S, 0.0)
    colsum = M.sum(axis=0)
    colsum = jnp.where(colsum == 0.0, 1.0, colsum)
    M = M / colsum[None, :]  # col out-normalization
    return M > 0.0


def reference(x, edge_index, batch, W_gat, att_src, att_dst, b_gat, W_gcn, b_gcn, W_lin, b_lin):
    adj = _gdc_mask(edge_index)
    eye = jnp.eye(N, dtype=bool)
    # GATConv(1, 16), heads=1, negative_slope=0.2, add_self_loops=True
    h = x @ W_gat
    a_s = h @ att_src
    a_d = h @ att_dst
    mask = adj | eye
    e = jax.nn.leaky_relu(a_s[:, None] + a_d[None, :], 0.2)
    e = jnp.where(mask, e, -1e9)
    attn = jax.nn.softmax(e, axis=0)  # softmax over source j for each dst i
    attn = jnp.where(mask, attn, 0.0)
    x1 = jax.nn.elu(attn.T @ h + b_gat)
    # GCNConv(16, 32): gcn_norm with remaining self loops, edge_weight=1, sym norm
    Ag = jnp.where(eye, 1.0, adj.astype(jnp.float32))
    dg = Ag.sum(axis=0)
    dgi = dg ** -0.5
    norm = Ag * dgi[:, None] * dgi[None, :]
    x2 = jax.nn.elu(norm.T @ (x1 @ W_gcn) + b_gcn)
    # global max / mean / add pooling over batch ids
    smax = jax.ops.segment_max(x2, batch, num_segments=G)
    ssum = jax.ops.segment_sum(x2, batch, num_segments=G)
    cnt = jax.ops.segment_sum(jnp.ones((N,), jnp.float32), batch, num_segments=G)
    smean = ssum / jnp.maximum(cnt, 1.0)[:, None]
    feat = jnp.concatenate([smax, smean, ssum], axis=1)
    return feat @ W_lin + b_lin

if __name__ == "__main__":
    import jax
    _d = setup_inputs()
    print(jax.jit(kernel)(*tuple(_d.values())))

</pallas_src>

<mosaic_0001>
#map = affine_map<(d0, d1) -> (0)>
module attributes {stable_mosaic.version = 14 : i64} {
  func.func @_sc_scatter_body(%arg0: i32, %arg1: i32, %arg2: memref<65536xi32, #tpu.memory_space<hbm>>, %arg3: memref<65536xi32, #tpu.memory_space<hbm>>, %arg4: memref<1050624xf32, #tpu.memory_space<hbm>>, %arg5: memref<4194304xf32, #tpu.memory_space<hbm>>, %arg6: memref<1050624xf32, #tpu.memory_space<vmem_shared>>, %arg7: memref<4096xi32, #tpu.memory_space<vmem>>, %arg8: memref<4096xi32, #tpu.memory_space<vmem>>, %arg9: memref<4096xi32, #tpu.memory_space<vmem>>, %arg10: memref<4096xf32, #tpu.memory_space<vmem>>) attributes {dimension_semantics = [#tpu.dimension_semantics<core_parallel>, #tpu.dimension_semantics<subcore_parallel>], iteration_bounds = array<i64: 2, 16>, scalar_prefetch = 0 : i64, scratch_operands = 5 : i64, tpu.core_type = #tpu.core_type<sc_vector_subcore>, window_params = [{transform_indices = #map}, {transform_indices = #map}, {transform_indices = #map}, {transform_indices = #map}]} {
    %broadcast_in_dim3A = arith.constant 1.000000e+00 : f32
    %broadcast_in_dim3A_0 = vector.broadcast %broadcast_in_dim3A : f32 to vector<16xf32>
    %scan3A = arith.constant 0 : i32
    %scan3A_1 = arith.constant 0 : i32
    %scan3A_2 = arith.constant 256 : i32
    %scan3A_3 = arith.addi %scan3A_1, %scan3A_2 : i32
    %scan3A_4 = arith.constant 1 : i32
    %scan3A_5 = scf.for %scan3A_247 = %scan3A_1 to %scan3A_3 step %scan3A_4 iter_args(%scan3A_248 = %scan3A) -> (i32)  : i32 {
      %mul3A_249 = arith.constant 16 : i32
      %mul3A_250 = arith.muli %scan3A_247, %mul3A_249 : i32
      %swap3A = arith.index_cast %mul3A_250 : i32 to index
      %swap3A_251 = tpu.vector_load %arg10[%swap3A] {strides = array<i32>} : memref<4096xf32, #tpu.memory_space<vmem>>, vector<16xf32>,
      tpu.vector_store %arg10[%swap3A], %broadcast_in_dim3A_0 {strides = array<i32>} : memref<4096xf32, #tpu.memory_space<vmem>>, vector<16xf32>,
      %scan3A_252 = arith.constant 0 : i32
      scf.yield %scan3A_252 : i32
    }
    %scan3A_6 = arith.constant 256 : i32
    %mul3A = arith.constant 4096 : i32
    %mul3A_7 = arith.muli %arg1, %mul3A : i32
    "tpu.region"() ({
      %run_scoped3A = tpu.sem_alloc : memref<!tpu.dma_semaphore, #tpu.memory_space<semaphore_mem>>
      %dma_start3A = tpu.memref_slice %arg2[%mul3A_7] : memref<65536xi32, #tpu.memory_space<hbm>> -> memref<4096xi32, #tpu.memory_space<hbm>>
      %dma_start3A_247 = tpu.memref_slice %arg2[%mul3A_7] : memref<65536xi32, #tpu.memory_space<hbm>> -> memref<4096xi32, #tpu.memory_space<hbm>>
      tpu.enqueue_dma source(%dma_start3A_247 : memref<4096xi32, #tpu.memory_space<hbm>>) target(%arg7 : memref<4096xi32, #tpu.memory_space<vmem>>) target_semaphore(%run_scoped3A : memref<!tpu.dma_semaphore, #tpu.memory_space<semaphore_mem>>)
      %dma_wait3A = tpu.memref_slice %arg2[%mul3A_7] : memref<65536xi32, #tpu.memory_space<hbm>> -> memref<4096xi32, #tpu.memory_space<hbm>>
      %dma_wait3A_248 = tpu.memref_slice %arg2[%mul3A_7] : memref<65536xi32, #tpu.memory_space<hbm>> -> memref<4096xi32, #tpu.memory_space<hbm>>
      tpu.wait_dma2 semaphore(%run_scoped3A : memref<!tpu.dma_semaphore, #tpu.memory_space<semaphore_mem>>) src(%dma_wait3A_248 : memref<4096xi32, #tpu.memory_space<hbm>>) dst(%arg7 : memref<4096xi32, #tpu.memory_space<vmem>>)
      tpu.yield
    }) : () -> ()
    "tpu.region"() ({
      %run_scoped3A = tpu.sem_alloc : memref<!tpu.dma_semaphore, #tpu.memory_space<semaphore_mem>>
      %dma_start3A = tpu.memref_slice %arg3[%mul3A_7] : memref<65536xi32, #tpu.memory_space<hbm>> -> memref<4096xi32, #tpu.memory_space<hbm>>
      %dma_start3A_247 = tpu.memref_slice %arg3[%mul3A_7] : memref<65536xi32, #tpu.memory_space<hbm>> -> memref<4096xi32, #tpu.memory_space<hbm>>
      tpu.enqueue_dma source(%dma_start3A_247 : memref<4096xi32, #tpu.memory_space<hbm>>) target(%arg8 : memref<4096xi32, #tpu.memory_space<vmem>>) target_semaphore(%run_scoped3A : memref<!tpu.dma_semaphore, #tpu.memory_space<semaphore_mem>>)
      %dma_wait3A = tpu.memref_slice %arg3[%mul3A_7] : memref<65536xi32, #tpu.memory_space<hbm>> -> memref<4096xi32, #tpu.memory_space<hbm>>
      %dma_wait3A_248 = tpu.memref_slice %arg3[%mul3A_7] : memref<65536xi32, #tpu.memory_space<hbm>> -> memref<4096xi32, #tpu.memory_space<hbm>>
      tpu.wait_dma2 semaphore(%run_scoped3A : memref<!tpu.dma_semaphore, #tpu.memory_space<semaphore_mem>>) src(%dma_wait3A_248 : memref<4096xi32, #tpu.memory_space<hbm>>) dst(%arg8 : memref<4096xi32, #tpu.memory_space<vmem>>)
      tpu.yield
    }) : () -> ()
    %mul3A_8 = arith.constant 2 : i32
    %mul3A_9 = arith.muli %arg0, %mul3A_8 : i32
    %add3A = arith.constant 0 : i32
    %add3A_10 = arith.addi %mul3A_9, %add3A : i32
    %mul3A_11 = arith.constant 512 : i32
    %mul3A_12 = arith.muli %add3A_10, %mul3A_11 : i32
    %mul3A_13 = arith.constant 65664 : i32
    %mul3A_14 = arith.muli %arg1, %mul3A_13 : i32
    %mul3A_15 = arith.constant 65664 : i32
    %mul3A_16 = arith.muli %arg1, %mul3A_15 : i32
    "tpu.region"() ({
      %run_scoped3A = tpu.sem_alloc : memref<!tpu.dma_semaphore, #tpu.memory_space<semaphore_mem>>
      %dma_start3A = tpu.memref_slice %arg6[%mul3A_16] : memref<1050624xf32, #tpu.memory_space<vmem_shared>> -> memref<65664xf32, #tpu.memory_space<vmem_shared>>
      %dma_start3A_247 = tpu.memref_slice %arg4[%mul3A_14] : memref<1050624xf32, #tpu.memory_space<hbm>> -> memref<65664xf32, #tpu.memory_space<hbm>>
      tpu.enqueue_dma source(%dma_start3A_247 : memref<65664xf32, #tpu.memory_space<hbm>>) target(%dma_start3A : memref<65664xf32, #tpu.memory_space<vmem_shared>>) target_semaphore(%run_scoped3A : memref<!tpu.dma_semaphore, #tpu.memory_space<semaphore_mem>>)
      %dma_wait3A = tpu.memref_slice %arg6[%mul3A_16] : memref<1050624xf32, #tpu.memory_space<vmem_shared>> -> memref<65664xf32, #tpu.memory_space<vmem_shared>>
      %dma_wait3A_248 = tpu.memref_slice %arg4[%mul3A_14] : memref<1050624xf32, #tpu.memory_space<hbm>> -> memref<65664xf32, #tpu.memory_space<hbm>>
      tpu.wait_dma2 semaphore(%run_scoped3A : memref<!tpu.dma_semaphore, #tpu.memory_space<semaphore_mem>>) src(%dma_wait3A_248 : memref<65664xf32, #tpu.memory_space<hbm>>) dst(%dma_wait3A : memref<65664xf32, #tpu.memory_space<vmem_shared>>)
      tpu.yield
    }) : () -> ()
    %barrier3A = arith.constant 0 : index
    tpu.barrier barrier_id(%barrier3A)
    %scan3A_17 = arith.constant 0 : i32
    %scan3A_18 = arith.constant 0 : i32
    %scan3A_19 = arith.constant 256 : i32
    %scan3A_20 = arith.addi %scan3A_18, %scan3A_19 : i32
    %scan3A_21 = arith.constant 1 : i32
    %scan3A_22 = scf.for %scan3A_247 = %scan3A_18 to %scan3A_20 step %scan3A_21 iter_args(%scan3A_248 = %scan3A_17) -> (i32)  : i32 {
      %mul3A_249 = arith.constant 16 : i32
      %mul3A_250 = arith.muli %scan3A_247, %mul3A_249 : i32
      %get3A = arith.index_cast %mul3A_250 : i32 to index
      %get3A_251 = tpu.vector_load %arg7[%get3A] {strides = array<i32>} : memref<4096xi32, #tpu.memory_space<vmem>>, vector<16xi32>,
      %mul3A_252 = arith.constant 16 : i32
      %mul3A_253 = arith.muli %scan3A_247, %mul3A_252 : i32
      %get3A_254 = arith.index_cast %mul3A_253 : i32 to index
      %get3A_255 = tpu.vector_load %arg8[%get3A_254] {strides = array<i32>} : memref<4096xi32, #tpu.memory_space<vmem>>, vector<16xi32>,
      %ge3A = vector.broadcast %mul3A_12 : i32 to vector<16xi32>
      %ge3A_256 = arith.cmpi sge, %get3A_251, %ge3A : vector<16xi32>
      %add3A_257 = arith.constant 512 : i32
      %add3A_258 = arith.addi %mul3A_12, %add3A_257 : i32
      %lt3A = vector.broadcast %add3A_258 : i32 to vector<16xi32>
      %lt3A_259 = arith.cmpi slt, %get3A_251, %lt3A : vector<16xi32>
      %and3A = arith.andi %ge3A_256, %lt3A_259 : vector<16xi1>
      %sub3A = vector.broadcast %mul3A_12 : i32 to vector<16xi32>
      %sub3A_260 = arith.subi %get3A_251, %sub3A : vector<16xi32>
      %mul3A_261 = arith.constant 2048 : i32
      %mul3A_262 = vector.broadcast %mul3A_261 : i32 to vector<16xi32>
      %mul3A_263 = arith.muli %sub3A_260, %mul3A_262 : vector<16xi32>
      %add3A_264 = arith.addi %mul3A_263, %get3A_255 : vector<16xi32>
      %jit3A = arith.constant 1048576 : i32
      %broadcast_in_dim3A_265 = vector.broadcast %jit3A : i32 to vector<16xi32>
      %select_n3A = arith.select %and3A, %add3A_264, %broadcast_in_dim3A_265 : vector<16xi1>, vector<16xi32>
      %mul3A_266 = arith.constant 16 : i32
      %mul3A_267 = arith.muli %scan3A_247, %mul3A_266 : i32
      %swap3A = arith.index_cast %mul3A_267 : i32 to index
      %swap3A_268 = tpu.vector_load %arg9[%swap3A] {strides = array<i32>} : memref<4096xi32, #tpu.memory_space<vmem>>, vector<16xi32>,
      tpu.vector_store %arg9[%swap3A], %select_n3A {strides = array<i32>} : memref<4096xi32, #tpu.memory_space<vmem>>, vector<16xi32>,
      %scan3A_269 = arith.constant 0 : i32
      scf.yield %scan3A_269 : i32
    }
    %scan3A_23 = arith.constant 256 : i32
    %eq3A = arith.constant 0 : i32
    %eq3A_24 = arith.cmpi eq, %arg1, %eq3A : i32
    %convert_element_type3A = arith.extui %eq3A_24 : i1 to i32
    %cond3A = arith.constant 0 : i32
    %cond3A_25 = arith.cmpi ne, %convert_element_type3A, %cond3A : i32
    scf.if %cond3A_25 {
      "tpu.region"() ({
        %run_scoped3A = tpu.sem_alloc : memref<!tpu.dma_semaphore, #tpu.memory_space<semaphore_mem>>
        %dma_start3A = arith.constant 0 : i32
        %dma_start3A_247 = tpu.memref_slice %arg6[%dma_start3A] : memref<1050624xf32, #tpu.memory_space<vmem_shared>> -> memref<1050624xf32, #tpu.memory_space<vmem_shared>>
        tpu.enqueue_indirect_dma source(%arg10 : memref<4096xf32, #tpu.memory_space<vmem>>) target(%dma_start3A_247 : memref<1050624xf32, #tpu.memory_space<vmem_shared>>) offsets(%arg9 : memref<4096xi32, #tpu.memory_space<vmem>>) semaphore(%run_scoped3A : memref<!tpu.dma_semaphore, #tpu.memory_space<semaphore_mem>>) {add = true}
        %dma_wait3A = arith.constant 0 : i32
        %dma_wait3A_248 = tpu.memref_slice %arg6[%dma_wait3A] : memref<1050624xf32, #tpu.memory_space<vmem_shared>> -> memref<1050624xf32, #tpu.memory_space<vmem_shared>>
        tpu.wait_indirect_dma semaphore(%run_scoped3A : memref<!tpu.dma_semaphore, #tpu.memory_space<semaphore_mem>>) src(%arg10 : memref<4096xf32, #tpu.memory_space<vmem>>) dst(%dma_wait3A_248 : memref<1050624xf32, #tpu.memory_space<vmem_shared>>)
        tpu.yield
      }) : () -> ()
    } else {
    }
    %barrier3A_26 = arith.constant 0 : index
    tpu.barrier barrier_id(%barrier3A_26)
    %eq3A_27 = arith.constant 1 : i32
    %eq3A_28 = arith.cmpi eq, %arg1, %eq3A_27 : i32
    %convert_element_type3A_29 = arith.extui %eq3A_28 : i1 to i32
    %cond3A_30 = arith.constant 0 : i32
    %cond3A_31 = arith.cmpi ne, %convert_element_type3A_29, %cond3A_30 : i32
    scf.if %cond3A_31 {
      "tpu.region"() ({
        %run_scoped3A = tpu.sem_alloc : memref<!tpu.dma_semaphore, #tpu.memory_space<semaphore_mem>>
        %dma_start3A = arith.constant 0 : i32
        %dma_start3A_247 = tpu.memref_slice %arg6[%dma_start3A] : memref<1050624xf32, #tpu.memory_space<vmem_shared>> -> memref<1050624xf32, #tpu.memory_space<vmem_shared>>
        tpu.enqueue_indirect_dma source(%arg10 : memref<4096xf32, #tpu.memory_space<vmem>>) target(%dma_start3A_247 : memref<1050624xf32, #tpu.memory_space<vmem_shared>>) offsets(%arg9 : memref<4096xi32, #tpu.memory_space<vmem>>) semaphore(%run_scoped3A : memref<!tpu.dma_semaphore, #tpu.memory_space<semaphore_mem>>) {add = true}
        %dma_wait3A = arith.constant 0 : i32
        %dma_wait3A_248 = tpu.memref_slice %arg6[%dma_wait3A] : memref<1050624xf32, #tpu.memory_space<vmem_shared>> -> memref<1050624xf32, #tpu.memory_space<vmem_shared>>
        tpu.wait_indirect_dma semaphore(%run_scoped3A : memref<!tpu.dma_semaphore, #tpu.memory_space<semaphore_mem>>) src(%arg10 : memref<4096xf32, #tpu.memory_space<vmem>>) dst(%dma_wait3A_248 : memref<1050624xf32, #tpu.memory_space<vmem_shared>>)
        tpu.yield
      }) : () -> ()
    } else {
    }
    %barrier3A_32 = arith.constant 0 : index
    tpu.barrier barrier_id(%barrier3A_32)
    %eq3A_33 = arith.constant 2 : i32
    %eq3A_34 = arith.cmpi eq, %arg1, %eq3A_33 : i32
    %convert_element_type3A_35 = arith.extui %eq3A_34 : i1 to i32
    %cond3A_36 = arith.constant 0 : i32
    %cond3A_37 = arith.cmpi ne, %convert_element_type3A_35, %cond3A_36 : i32
    scf.if %cond3A_37 {
      "tpu.region"() ({
        %run_scoped3A = tpu.sem_alloc : memref<!tpu.dma_semaphore, #tpu.memory_space<semaphore_mem>>
        %dma_start3A = arith.constant 0 : i32
        %dma_start3A_247 = tpu.memref_slice %arg6[%dma_start3A] : memref<1050624xf32, #tpu.memory_space<vmem_shared>> -> memref<1050624xf32, #tpu.memory_space<vmem_shared>>
        tpu.enqueue_indirect_dma source(%arg10 : memref<4096xf32, #tpu.memory_space<vmem>>) target(%dma_start3A_247 : memref<1050624xf32, #tpu.memory_space<vmem_shared>>) offsets(%arg9 : memref<4096xi32, #tpu.memory_space<vmem>>) semaphore(%run_scoped3A : memref<!tpu.dma_semaphore, #tpu.memory_space<semaphore_mem>>) {add = true}
        %dma_wait3A = arith.constant 0 : i32
        %dma_wait3A_248 = tpu.memref_slice %arg6[%dma_wait3A] : memref<1050624xf32, #tpu.memory_space<vmem_shared>> -> memref<1050624xf32, #tpu.memory_space<vmem_shared>>
        tpu.wait_indirect_dma semaphore(%run_scoped3A : memref<!tpu.dma_semaphore, #tpu.memory_space<semaphore_mem>>) src(%arg10 : memref<4096xf32, #tpu.memory_space<vmem>>) dst(%dma_wait3A_248 : memref<1050624xf32, #tpu.memory_space<vmem_shared>>)
        tpu.yield
      }) : () -> ()
    } else {
    }
    %barrier3A_38 = arith.constant 0 : index
    tpu.barrier barrier_id(%barrier3A_38)
    %eq3A_39 = arith.constant 3 : i32
    %eq3A_40 = arith.cmpi eq, %arg1, %eq3A_39 : i32
    %convert_element_type3A_41 = arith.extui %eq3A_40 : i1 to i32
    %cond3A_42 = arith.constant 0 : i32
    %cond3A_43 = arith.cmpi ne, %convert_element_type3A_41, %cond3A_42 : i32
    scf.if %cond3A_43 {
      "tpu.region"() ({
        %run_scoped3A = tpu.sem_alloc : memref<!tpu.dma_semaphore, #tpu.memory_space<semaphore_mem>>
        %dma_start3A = arith.constant 0 : i32
        %dma_start3A_247 = tpu.memref_slice %arg6[%dma_start3A] : memref<1050624xf32, #tpu.memory_space<vmem_shared>> -> memref<1050624xf32, #tpu.memory_space<vmem_shared>>
        tpu.enqueue_indirect_dma source(%arg10 : memref<4096xf32, #tpu.memory_space<vmem>>) target(%dma_start3A_247 : memref<1050624xf32, #tpu.memory_space<vmem_shared>>) offsets(%arg9 : memref<4096xi32, #tpu.memory_space<vmem>>) semaphore(%run_scoped3A : memref<!tpu.dma_semaphore, #tpu.memory_space<semaphore_mem>>) {add = true}
        %dma_wait3A = arith.constant 0 : i32
        %dma_wait3A_248 = tpu.memref_slice %arg6[%dma_wait3A] : memref<1050624xf32, #tpu.memory_space<vmem_shared>> -> memref<1050624xf32, #tpu.memory_space<vmem_shared>>
        tpu.wait_indirect_dma semaphore(%run_scoped3A : memref<!tpu.dma_semaphore, #tpu.memory_space<semaphore_mem>>) src(%arg10 : memref<4096xf32, #tpu.memory_space<vmem>>) dst(%dma_wait3A_248 : memref<1050624xf32, #tpu.memory_space<vmem_shared>>)
        tpu.yield
      }) : () -> ()
    } else {
    }
    %barrier3A_44 = arith.constant 0 : index
    tpu.barrier barrier_id(%barrier3A_44)
    %eq3A_45 = arith.constant 4 : i32
    %eq3A_46 = arith.cmpi eq, %arg1, %eq3A_45 : i32
    %convert_element_type3A_47 = arith.extui %eq3A_46 : i1 to i32
    %cond3A_48 = arith.constant 0 : i32
    %cond3A_49 = arith.cmpi ne, %convert_element_type3A_47, %cond3A_48 : i32
    scf.if %cond3A_49 {
      "tpu.region"() ({
        %run_scoped3A = tpu.sem_alloc : memref<!tpu.dma_semaphore, #tpu.memory_space<semaphore_mem>>
        %dma_start3A = arith.constant 0 : i32
        %dma_start3A_247 = tpu.memref_slice %arg6[%dma_start3A] : memref<1050624xf32, #tpu.memory_space<vmem_shared>> -> memref<1050624xf32, #tpu.memory_space<vmem_shared>>
        tpu.enqueue_indirect_dma source(%arg10 : memref<4096xf32, #tpu.memory_space<vmem>>) target(%dma_start3A_247 : memref<1050624xf32, #tpu.memory_space<vmem_shared>>) offsets(%arg9 : memref<4096xi32, #tpu.memory_space<vmem>>) semaphore(%run_scoped3A : memref<!tpu.dma_semaphore, #tpu.memory_space<semaphore_mem>>) {add = true}
        %dma_wait3A = arith.constant 0 : i32
        %dma_wait3A_248 = tpu.memref_slice %arg6[%dma_wait3A] : memref<1050624xf32, #tpu.memory_space<vmem_shared>> -> memref<1050624xf32, #tpu.memory_space<vmem_shared>>
        tpu.wait_indirect_dma semaphore(%run_scoped3A : memref<!tpu.dma_semaphore, #tpu.memory_space<semaphore_mem>>) src(%arg10 : memref<4096xf32, #tpu.memory_space<vmem>>) dst(%dma_wait3A_248 : memref<1050624xf32, #tpu.memory_space<vmem_shared>>)
        tpu.yield
      }) : () -> ()
    } else {
    }
    %barrier3A_50 = arith.constant 0 : index
    tpu.barrier barrier_id(%barrier3A_50)
    %eq3A_51 = arith.constant 5 : i32
    %eq3A_52 = arith.cmpi eq, %arg1, %eq3A_51 : i32
    %convert_element_type3A_53 = arith.extui %eq3A_52 : i1 to i32
    %cond3A_54 = arith.constant 0 : i32
    %cond3A_55 = arith.cmpi ne, %convert_element_type3A_53, %cond3A_54 : i32
    scf.if %cond3A_55 {
      "tpu.region"() ({
        %run_scoped3A = tpu.sem_alloc : memref<!tpu.dma_semaphore, #tpu.memory_space<semaphore_mem>>
        %dma_start3A = arith.constant 0 : i32
        %dma_start3A_247 = tpu.memref_slice %arg6[%dma_start3A] : memref<1050624xf32, #tpu.memory_space<vmem_shared>> -> memref<1050624xf32, #tpu.memory_space<vmem_shared>>
        tpu.enqueue_indirect_dma source(%arg10 : memref<4096xf32, #tpu.memory_space<vmem>>) target(%dma_start3A_247 : memref<1050624xf32, #tpu.memory_space<vmem_shared>>) offsets(%arg9 : memref<4096xi32, #tpu.memory_space<vmem>>) semaphore(%run_scoped3A : memref<!tpu.dma_semaphore, #tpu.memory_space<semaphore_mem>>) {add = true}
        %dma_wait3A = arith.constant 0 : i32
        %dma_wait3A_248 = tpu.memref_slice %arg6[%dma_wait3A] : memref<1050624xf32, #tpu.memory_space<vmem_shared>> -> memref<1050624xf32, #tpu.memory_space<vmem_shared>>
        tpu.wait_indirect_dma semaphore(%run_scoped3A : memref<!tpu.dma_semaphore, #tpu.memory_space<semaphore_mem>>) src(%arg10 : memref<4096xf32, #tpu.memory_space<vmem>>) dst(%dma_wait3A_248 : memref<1050624xf32, #tpu.memory_space<vmem_shared>>)
        tpu.yield
      }) : () -> ()
    } else {
    }
    %barrier3A_56 = arith.constant 0 : index
    tpu.barrier barrier_id(%barrier3A_56)
    %eq3A_57 = arith.constant 6 : i32
    %eq3A_58 = arith.cmpi eq, %arg1, %eq3A_57 : i32
    %convert_element_type3A_59 = arith.extui %eq3A_58 : i1 to i32
    %cond3A_60 = arith.constant 0 : i32
    %cond3A_61 = arith.cmpi ne, %convert_element_type3A_59, %cond3A_60 : i32
    scf.if %cond3A_61 {
      "tpu.region"() ({
        %run_scoped3A = tpu.sem_alloc : memref<!tpu.dma_semaphore, #tpu.memory_space<semaphore_mem>>
        %dma_start3A = arith.constant 0 : i32
        %dma_start3A_247 = tpu.memref_slice %arg6[%dma_start3A] : memref<1050624xf32, #tpu.memory_space<vmem_shared>> -> memref<1050624xf32, #tpu.memory_space<vmem_shared>>
        tpu.enqueue_indirect_dma source(%arg10 : memref<4096xf32, #tpu.memory_space<vmem>>) target(%dma_start3A_247 : memref<1050624xf32, #tpu.memory_space<vmem_shared>>) offsets(%arg9 : memref<4096xi32, #tpu.memory_space<vmem>>) semaphore(%run_scoped3A : memref<!tpu.dma_semaphore, #tpu.memory_space<semaphore_mem>>) {add = true}
        %dma_wait3A = arith.constant 0 : i32
        %dma_wait3A_248 = tpu.memref_slice %arg6[%dma_wait3A] : memref<1050624xf32, #tpu.memory_space<vmem_shared>> -> memref<1050624xf32, #tpu.memory_space<vmem_shared>>
        tpu.wait_indirect_dma semaphore(%run_scoped3A : memref<!tpu.dma_semaphore, #tpu.memory_space<semaphore_mem>>) src(%arg10 : memref<4096xf32, #tpu.memory_space<vmem>>) dst(%dma_wait3A_248 : memref<1050624xf32, #tpu.memory_space<vmem_shared>>)
        tpu.yield
      }) : () -> ()
    } else {
    }
    %barrier3A_62 = arith.constant 0 : index
    tpu.barrier barrier_id(%barrier3A_62)
    %eq3A_63 = arith.constant 7 : i32
    %eq3A_64 = arith.cmpi eq, %arg1, %eq3A_63 : i32
    %convert_element_type3A_65 = arith.extui %eq3A_64 : i1 to i32
    %cond3A_66 = arith.constant 0 : i32
    %cond3A_67 = arith.cmpi ne, %convert_element_type3A_65, %cond3A_66 : i32
    scf.if %cond3A_67 {
      "tpu.region"() ({
        %run_scoped3A = tpu.sem_alloc : memref<!tpu.dma_semaphore, #tpu.memory_space<semaphore_mem>>
        %dma_start3A = arith.constant 0 : i32
        %dma_start3A_247 = tpu.memref_slice %arg6[%dma_start3A] : memref<1050624xf32, #tpu.memory_space<vmem_shared>> -> memref<1050624xf32, #tpu.memory_space<vmem_shared>>
        tpu.enqueue_indirect_dma source(%arg10 : memref<4096xf32, #tpu.memory_space<vmem>>) target(%dma_start3A_247 : memref<1050624xf32, #tpu.memory_space<vmem_shared>>) offsets(%arg9 : memref<4096xi32, #tpu.memory_space<vmem>>) semaphore(%run_scoped3A : memref<!tpu.dma_semaphore, #tpu.memory_space<semaphore_mem>>) {add = true}
        %dma_wait3A = arith.constant 0 : i32
        %dma_wait3A_248 = tpu.memref_slice %arg6[%dma_wait3A] : memref<1050624xf32, #tpu.memory_space<vmem_shared>> -> memref<1050624xf32, #tpu.memory_space<vmem_shared>>
        tpu.wait_indirect_dma semaphore(%run_scoped3A : memref<!tpu.dma_semaphore, #tpu.memory_space<semaphore_mem>>) src(%arg10 : memref<4096xf32, #tpu.memory_space<vmem>>) dst(%dma_wait3A_248 : memref<1050624xf32, #tpu.memory_space<vmem_shared>>)
        tpu.yield
      }) : () -> ()
    } else {
    }
    %barrier3A_68 = arith.constant 0 : index
    tpu.barrier barrier_id(%barrier3A_68)
    %eq3A_69 = arith.constant 8 : i32
    %eq3A_70 = arith.cmpi eq, %arg1, %eq3A_69 : i32
    %convert_element_type3A_71 = arith.extui %eq3A_70 : i1 to i32
    %cond3A_72 = arith.constant 0 : i32
    %cond3A_73 = arith.cmpi ne, %convert_element_type3A_71, %cond3A_72 : i32
    scf.if %cond3A_73 {
      "tpu.region"() ({
        %run_scoped3A = tpu.sem_alloc : memref<!tpu.dma_semaphore, #tpu.memory_space<semaphore_mem>>
        %dma_start3A = arith.constant 0 : i32
        %dma_start3A_247 = tpu.memref_slice %arg6[%dma_start3A] : memref<1050624xf32, #tpu.memory_space<vmem_shared>> -> memref<1050624xf32, #tpu.memory_space<vmem_shared>>
        tpu.enqueue_indirect_dma source(%arg10 : memref<4096xf32, #tpu.memory_space<vmem>>) target(%dma_start3A_247 : memref<1050624xf32, #tpu.memory_space<vmem_shared>>) offsets(%arg9 : memref<4096xi32, #tpu.memory_space<vmem>>) semaphore(%run_scoped3A : memref<!tpu.dma_semaphore, #tpu.memory_space<semaphore_mem>>) {add = true}
        %dma_wait3A = arith.constant 0 : i32
        %dma_wait3A_248 = tpu.memref_slice %arg6[%dma_wait3A] : memref<1050624xf32, #tpu.memory_space<vmem_shared>> -> memref<1050624xf32, #tpu.memory_space<vmem_shared>>
        tpu.wait_indirect_dma semaphore(%run_scoped3A : memref<!tpu.dma_semaphore, #tpu.memory_space<semaphore_mem>>) src(%arg10 : memref<4096xf32, #tpu.memory_space<vmem>>) dst(%dma_wait3A_248 : memref<1050624xf32, #tpu.memory_space<vmem_shared>>)
        tpu.yield
      }) : () -> ()
    } else {
    }
    %barrier3A_74 = arith.constant 0 : index
    tpu.barrier barrier_id(%barrier3A_74)
    %eq3A_75 = arith.constant 9 : i32
    %eq3A_76 = arith.cmpi eq, %arg1, %eq3A_75 : i32
    %convert_element_type3A_77 = arith.extui %eq3A_76 : i1 to i32
    %cond3A_78 = arith.constant 0 : i32
    %cond3A_79 = arith.cmpi ne, %convert_element_type3A_77, %cond3A_78 : i32
    scf.if %cond3A_79 {
      "tpu.region"() ({
        %run_scoped3A = tpu.sem_alloc : memref<!tpu.dma_semaphore, #tpu.memory_space<semaphore_mem>>
        %dma_start3A = arith.constant 0 : i32
        %dma_start3A_247 = tpu.memref_slice %arg6[%dma_start3A] : memref<1050624xf32, #tpu.memory_space<vmem_shared>> -> memref<1050624xf32, #tpu.memory_space<vmem_shared>>
        tpu.enqueue_indirect_dma source(%arg10 : memref<4096xf32, #tpu.memory_space<vmem>>) target(%dma_start3A_247 : memref<1050624xf32, #tpu.memory_space<vmem_shared>>) offsets(%arg9 : memref<4096xi32, #tpu.memory_space<vmem>>) semaphore(%run_scoped3A : memref<!tpu.dma_semaphore, #tpu.memory_space<semaphore_mem>>) {add = true}
        %dma_wait3A = arith.constant 0 : i32
        %dma_wait3A_248 = tpu.memref_slice %arg6[%dma_wait3A] : memref<1050624xf32, #tpu.memory_space<vmem_shared>> -> memref<1050624xf32, #tpu.memory_space<vmem_shared>>
        tpu.wait_indirect_dma semaphore(%run_scoped3A : memref<!tpu.dma_semaphore, #tpu.memory_space<semaphore_mem>>) src(%arg10 : memref<4096xf32, #tpu.memory_space<vmem>>) dst(%dma_wait3A_248 : memref<1050624xf32, #tpu.memory_space<vmem_shared>>)
        tpu.yield
      }) : () -> ()
    } else {
    }
    %barrier3A_80 = arith.constant 0 : index
    tpu.barrier barrier_id(%barrier3A_80)
    %eq3A_81 = arith.constant 10 : i32
    %eq3A_82 = arith.cmpi eq, %arg1, %eq3A_81 : i32
    %convert_element_type3A_83 = arith.extui %eq3A_82 : i1 to i32
    %cond3A_84 = arith.constant 0 : i32
    %cond3A_85 = arith.cmpi ne, %convert_element_type3A_83, %cond3A_84 : i32
    scf.if %cond3A_85 {
      "tpu.region"() ({
        %run_scoped3A = tpu.sem_alloc : memref<!tpu.dma_semaphore, #tpu.memory_space<semaphore_mem>>
        %dma_start3A = arith.constant 0 : i32
        %dma_start3A_247 = tpu.memref_slice %arg6[%dma_start3A] : memref<1050624xf32, #tpu.memory_space<vmem_shared>> -> memref<1050624xf32, #tpu.memory_space<vmem_shared>>
        tpu.enqueue_indirect_dma source(%arg10 : memref<4096xf32, #tpu.memory_space<vmem>>) target(%dma_start3A_247 : memref<1050624xf32, #tpu.memory_space<vmem_shared>>) offsets(%arg9 : memref<4096xi32, #tpu.memory_space<vmem>>) semaphore(%run_scoped3A : memref<!tpu.dma_semaphore, #tpu.memory_space<semaphore_mem>>) {add = true}
        %dma_wait3A = arith.constant 0 : i32
        %dma_wait3A_248 = tpu.memref_slice %arg6[%dma_wait3A] : memref<1050624xf32, #tpu.memory_space<vmem_shared>> -> memref<1050624xf32, #tpu.memory_space<vmem_shared>>
        tpu.wait_indirect_dma semaphore(%run_scoped3A : memref<!tpu.dma_semaphore, #tpu.memory_space<semaphore_mem>>) src(%arg10 : memref<4096xf32, #tpu.memory_space<vmem>>) dst(%dma_wait3A_248 : memref<1050624xf32, #tpu.memory_space<vmem_shared>>)
        tpu.yield
      }) : () -> ()
    } else {
    }
    %barrier3A_86 = arith.constant 0 : index
    tpu.barrier barrier_id(%barrier3A_86)
    %eq3A_87 = arith.constant 11 : i32
    %eq3A_88 = arith.cmpi eq, %arg1, %eq3A_87 : i32
    %convert_element_type3A_89 = arith.extui %eq3A_88 : i1 to i32
    %cond3A_90 = arith.constant 0 : i32
    %cond3A_91 = arith.cmpi ne, %convert_element_type3A_89, %cond3A_90 : i32
    scf.if %cond3A_91 {
      "tpu.region"() ({
        %run_scoped3A = tpu.sem_alloc : memref<!tpu.dma_semaphore, #tpu.memory_space<semaphore_mem>>
        %dma_start3A = arith.constant 0 : i32
        %dma_start3A_247 = tpu.memref_slice %arg6[%dma_start3A] : memref<1050624xf32, #tpu.memory_space<vmem_shared>> -> memref<1050624xf32, #tpu.memory_space<vmem_shared>>
        tpu.enqueue_indirect_dma source(%arg10 : memref<4096xf32, #tpu.memory_space<vmem>>) target(%dma_start3A_247 : memref<1050624xf32, #tpu.memory_space<vmem_shared>>) offsets(%arg9 : memref<4096xi32, #tpu.memory_space<vmem>>) semaphore(%run_scoped3A : memref<!tpu.dma_semaphore, #tpu.memory_space<semaphore_mem>>) {add = true}
        %dma_wait3A = arith.constant 0 : i32
        %dma_wait3A_248 = tpu.memref_slice %arg6[%dma_wait3A] : memref<1050624xf32, #tpu.memory_space<vmem_shared>> -> memref<1050624xf32, #tpu.memory_space<vmem_shared>>
        tpu.wait_indirect_dma semaphore(%run_scoped3A : memref<!tpu.dma_semaphore, #tpu.memory_space<semaphore_mem>>) src(%arg10 : memref<4096xf32, #tpu.memory_space<vmem>>) dst(%dma_wait3A_248 : memref<1050624xf32, #tpu.memory_space<vmem_shared>>)
        tpu.yield
      }) : () -> ()
    } else {
    }
    %barrier3A_92 = arith.constant 0 : index
    tpu.barrier barrier_id(%barrier3A_92)
    %eq3A_93 = arith.constant 12 : i32
    %eq3A_94 = arith.cmpi eq, %arg1, %eq3A_93 : i32
    %convert_element_type3A_95 = arith.extui %eq3A_94 : i1 to i32
    %cond3A_96 = arith.constant 0 : i32
    %cond3A_97 = arith.cmpi ne, %convert_element_type3A_95, %cond3A_96 : i32
    scf.if %cond3A_97 {
      "tpu.region"() ({
        %run_scoped3A = tpu.sem_alloc : memref<!tpu.dma_semaphore, #tpu.memory_space<semaphore_mem>>
        %dma_start3A = arith.constant 0 : i32
        %dma_start3A_247 = tpu.memref_slice %arg6[%dma_start3A] : memref<1050624xf32, #tpu.memory_space<vmem_shared>> -> memref<1050624xf32, #tpu.memory_space<vmem_shared>>
        tpu.enqueue_indirect_dma source(%arg10 : memref<4096xf32, #tpu.memory_space<vmem>>) target(%dma_start3A_247 : memref<1050624xf32, #tpu.memory_space<vmem_shared>>) offsets(%arg9 : memref<4096xi32, #tpu.memory_space<vmem>>) semaphore(%run_scoped3A : memref<!tpu.dma_semaphore, #tpu.memory_space<semaphore_mem>>) {add = true}
        %dma_wait3A = arith.constant 0 : i32
        %dma_wait3A_248 = tpu.memref_slice %arg6[%dma_wait3A] : memref<1050624xf32, #tpu.memory_space<vmem_shared>> -> memref<1050624xf32, #tpu.memory_space<vmem_shared>>
        tpu.wait_indirect_dma semaphore(%run_scoped3A : memref<!tpu.dma_semaphore, #tpu.memory_space<semaphore_mem>>) src(%arg10 : memref<4096xf32, #tpu.memory_space<vmem>>) dst(%dma_wait3A_248 : memref<1050624xf32, #tpu.memory_space<vmem_shared>>)
        tpu.yield
      }) : () -> ()
    } else {
    }
    %barrier3A_98 = arith.constant 0 : index
    tpu.barrier barrier_id(%barrier3A_98)
    %eq3A_99 = arith.constant 13 : i32
    %eq3A_100 = arith.cmpi eq, %arg1, %eq3A_99 : i32
    %convert_element_type3A_101 = arith.extui %eq3A_100 : i1 to i32
    %cond3A_102 = arith.constant 0 : i32
    %cond3A_103 = arith.cmpi ne, %convert_element_type3A_101, %cond3A_102 : i32
    scf.if %cond3A_103 {
      "tpu.region"() ({
        %run_scoped3A = tpu.sem_alloc : memref<!tpu.dma_semaphore, #tpu.memory_space<semaphore_mem>>
        %dma_start3A = arith.constant 0 : i32
        %dma_start3A_247 = tpu.memref_slice %arg6[%dma_start3A] : memref<1050624xf32, #tpu.memory_space<vmem_shared>> -> memref<1050624xf32, #tpu.memory_space<vmem_shared>>
        tpu.enqueue_indirect_dma source(%arg10 : memref<4096xf32, #tpu.memory_space<vmem>>) target(%dma_start3A_247 : memref<1050624xf32, #tpu.memory_space<vmem_shared>>) offsets(%arg9 : memref<4096xi32, #tpu.memory_space<vmem>>) semaphore(%run_scoped3A : memref<!tpu.dma_semaphore, #tpu.memory_space<semaphore_mem>>) {add = true}
        %dma_wait3A = arith.constant 0 : i32
        %dma_wait3A_248 = tpu.memref_slice %arg6[%dma_wait3A] : memref<1050624xf32, #tpu.memory_space<vmem_shared>> -> memref<1050624xf32, #tpu.memory_space<vmem_shared>>
        tpu.wait_indirect_dma semaphore(%run_scoped3A : memref<!tpu.dma_semaphore, #tpu.memory_space<semaphore_mem>>) src(%arg10 : memref<4096xf32, #tpu.memory_space<vmem>>) dst(%dma_wait3A_248 : memref<1050624xf32, #tpu.memory_space<vmem_shared>>)
        tpu.yield
      }) : () -> ()
    } else {
    }
    %barrier3A_104 = arith.constant 0 : index
    tpu.barrier barrier_id(%barrier3A_104)
    %eq3A_105 = arith.constant 14 : i32
    %eq3A_106 = arith.cmpi eq, %arg1, %eq3A_105 : i32
    %convert_element_type3A_107 = arith.extui %eq3A_106 : i1 to i32
    %cond3A_108 = arith.constant 0 : i32
    %cond3A_109 = arith.cmpi ne, %convert_element_type3A_107, %cond3A_108 : i32
    scf.if %cond3A_109 {
      "tpu.region"() ({
        %run_scoped3A = tpu.sem_alloc : memref<!tpu.dma_semaphore, #tpu.memory_space<semaphore_mem>>
        %dma_start3A = arith.constant 0 : i32
        %dma_start3A_247 = tpu.memref_slice %arg6[%dma_start3A] : memref<1050624xf32, #tpu.memory_space<vmem_shared>> -> memref<1050624xf32, #tpu.memory_space<vmem_shared>>
        tpu.enqueue_indirect_dma source(%arg10 : memref<4096xf32, #tpu.memory_space<vmem>>) target(%dma_start3A_247 : memref<1050624xf32, #tpu.memory_space<vmem_shared>>) offsets(%arg9 : memref<4096xi32, #tpu.memory_space<vmem>>) semaphore(%run_scoped3A : memref<!tpu.dma_semaphore, #tpu.memory_space<semaphore_mem>>) {add = true}
        %dma_wait3A = arith.constant 0 : i32
        %dma_wait3A_248 = tpu.memref_slice %arg6[%dma_wait3A] : memref<1050624xf32, #tpu.memory_space<vmem_shared>> -> memref<1050624xf32, #tpu.memory_space<vmem_shared>>
        tpu.wait_indirect_dma semaphore(%run_scoped3A : memref<!tpu.dma_semaphore, #tpu.memory_space<semaphore_mem>>) src(%arg10 : memref<4096xf32, #tpu.memory_space<vmem>>) dst(%dma_wait3A_248 : memref<1050624xf32, #tpu.memory_space<vmem_shared>>)
        tpu.yield
      }) : () -> ()
    } else {
    }
    %barrier3A_110 = arith.constant 0 : index
    tpu.barrier barrier_id(%barrier3A_110)
    %eq3A_111 = arith.constant 15 : i32
    %eq3A_112 = arith.cmpi eq, %arg1, %eq3A_111 : i32
    %convert_element_type3A_113 = arith.extui %eq3A_112 : i1 to i32
    %cond3A_114 = arith.constant 0 : i32
    %cond3A_115 = arith.cmpi ne, %convert_element_type3A_113, %cond3A_114 : i32
    scf.if %cond3A_115 {
      "tpu.region"() ({
        %run_scoped3A = tpu.sem_alloc : memref<!tpu.dma_semaphore, #tpu.memory_space<semaphore_mem>>
        %dma_start3A = arith.constant 0 : i32
        %dma_start3A_247 = tpu.memref_slice %arg6[%dma_start3A] : memref<1050624xf32, #tpu.memory_space<vmem_shared>> -> memref<1050624xf32, #tpu.memory_space<vmem_shared>>
        tpu.enqueue_indirect_dma source(%arg10 : memref<4096xf32, #tpu.memory_space<vmem>>) target(%dma_start3A_247 : memref<1050624xf32, #tpu.memory_space<vmem_shared>>) offsets(%arg9 : memref<4096xi32, #tpu.memory_space<vmem>>) semaphore(%run_scoped3A : memref<!tpu.dma_semaphore, #tpu.memory_space<semaphore_mem>>) {add = true}
        %dma_wait3A = arith.constant 0 : i32
        %dma_wait3A_248 = tpu.memref_slice %arg6[%dma_wait3A] : memref<1050624xf32, #tpu.memory_space<vmem_shared>> -> memref<1050624xf32, #tpu.memory_space<vmem_shared>>
        tpu.wait_indirect_dma semaphore(%run_scoped3A : memref<!tpu.dma_semaphore, #tpu.memory_space<semaphore_mem>>) src(%arg10 : memref<4096xf32, #tpu.memory_space<vmem>>) dst(%dma_wait3A_248 : memref<1050624xf32, #tpu.memory_space<vmem_shared>>)
        tpu.yield
      }) : () -> ()
    } else {
    }
    %barrier3A_116 = arith.constant 0 : index
    tpu.barrier barrier_id(%barrier3A_116)
    %mul3A_117 = arith.constant 65536 : i32
    %mul3A_118 = arith.muli %arg1, %mul3A_117 : i32
    %mul3A_119 = arith.constant 2048 : i32
    %mul3A_120 = arith.muli %mul3A_12, %mul3A_119 : i32
    %mul3A_121 = arith.constant 65536 : i32
    %mul3A_122 = arith.muli %arg1, %mul3A_121 : i32
    %add3A_123 = arith.addi %mul3A_120, %mul3A_122 : i32
    "tpu.region"() ({
      %run_scoped3A = tpu.sem_alloc : memref<!tpu.dma_semaphore, #tpu.memory_space<semaphore_mem>>
      %dma_start3A = tpu.memref_slice %arg5[%add3A_123] : memref<4194304xf32, #tpu.memory_space<hbm>> -> memref<65536xf32, #tpu.memory_space<hbm>>
      %dma_start3A_247 = tpu.memref_slice %arg6[%mul3A_118] : memref<1050624xf32, #tpu.memory_space<vmem_shared>> -> memref<65536xf32, #tpu.memory_space<vmem_shared>>
      tpu.enqueue_dma source(%dma_start3A_247 : memref<65536xf32, #tpu.memory_space<vmem_shared>>) target(%dma_start3A : memref<65536xf32, #tpu.memory_space<hbm>>) target_semaphore(%run_scoped3A : memref<!tpu.dma_semaphore, #tpu.memory_space<semaphore_mem>>)
      %dma_wait3A = tpu.memref_slice %arg5[%add3A_123] : memref<4194304xf32, #tpu.memory_space<hbm>> -> memref<65536xf32, #tpu.memory_space<hbm>>
      %dma_wait3A_248 = tpu.memref_slice %arg6[%mul3A_118] : memref<1050624xf32, #tpu.memory_space<vmem_shared>> -> memref<65536xf32, #tpu.memory_space<vmem_shared>>
      tpu.wait_dma2 semaphore(%run_scoped3A : memref<!tpu.dma_semaphore, #tpu.memory_space<semaphore_mem>>) src(%dma_wait3A_248 : memref<65536xf32, #tpu.memory_space<vmem_shared>>) dst(%dma_wait3A : memref<65536xf32, #tpu.memory_space<hbm>>)
      tpu.yield
    }) : () -> ()
    %barrier3A_124 = arith.constant 0 : index
    tpu.barrier barrier_id(%barrier3A_124)
    %mul3A_125 = arith.constant 2 : i32
    %mul3A_126 = arith.muli %arg0, %mul3A_125 : i32
    %add3A_127 = arith.constant 1 : i32
    %add3A_128 = arith.addi %mul3A_126, %add3A_127 : i32
    %mul3A_129 = arith.constant 512 : i32
    %mul3A_130 = arith.muli %add3A_128, %mul3A_129 : i32
    %mul3A_131 = arith.constant 65664 : i32
    %mul3A_132 = arith.muli %arg1, %mul3A_131 : i32
    %mul3A_133 = arith.constant 65664 : i32
    %mul3A_134 = arith.muli %arg1, %mul3A_133 : i32
    "tpu.region"() ({
      %run_scoped3A = tpu.sem_alloc : memref<!tpu.dma_semaphore, #tpu.memory_space<semaphore_mem>>
      %dma_start3A = tpu.memref_slice %arg6[%mul3A_134] : memref<1050624xf32, #tpu.memory_space<vmem_shared>> -> memref<65664xf32, #tpu.memory_space<vmem_shared>>
      %dma_start3A_247 = tpu.memref_slice %arg4[%mul3A_132] : memref<1050624xf32, #tpu.memory_space<hbm>> -> memref<65664xf32, #tpu.memory_space<hbm>>
      tpu.enqueue_dma source(%dma_start3A_247 : memref<65664xf32, #tpu.memory_space<hbm>>) target(%dma_start3A : memref<65664xf32, #tpu.memory_space<vmem_shared>>) target_semaphore(%run_scoped3A : memref<!tpu.dma_semaphore, #tpu.memory_space<semaphore_mem>>)
      %dma_wait3A = tpu.memref_slice %arg6[%mul3A_134] : memref<1050624xf32, #tpu.memory_space<vmem_shared>> -> memref<65664xf32, #tpu.memory_space<vmem_shared>>
      %dma_wait3A_248 = tpu.memref_slice %arg4[%mul3A_132] : memref<1050624xf32, #tpu.memory_space<hbm>> -> memref<65664xf32, #tpu.memory_space<hbm>>
      tpu.wait_dma2 semaphore(%run_scoped3A : memref<!tpu.dma_semaphore, #tpu.memory_space<semaphore_mem>>) src(%dma_wait3A_248 : memref<65664xf32, #tpu.memory_space<hbm>>) dst(%dma_wait3A : memref<65664xf32, #tpu.memory_space<vmem_shared>>)
      tpu.yield
    }) : () -> ()
    %barrier3A_135 = arith.constant 0 : index
    tpu.barrier barrier_id(%barrier3A_135)
    %scan3A_136 = arith.constant 0 : i32
    %scan3A_137 = arith.constant 0 : i32
    %scan3A_138 = arith.constant 256 : i32
    %scan3A_139 = arith.addi %scan3A_137, %scan3A_138 : i32
    %scan3A_140 = arith.constant 1 : i32
    %scan3A_141 = scf.for %scan3A_247 = %scan3A_137 to %scan3A_139 step %scan3A_140 iter_args(%scan3A_248 = %scan3A_136) -> (i32)  : i32 {
      %mul3A_249 = arith.constant 16 : i32
      %mul3A_250 = arith.muli %scan3A_247, %mul3A_249 : i32
      %get3A = arith.index_cast %mul3A_250 : i32 to index
      %get3A_251 = tpu.vector_load %arg7[%get3A] {strides = array<i32>} : memref<4096xi32, #tpu.memory_space<vmem>>, vector<16xi32>,
      %mul3A_252 = arith.constant 16 : i32
      %mul3A_253 = arith.muli %scan3A_247, %mul3A_252 : i32
      %get3A_254 = arith.index_cast %mul3A_253 : i32 to index
      %get3A_255 = tpu.vector_load %arg8[%get3A_254] {strides = array<i32>} : memref<4096xi32, #tpu.memory_space<vmem>>, vector<16xi32>,
      %ge3A = vector.broadcast %mul3A_130 : i32 to vector<16xi32>
      %ge3A_256 = arith.cmpi sge, %get3A_251, %ge3A : vector<16xi32>
      %add3A_257 = arith.constant 512 : i32
      %add3A_258 = arith.addi %mul3A_130, %add3A_257 : i32
      %lt3A = vector.broadcast %add3A_258 : i32 to vector<16xi32>
      %lt3A_259 = arith.cmpi slt, %get3A_251, %lt3A : vector<16xi32>
      %and3A = arith.andi %ge3A_256, %lt3A_259 : vector<16xi1>
      %sub3A = vector.broadcast %mul3A_130 : i32 to vector<16xi32>
      %sub3A_260 = arith.subi %get3A_251, %sub3A : vector<16xi32>
      %mul3A_261 = arith.constant 2048 : i32
      %mul3A_262 = vector.broadcast %mul3A_261 : i32 to vector<16xi32>
      %mul3A_263 = arith.muli %sub3A_260, %mul3A_262 : vector<16xi32>
      %add3A_264 = arith.addi %mul3A_263, %get3A_255 : vector<16xi32>
      %jit3A = arith.constant 1048576 : i32
      %broadcast_in_dim3A_265 = vector.broadcast %jit3A : i32 to vector<16xi32>
      %select_n3A = arith.select %and3A, %add3A_264, %broadcast_in_dim3A_265 : vector<16xi1>, vector<16xi32>
      %mul3A_266 = arith.constant 16 : i32
      %mul3A_267 = arith.muli %scan3A_247, %mul3A_266 : i32
      %swap3A = arith.index_cast %mul3A_267 : i32 to index
      %swap3A_268 = tpu.vector_load %arg9[%swap3A] {strides = array<i32>} : memref<4096xi32, #tpu.memory_space<vmem>>, vector<16xi32>,
      tpu.vector_store %arg9[%swap3A], %select_n3A {strides = array<i32>} : memref<4096xi32, #tpu.memory_space<vmem>>, vector<16xi32>,
      %scan3A_269 = arith.constant 0 : i32
      scf.yield %scan3A_269 : i32
    }
    %scan3A_142 = arith.constant 256 : i32
    %eq3A_143 = arith.constant 0 : i32
    %eq3A_144 = arith.cmpi eq, %arg1, %eq3A_143 : i32
    %convert_element_type3A_145 = arith.extui %eq3A_144 : i1 to i32
    %cond3A_146 = arith.constant 0 : i32
    %cond3A_147 = arith.cmpi ne, %convert_element_type3A_145, %cond3A_146 : i32
    scf.if %cond3A_147 {
      "tpu.region"() ({
        %run_scoped3A = tpu.sem_alloc : memref<!tpu.dma_semaphore, #tpu.memory_space<semaphore_mem>>
        %dma_start3A = arith.constant 0 : i32
        %dma_start3A_247 = tpu.memref_slice %arg6[%dma_start3A] : memref<1050624xf32, #tpu.memory_space<vmem_shared>> -> memref<1050624xf32, #tpu.memory_space<vmem_shared>>
        tpu.enqueue_indirect_dma source(%arg10 : memref<4096xf32, #tpu.memory_space<vmem>>) target(%dma_start3A_247 : memref<1050624xf32, #tpu.memory_space<vmem_shared>>) offsets(%arg9 : memref<4096xi32, #tpu.memory_space<vmem>>) semaphore(%run_scoped3A : memref<!tpu.dma_semaphore, #tpu.memory_space<semaphore_mem>>) {add = true}
        %dma_wait3A = arith.constant 0 : i32
        %dma_wait3A_248 = tpu.memref_slice %arg6[%dma_wait3A] : memref<1050624xf32, #tpu.memory_space<vmem_shared>> -> memref<1050624xf32, #tpu.memory_space<vmem_shared>>
        tpu.wait_indirect_dma semaphore(%run_scoped3A : memref<!tpu.dma_semaphore, #tpu.memory_space<semaphore_mem>>) src(%arg10 : memref<4096xf32, #tpu.memory_space<vmem>>) dst(%dma_wait3A_248 : memref<1050624xf32, #tpu.memory_space<vmem_shared>>)
        tpu.yield
      }) : () -> ()
    } else {
    }
    %barrier3A_148 = arith.constant 0 : index
    tpu.barrier barrier_id(%barrier3A_148)
    %eq3A_149 = arith.constant 1 : i32
    %eq3A_150 = arith.cmpi eq, %arg1, %eq3A_149 : i32
    %convert_element_type3A_151 = arith.extui %eq3A_150 : i1 to i32
    %cond3A_152 = arith.constant 0 : i32
    %cond3A_153 = arith.cmpi ne, %convert_element_type3A_151, %cond3A_152 : i32
    scf.if %cond3A_153 {
      "tpu.region"() ({
        %run_scoped3A = tpu.sem_alloc : memref<!tpu.dma_semaphore, #tpu.memory_space<semaphore_mem>>
        %dma_start3A = arith.constant 0 : i32
        %dma_start3A_247 = tpu.memref_slice %arg6[%dma_start3A] : memref<1050624xf32, #tpu.memory_space<vmem_shared>> -> memref<1050624xf32, #tpu.memory_space<vmem_shared>>
        tpu.enqueue_indirect_dma source(%arg10 : memref<4096xf32, #tpu.memory_space<vmem>>) target(%dma_start3A_247 : memref<1050624xf32, #tpu.memory_space<vmem_shared>>) offsets(%arg9 : memref<4096xi32, #tpu.memory_space<vmem>>) semaphore(%run_scoped3A : memref<!tpu.dma_semaphore, #tpu.memory_space<semaphore_mem>>) {add = true}
        %dma_wait3A = arith.constant 0 : i32
        %dma_wait3A_248 = tpu.memref_slice %arg6[%dma_wait3A] : memref<1050624xf32, #tpu.memory_space<vmem_shared>> -> memref<1050624xf32, #tpu.memory_space<vmem_shared>>
        tpu.wait_indirect_dma semaphore(%run_scoped3A : memref<!tpu.dma_semaphore, #tpu.memory_space<semaphore_mem>>) src(%arg10 : memref<4096xf32, #tpu.memory_space<vmem>>) dst(%dma_wait3A_248 : memref<1050624xf32, #tpu.memory_space<vmem_shared>>)
        tpu.yield
      }) : () -> ()
    } else {
    }
    %barrier3A_154 = arith.constant 0 : index
    tpu.barrier barrier_id(%barrier3A_154)
    %eq3A_155 = arith.constant 2 : i32
    %eq3A_156 = arith.cmpi eq, %arg1, %eq3A_155 : i32
    %convert_element_type3A_157 = arith.extui %eq3A_156 : i1 to i32
    %cond3A_158 = arith.constant 0 : i32
    %cond3A_159 = arith.cmpi ne, %convert_element_type3A_157, %cond3A_158 : i32
    scf.if %cond3A_159 {
      "tpu.region"() ({
        %run_scoped3A = tpu.sem_alloc : memref<!tpu.dma_semaphore, #tpu.memory_space<semaphore_mem>>
        %dma_start3A = arith.constant 0 : i32
        %dma_start3A_247 = tpu.memref_slice %arg6[%dma_start3A] : memref<1050624xf32, #tpu.memory_space<vmem_shared>> -> memref<1050624xf32, #tpu.memory_space<vmem_shared>>
        tpu.enqueue_indirect_dma source(%arg10 : memref<4096xf32, #tpu.memory_space<vmem>>) target(%dma_start3A_247 : memref<1050624xf32, #tpu.memory_space<vmem_shared>>) offsets(%arg9 : memref<4096xi32, #tpu.memory_space<vmem>>) semaphore(%run_scoped3A : memref<!tpu.dma_semaphore, #tpu.memory_space<semaphore_mem>>) {add = true}
        %dma_wait3A = arith.constant 0 : i32
        %dma_wait3A_248 = tpu.memref_slice %arg6[%dma_wait3A] : memref<1050624xf32, #tpu.memory_space<vmem_shared>> -> memref<1050624xf32, #tpu.memory_space<vmem_shared>>
        tpu.wait_indirect_dma semaphore(%run_scoped3A : memref<!tpu.dma_semaphore, #tpu.memory_space<semaphore_mem>>) src(%arg10 : memref<4096xf32, #tpu.memory_space<vmem>>) dst(%dma_wait3A_248 : memref<1050624xf32, #tpu.memory_space<vmem_shared>>)
        tpu.yield
      }) : () -> ()
    } else {
    }
    %barrier3A_160 = arith.constant 0 : index
    tpu.barrier barrier_id(%barrier3A_160)
    %eq3A_161 = arith.constant 3 : i32
    %eq3A_162 = arith.cmpi eq, %arg1, %eq3A_161 : i32
    %convert_element_type3A_163 = arith.extui %eq3A_162 : i1 to i32
    %cond3A_164 = arith.constant 0 : i32
    %cond3A_165 = arith.cmpi ne, %convert_element_type3A_163, %cond3A_164 : i32
    scf.if %cond3A_165 {
      "tpu.region"() ({
        %run_scoped3A = tpu.sem_alloc : memref<!tpu.dma_semaphore, #tpu.memory_space<semaphore_mem>>
        %dma_start3A = arith.constant 0 : i32
        %dma_start3A_247 = tpu.memref_slice %arg6[%dma_start3A] : memref<1050624xf32, #tpu.memory_space<vmem_shared>> -> memref<1050624xf32, #tpu.memory_space<vmem_shared>>
        tpu.enqueue_indirect_dma source(%arg10 : memref<4096xf32, #tpu.memory_space<vmem>>) target(%dma_start3A_247 : memref<1050624xf32, #tpu.memory_space<vmem_shared>>) offsets(%arg9 : memref<4096xi32, #tpu.memory_space<vmem>>) semaphore(%run_scoped3A : memref<!tpu.dma_semaphore, #tpu.memory_space<semaphore_mem>>) {add = true}
        %dma_wait3A = arith.constant 0 : i32
        %dma_wait3A_248 = tpu.memref_slice %arg6[%dma_wait3A] : memref<1050624xf32, #tpu.memory_space<vmem_shared>> -> memref<1050624xf32, #tpu.memory_space<vmem_shared>>
        tpu.wait_indirect_dma semaphore(%run_scoped3A : memref<!tpu.dma_semaphore, #tpu.memory_space<semaphore_mem>>) src(%arg10 : memref<4096xf32, #tpu.memory_space<vmem>>) dst(%dma_wait3A_248 : memref<1050624xf32, #tpu.memory_space<vmem_shared>>)
        tpu.yield
      }) : () -> ()
    } else {
    }
    %barrier3A_166 = arith.constant 0 : index
    tpu.barrier barrier_id(%barrier3A_166)
    %eq3A_167 = arith.constant 4 : i32
    %eq3A_168 = arith.cmpi eq, %arg1, %eq3A_167 : i32
    %convert_element_type3A_169 = arith.extui %eq3A_168 : i1 to i32
    %cond3A_170 = arith.constant 0 : i32
    %cond3A_171 = arith.cmpi ne, %convert_element_type3A_169, %cond3A_170 : i32
    scf.if %cond3A_171 {
      "tpu.region"() ({
        %run_scoped3A = tpu.sem_alloc : memref<!tpu.dma_semaphore, #tpu.memory_space<semaphore_mem>>
        %dma_start3A = arith.constant 0 : i32
        %dma_start3A_247 = tpu.memref_slice %arg6[%dma_start3A] : memref<1050624xf32, #tpu.memory_space<vmem_shared>> -> memref<1050624xf32, #tpu.memory_space<vmem_shared>>
        tpu.enqueue_indirect_dma source(%arg10 : memref<4096xf32, #tpu.memory_space<vmem>>) target(%dma_start3A_247 : memref<1050624xf32, #tpu.memory_space<vmem_shared>>) offsets(%arg9 : memref<4096xi32, #tpu.memory_space<vmem>>) semaphore(%run_scoped3A : memref<!tpu.dma_semaphore, #tpu.memory_space<semaphore_mem>>) {add = true}
        %dma_wait3A = arith.constant 0 : i32
        %dma_wait3A_248 = tpu.memref_slice %arg6[%dma_wait3A] : memref<1050624xf32, #tpu.memory_space<vmem_shared>> -> memref<1050624xf32, #tpu.memory_space<vmem_shared>>
        tpu.wait_indirect_dma semaphore(%run_scoped3A : memref<!tpu.dma_semaphore, #tpu.memory_space<semaphore_mem>>) src(%arg10 : memref<4096xf32, #tpu.memory_space<vmem>>) dst(%dma_wait3A_248 : memref<1050624xf32, #tpu.memory_space<vmem_shared>>)
        tpu.yield
      }) : () -> ()
    } else {
    }
    %barrier3A_172 = arith.constant 0 : index
    tpu.barrier barrier_id(%barrier3A_172)
    %eq3A_173 = arith.constant 5 : i32
    %eq3A_174 = arith.cmpi eq, %arg1, %eq3A_173 : i32
    %convert_element_type3A_175 = arith.extui %eq3A_174 : i1 to i32
    %cond3A_176 = arith.constant 0 : i32
    %cond3A_177 = arith.cmpi ne, %convert_element_type3A_175, %cond3A_176 : i32
    scf.if %cond3A_177 {
      "tpu.region"() ({
        %run_scoped3A = tpu.sem_alloc : memref<!tpu.dma_semaphore, #tpu.memory_space<semaphore_mem>>
        %dma_start3A = arith.constant 0 : i32
        %dma_start3A_247 = tpu.memref_slice %arg6[%dma_start3A] : memref<1050624xf32, #tpu.memory_space<vmem_shared>> -> memref<1050624xf32, #tpu.memory_space<vmem_shared>>
        tpu.enqueue_indirect_dma source(%arg10 : memref<4096xf32, #tpu.memory_space<vmem>>) target(%dma_start3A_247 : memref<1050624xf32, #tpu.memory_space<vmem_shared>>) offsets(%arg9 : memref<4096xi32, #tpu.memory_space<vmem>>) semaphore(%run_scoped3A : memref<!tpu.dma_semaphore, #tpu.memory_space<semaphore_mem>>) {add = true}
        %dma_wait3A = arith.constant 0 : i32
        %dma_wait3A_248 = tpu.memref_slice %arg6[%dma_wait3A] : memref<1050624xf32, #tpu.memory_space<vmem_shared>> -> memref<1050624xf32, #tpu.memory_space<vmem_shared>>
        tpu.wait_indirect_dma semaphore(%run_scoped3A : memref<!tpu.dma_semaphore, #tpu.memory_space<semaphore_mem>>) src(%arg10 : memref<4096xf32, #tpu.memory_space<vmem>>) dst(%dma_wait3A_248 : memref<1050624xf32, #tpu.memory_space<vmem_shared>>)
        tpu.yield
      }) : () -> ()
    } else {
    }
    %barrier3A_178 = arith.constant 0 : index
    tpu.barrier barrier_id(%barrier3A_178)
    %eq3A_179 = arith.constant 6 : i32
    %eq3A_180 = arith.cmpi eq, %arg1, %eq3A_179 : i32
    %convert_element_type3A_181 = arith.extui %eq3A_180 : i1 to i32
    %cond3A_182 = arith.constant 0 : i32
    %cond3A_183 = arith.cmpi ne, %convert_element_type3A_181, %cond3A_182 : i32
    scf.if %cond3A_183 {
      "tpu.region"() ({
        %run_scoped3A = tpu.sem_alloc : memref<!tpu.dma_semaphore, #tpu.memory_space<semaphore_mem>>
        %dma_start3A = arith.constant 0 : i32
        %dma_start3A_247 = tpu.memref_slice %arg6[%dma_start3A] : memref<1050624xf32, #tpu.memory_space<vmem_shared>> -> memref<1050624xf32, #tpu.memory_space<vmem_shared>>
        tpu.enqueue_indirect_dma source(%arg10 : memref<4096xf32, #tpu.memory_space<vmem>>) target(%dma_start3A_247 : memref<1050624xf32, #tpu.memory_space<vmem_shared>>) offsets(%arg9 : memref<4096xi32, #tpu.memory_space<vmem>>) semaphore(%run_scoped3A : memref<!tpu.dma_semaphore, #tpu.memory_space<semaphore_mem>>) {add = true}
        %dma_wait3A = arith.constant 0 : i32
        %dma_wait3A_248 = tpu.memref_slice %arg6[%dma_wait3A] : memref<1050624xf32, #tpu.memory_space<vmem_shared>> -> memref<1050624xf32, #tpu.memory_space<vmem_shared>>
        tpu.wait_indirect_dma semaphore(%run_scoped3A : memref<!tpu.dma_semaphore, #tpu.memory_space<semaphore_mem>>) src(%arg10 : memref<4096xf32, #tpu.memory_space<vmem>>) dst(%dma_wait3A_248 : memref<1050624xf32, #tpu.memory_space<vmem_shared>>)
        tpu.yield
      }) : () -> ()
    } else {
    }
    %barrier3A_184 = arith.constant 0 : index
    tpu.barrier barrier_id(%barrier3A_184)
    %eq3A_185 = arith.constant 7 : i32
    %eq3A_186 = arith.cmpi eq, %arg1, %eq3A_185 : i32
    %convert_element_type3A_187 = arith.extui %eq3A_186 : i1 to i32
    %cond3A_188 = arith.constant 0 : i32
    %cond3A_189 = arith.cmpi ne, %convert_element_type3A_187, %cond3A_188 : i32
    scf.if %cond3A_189 {
      "tpu.region"() ({
        %run_scoped3A = tpu.sem_alloc : memref<!tpu.dma_semaphore, #tpu.memory_space<semaphore_mem>>
        %dma_start3A = arith.constant 0 : i32
        %dma_start3A_247 = tpu.memref_slice %arg6[%dma_start3A] : memref<1050624xf32, #tpu.memory_space<vmem_shared>> -> memref<1050624xf32, #tpu.memory_space<vmem_shared>>
        tpu.enqueue_indirect_dma source(%arg10 : memref<4096xf32, #tpu.memory_space<vmem>>) target(%dma_start3A_247 : memref<1050624xf32, #tpu.memory_space<vmem_shared>>) offsets(%arg9 : memref<4096xi32, #tpu.memory_space<vmem>>) semaphore(%run_scoped3A : memref<!tpu.dma_semaphore, #tpu.memory_space<semaphore_mem>>) {add = true}
        %dma_wait3A = arith.constant 0 : i32
        %dma_wait3A_248 = tpu.memref_slice %arg6[%dma_wait3A] : memref<1050624xf32, #tpu.memory_space<vmem_shared>> -> memref<1050624xf32, #tpu.memory_space<vmem_shared>>
        tpu.wait_indirect_dma semaphore(%run_scoped3A : memref<!tpu.dma_semaphore, #tpu.memory_space<semaphore_mem>>) src(%arg10 : memref<4096xf32, #tpu.memory_space<vmem>>) dst(%dma_wait3A_248 : memref<1050624xf32, #tpu.memory_space<vmem_shared>>)
        tpu.yield
      }) : () -> ()
    } else {
    }
    %barrier3A_190 = arith.constant 0 : index
    tpu.barrier barrier_id(%barrier3A_190)
    %eq3A_191 = arith.constant 8 : i32
    %eq3A_192 = arith.cmpi eq, %arg1, %eq3A_191 : i32
    %convert_element_type3A_193 = arith.extui %eq3A_192 : i1 to i32
    %cond3A_194 = arith.constant 0 : i32
    %cond3A_195 = arith.cmpi ne, %convert_element_type3A_193, %cond3A_194 : i32
    scf.if %cond3A_195 {
      "tpu.region"() ({
        %run_scoped3A = tpu.sem_alloc : memref<!tpu.dma_semaphore, #tpu.memory_space<semaphore_mem>>
        %dma_start3A = arith.constant 0 : i32
        %dma_start3A_247 = tpu.memref_slice %arg6[%dma_start3A] : memref<1050624xf32, #tpu.memory_space<vmem_shared>> -> memref<1050624xf32, #tpu.memory_space<vmem_shared>>
        tpu.enqueue_indirect_dma source(%arg10 : memref<4096xf32, #tpu.memory_space<vmem>>) target(%dma_start3A_247 : memref<1050624xf32, #tpu.memory_space<vmem_shared>>) offsets(%arg9 : memref<4096xi32, #tpu.memory_space<vmem>>) semaphore(%run_scoped3A : memref<!tpu.dma_semaphore, #tpu.memory_space<semaphore_mem>>) {add = true}
        %dma_wait3A = arith.constant 0 : i32
        %dma_wait3A_248 = tpu.memref_slice %arg6[%dma_wait3A] : memref<1050624xf32, #tpu.memory_space<vmem_shared>> -> memref<1050624xf32, #tpu.memory_space<vmem_shared>>
        tpu.wait_indirect_dma semaphore(%run_scoped3A : memref<!tpu.dma_semaphore, #tpu.memory_space<semaphore_mem>>) src(%arg10 : memref<4096xf32, #tpu.memory_space<vmem>>) dst(%dma_wait3A_248 : memref<1050624xf32, #tpu.memory_space<vmem_shared>>)
        tpu.yield
      }) : () -> ()
    } else {
    }
    %barrier3A_196 = arith.constant 0 : index
    tpu.barrier barrier_id(%barrier3A_196)
    %eq3A_197 = arith.constant 9 : i32
    %eq3A_198 = arith.cmpi eq, %arg1, %eq3A_197 : i32
    %convert_element_type3A_199 = arith.extui %eq3A_198 : i1 to i32
    %cond3A_200 = arith.constant 0 : i32
    %cond3A_201 = arith.cmpi ne, %convert_element_type3A_199, %cond3A_200 : i32
    scf.if %cond3A_201 {
      "tpu.region"() ({
        %run_scoped3A = tpu.sem_alloc : memref<!tpu.dma_semaphore, #tpu.memory_space<semaphore_mem>>
        %dma_start3A = arith.constant 0 : i32
        %dma_start3A_247 = tpu.memref_slice %arg6[%dma_start3A] : memref<1050624xf32, #tpu.memory_space<vmem_shared>> -> memref<1050624xf32, #tpu.memory_space<vmem_shared>>
        tpu.enqueue_indirect_dma source(%arg10 : memref<4096xf32, #tpu.memory_space<vmem>>) target(%dma_start3A_247 : memref<1050624xf32, #tpu.memory_space<vmem_shared>>) offsets(%arg9 : memref<4096xi32, #tpu.memory_space<vmem>>) semaphore(%run_scoped3A : memref<!tpu.dma_semaphore, #tpu.memory_space<semaphore_mem>>) {add = true}
        %dma_wait3A = arith.constant 0 : i32
        %dma_wait3A_248 = tpu.memref_slice %arg6[%dma_wait3A] : memref<1050624xf32, #tpu.memory_space<vmem_shared>> -> memref<1050624xf32, #tpu.memory_space<vmem_shared>>
        tpu.wait_indirect_dma semaphore(%run_scoped3A : memref<!tpu.dma_semaphore, #tpu.memory_space<semaphore_mem>>) src(%arg10 : memref<4096xf32, #tpu.memory_space<vmem>>) dst(%dma_wait3A_248 : memref<1050624xf32, #tpu.memory_space<vmem_shared>>)
        tpu.yield
      }) : () -> ()
    } else {
    }
    %barrier3A_202 = arith.constant 0 : index
    tpu.barrier barrier_id(%barrier3A_202)
    %eq3A_203 = arith.constant 10 : i32
    %eq3A_204 = arith.cmpi eq, %arg1, %eq3A_203 : i32
    %convert_element_type3A_205 = arith.extui %eq3A_204 : i1 to i32
    %cond3A_206 = arith.constant 0 : i32
    %cond3A_207 = arith.cmpi ne, %convert_element_type3A_205, %cond3A_206 : i32
    scf.if %cond3A_207 {
      "tpu.region"() ({
        %run_scoped3A = tpu.sem_alloc : memref<!tpu.dma_semaphore, #tpu.memory_space<semaphore_mem>>
        %dma_start3A = arith.constant 0 : i32
        %dma_start3A_247 = tpu.memref_slice %arg6[%dma_start3A] : memref<1050624xf32, #tpu.memory_space<vmem_shared>> -> memref<1050624xf32, #tpu.memory_space<vmem_shared>>
        tpu.enqueue_indirect_dma source(%arg10 : memref<4096xf32, #tpu.memory_space<vmem>>) target(%dma_start3A_247 : memref<1050624xf32, #tpu.memory_space<vmem_shared>>) offsets(%arg9 : memref<4096xi32, #tpu.memory_space<vmem>>) semaphore(%run_scoped3A : memref<!tpu.dma_semaphore, #tpu.memory_space<semaphore_mem>>) {add = true}
        %dma_wait3A = arith.constant 0 : i32
        %dma_wait3A_248 = tpu.memref_slice %arg6[%dma_wait3A] : memref<1050624xf32, #tpu.memory_space<vmem_shared>> -> memref<1050624xf32, #tpu.memory_space<vmem_shared>>
        tpu.wait_indirect_dma semaphore(%run_scoped3A : memref<!tpu.dma_semaphore, #tpu.memory_space<semaphore_mem>>) src(%arg10 : memref<4096xf32, #tpu.memory_space<vmem>>) dst(%dma_wait3A_248 : memref<1050624xf32, #tpu.memory_space<vmem_shared>>)
        tpu.yield
      }) : () -> ()
    } else {
    }
    %barrier3A_208 = arith.constant 0 : index
    tpu.barrier barrier_id(%barrier3A_208)
    %eq3A_209 = arith.constant 11 : i32
    %eq3A_210 = arith.cmpi eq, %arg1, %eq3A_209 : i32
    %convert_element_type3A_211 = arith.extui %eq3A_210 : i1 to i32
    %cond3A_212 = arith.constant 0 : i32
    %cond3A_213 = arith.cmpi ne, %convert_element_type3A_211, %cond3A_212 : i32
    scf.if %cond3A_213 {
      "tpu.region"() ({
        %run_scoped3A = tpu.sem_alloc : memref<!tpu.dma_semaphore, #tpu.memory_space<semaphore_mem>>
        %dma_start3A = arith.constant 0 : i32
        %dma_start3A_247 = tpu.memref_slice %arg6[%dma_start3A] : memref<1050624xf32, #tpu.memory_space<vmem_shared>> -> memref<1050624xf32, #tpu.memory_space<vmem_shared>>
        tpu.enqueue_indirect_dma source(%arg10 : memref<4096xf32, #tpu.memory_space<vmem>>) target(%dma_start3A_247 : memref<1050624xf32, #tpu.memory_space<vmem_shared>>) offsets(%arg9 : memref<4096xi32, #tpu.memory_space<vmem>>) semaphore(%run_scoped3A : memref<!tpu.dma_semaphore, #tpu.memory_space<semaphore_mem>>) {add = true}
        %dma_wait3A = arith.constant 0 : i32
        %dma_wait3A_248 = tpu.memref_slice %arg6[%dma_wait3A] : memref<1050624xf32, #tpu.memory_space<vmem_shared>> -> memref<1050624xf32, #tpu.memory_space<vmem_shared>>
        tpu.wait_indirect_dma semaphore(%run_scoped3A : memref<!tpu.dma_semaphore, #tpu.memory_space<semaphore_mem>>) src(%arg10 : memref<4096xf32, #tpu.memory_space<vmem>>) dst(%dma_wait3A_248 : memref<1050624xf32, #tpu.memory_space<vmem_shared>>)
        tpu.yield
      }) : () -> ()
    } else {
    }
    %barrier3A_214 = arith.constant 0 : index
    tpu.barrier barrier_id(%barrier3A_214)
    %eq3A_215 = arith.constant 12 : i32
    %eq3A_216 = arith.cmpi eq, %arg1, %eq3A_215 : i32
    %convert_element_type3A_217 = arith.extui %eq3A_216 : i1 to i32
    %cond3A_218 = arith.constant 0 : i32
    %cond3A_219 = arith.cmpi ne, %convert_element_type3A_217, %cond3A_218 : i32
    scf.if %cond3A_219 {
      "tpu.region"() ({
        %run_scoped3A = tpu.sem_alloc : memref<!tpu.dma_semaphore, #tpu.memory_space<semaphore_mem>>
        %dma_start3A = arith.constant 0 : i32
        %dma_start3A_247 = tpu.memref_slice %arg6[%dma_start3A] : memref<1050624xf32, #tpu.memory_space<vmem_shared>> -> memref<1050624xf32, #tpu.memory_space<vmem_shared>>
        tpu.enqueue_indirect_dma source(%arg10 : memref<4096xf32, #tpu.memory_space<vmem>>) target(%dma_start3A_247 : memref<1050624xf32, #tpu.memory_space<vmem_shared>>) offsets(%arg9 : memref<4096xi32, #tpu.memory_space<vmem>>) semaphore(%run_scoped3A : memref<!tpu.dma_semaphore, #tpu.memory_space<semaphore_mem>>) {add = true}
        %dma_wait3A = arith.constant 0 : i32
        %dma_wait3A_248 = tpu.memref_slice %arg6[%dma_wait3A] : memref<1050624xf32, #tpu.memory_space<vmem_shared>> -> memref<1050624xf32, #tpu.memory_space<vmem_shared>>
        tpu.wait_indirect_dma semaphore(%run_scoped3A : memref<!tpu.dma_semaphore, #tpu.memory_space<semaphore_mem>>) src(%arg10 : memref<4096xf32, #tpu.memory_space<vmem>>) dst(%dma_wait3A_248 : memref<1050624xf32, #tpu.memory_space<vmem_shared>>)
        tpu.yield
      }) : () -> ()
    } else {
    }
    %barrier3A_220 = arith.constant 0 : index
    tpu.barrier barrier_id(%barrier3A_220)
    %eq3A_221 = arith.constant 13 : i32
    %eq3A_222 = arith.cmpi eq, %arg1, %eq3A_221 : i32
    %convert_element_type3A_223 = arith.extui %eq3A_222 : i1 to i32
    %cond3A_224 = arith.constant 0 : i32
    %cond3A_225 = arith.cmpi ne, %convert_element_type3A_223, %cond3A_224 : i32
    scf.if %cond3A_225 {
      "tpu.region"() ({
        %run_scoped3A = tpu.sem_alloc : memref<!tpu.dma_semaphore, #tpu.memory_space<semaphore_mem>>
        %dma_start3A = arith.constant 0 : i32
        %dma_start3A_247 = tpu.memref_slice %arg6[%dma_start3A] : memref<1050624xf32, #tpu.memory_space<vmem_shared>> -> memref<1050624xf32, #tpu.memory_space<vmem_shared>>
        tpu.enqueue_indirect_dma source(%arg10 : memref<4096xf32, #tpu.memory_space<vmem>>) target(%dma_start3A_247 : memref<1050624xf32, #tpu.memory_space<vmem_shared>>) offsets(%arg9 : memref<4096xi32, #tpu.memory_space<vmem>>) semaphore(%run_scoped3A : memref<!tpu.dma_semaphore, #tpu.memory_space<semaphore_mem>>) {add = true}
        %dma_wait3A = arith.constant 0 : i32
        %dma_wait3A_248 = tpu.memref_slice %arg6[%dma_wait3A] : memref<1050624xf32, #tpu.memory_space<vmem_shared>> -> memref<1050624xf32, #tpu.memory_space<vmem_shared>>
        tpu.wait_indirect_dma semaphore(%run_scoped3A : memref<!tpu.dma_semaphore, #tpu.memory_space<semaphore_mem>>) src(%arg10 : memref<4096xf32, #tpu.memory_space<vmem>>) dst(%dma_wait3A_248 : memref<1050624xf32, #tpu.memory_space<vmem_shared>>)
        tpu.yield
      }) : () -> ()
    } else {
    }
    %barrier3A_226 = arith.constant 0 : index
    tpu.barrier barrier_id(%barrier3A_226)
    %eq3A_227 = arith.constant 14 : i32
    %eq3A_228 = arith.cmpi eq, %arg1, %eq3A_227 : i32
    %convert_element_type3A_229 = arith.extui %eq3A_228 : i1 to i32
    %cond3A_230 = arith.constant 0 : i32
    %cond3A_231 = arith.cmpi ne, %convert_element_type3A_229, %cond3A_230 : i32
    scf.if %cond3A_231 {
      "tpu.region"() ({
        %run_scoped3A = tpu.sem_alloc : memref<!tpu.dma_semaphore, #tpu.memory_space<semaphore_mem>>
        %dma_start3A = arith.constant 0 : i32
        %dma_start3A_247 = tpu.memref_slice %arg6[%dma_start3A] : memref<1050624xf32, #tpu.memory_space<vmem_shared>> -> memref<1050624xf32, #tpu.memory_space<vmem_shared>>
        tpu.enqueue_indirect_dma source(%arg10 : memref<4096xf32, #tpu.memory_space<vmem>>) target(%dma_start3A_247 : memref<1050624xf32, #tpu.memory_space<vmem_shared>>) offsets(%arg9 : memref<4096xi32, #tpu.memory_space<vmem>>) semaphore(%run_scoped3A : memref<!tpu.dma_semaphore, #tpu.memory_space<semaphore_mem>>) {add = true}
        %dma_wait3A = arith.constant 0 : i32
        %dma_wait3A_248 = tpu.memref_slice %arg6[%dma_wait3A] : memref<1050624xf32, #tpu.memory_space<vmem_shared>> -> memref<1050624xf32, #tpu.memory_space<vmem_shared>>
        tpu.wait_indirect_dma semaphore(%run_scoped3A : memref<!tpu.dma_semaphore, #tpu.memory_space<semaphore_mem>>) src(%arg10 : memref<4096xf32, #tpu.memory_space<vmem>>) dst(%dma_wait3A_248 : memref<1050624xf32, #tpu.memory_space<vmem_shared>>)
        tpu.yield
      }) : () -> ()
    } else {
    }
    %barrier3A_232 = arith.constant 0 : index
    tpu.barrier barrier_id(%barrier3A_232)
    %eq3A_233 = arith.constant 15 : i32
    %eq3A_234 = arith.cmpi eq, %arg1, %eq3A_233 : i32
    %convert_element_type3A_235 = arith.extui %eq3A_234 : i1 to i32
    %cond3A_236 = arith.constant 0 : i32
    %cond3A_237 = arith.cmpi ne, %convert_element_type3A_235, %cond3A_236 : i32
    scf.if %cond3A_237 {
      "tpu.region"() ({
        %run_scoped3A = tpu.sem_alloc : memref<!tpu.dma_semaphore, #tpu.memory_space<semaphore_mem>>
        %dma_start3A = arith.constant 0 : i32
        %dma_start3A_247 = tpu.memref_slice %arg6[%dma_start3A] : memref<1050624xf32, #tpu.memory_space<vmem_shared>> -> memref<1050624xf32, #tpu.memory_space<vmem_shared>>
        tpu.enqueue_indirect_dma source(%arg10 : memref<4096xf32, #tpu.memory_space<vmem>>) target(%dma_start3A_247 : memref<1050624xf32, #tpu.memory_space<vmem_shared>>) offsets(%arg9 : memref<4096xi32, #tpu.memory_space<vmem>>) semaphore(%run_scoped3A : memref<!tpu.dma_semaphore, #tpu.memory_space<semaphore_mem>>) {add = true}
        %dma_wait3A = arith.constant 0 : i32
        %dma_wait3A_248 = tpu.memref_slice %arg6[%dma_wait3A] : memref<1050624xf32, #tpu.memory_space<vmem_shared>> -> memref<1050624xf32, #tpu.memory_space<vmem_shared>>
        tpu.wait_indirect_dma semaphore(%run_scoped3A : memref<!tpu.dma_semaphore, #tpu.memory_space<semaphore_mem>>) src(%arg10 : memref<4096xf32, #tpu.memory_space<vmem>>) dst(%dma_wait3A_248 : memref<1050624xf32, #tpu.memory_space<vmem_shared>>)
        tpu.yield
      }) : () -> ()
    } else {
    }
    %barrier3A_238 = arith.constant 0 : index
    tpu.barrier barrier_id(%barrier3A_238)
    %mul3A_239 = arith.constant 65536 : i32
    %mul3A_240 = arith.muli %arg1, %mul3A_239 : i32
    %mul3A_241 = arith.constant 2048 : i32
    %mul3A_242 = arith.muli %mul3A_130, %mul3A_241 : i32
    %mul3A_243 = arith.constant 65536 : i32
    %mul3A_244 = arith.muli %arg1, %mul3A_243 : i32
    %add3A_245 = arith.addi %mul3A_242, %mul3A_244 : i32
    "tpu.region"() ({
      %run_scoped3A = tpu.sem_alloc : memref<!tpu.dma_semaphore, #tpu.memory_space<semaphore_mem>>
      %dma_start3A = tpu.memref_slice %arg5[%add3A_245] : memref<4194304xf32, #tpu.memory_space<hbm>> -> memref<65536xf32, #tpu.memory_space<hbm>>
      %dma_start3A_247 = tpu.memref_slice %arg6[%mul3A_240] : memref<1050624xf32, #tpu.memory_space<vmem_shared>> -> memref<65536xf32, #tpu.memory_space<vmem_shared>>
      tpu.enqueue_dma source(%dma_start3A_247 : memref<65536xf32, #tpu.memory_space<vmem_shared>>) target(%dma_start3A : memref<65536xf32, #tpu.memory_space<hbm>>) target_semaphore(%run_scoped3A : memref<!tpu.dma_semaphore, #tpu.memory_space<semaphore_mem>>)
      %dma_wait3A = tpu.memref_slice %arg5[%add3A_245] : memref<4194304xf32, #tpu.memory_space<hbm>> -> memref<65536xf32, #tpu.memory_space<hbm>>
      %dma_wait3A_248 = tpu.memref_slice %arg6[%mul3A_240] : memref<1050624xf32, #tpu.memory_space<vmem_shared>> -> memref<65536xf32, #tpu.memory_space<vmem_shared>>
      tpu.wait_dma2 semaphore(%run_scoped3A : memref<!tpu.dma_semaphore, #tpu.memory_space<semaphore_mem>>) src(%dma_wait3A_248 : memref<65536xf32, #tpu.memory_space<vmem_shared>>) dst(%dma_wait3A : memref<65536xf32, #tpu.memory_space<hbm>>)
      tpu.yield
    }) : () -> ()
    %barrier3A_246 = arith.constant 0 : index
    tpu.barrier barrier_id(%barrier3A_246)
    return
  }
}

module attributes {stable_mosaic.version = 14 : i64} {
  func.func @_colsum_body(%arg0: i32, %arg1: memref<256x2048xf32, #tpu.memory_space<vmem>>, %arg2: memref<1x2048xf32, #tpu.memory_space<vmem>>) attributes {dimension_semantics = [#tpu.dimension_semantics<arbitrary>], iteration_bounds = array<i64: 8>, scalar_prefetch = 0 : i64, scratch_operands = 0 : i64, tpu.core_type = #tpu.core_type<tc>, window_params = [{transform_indices = @transform_0, window_bounds = array<i64: 256, 2048>}, {pipeline_mode = #tpu.pipeline_mode<synchronous>, transform_indices = @transform_1, window_bounds = array<i64: 1, 2048>}]} {
    %eq3A = arith.constant 0 : i32
    %eq3A_0 = arith.cmpi eq, %arg0, %eq3A : i32
    %convert_element_type3A = arith.extui %eq3A_0 : i1 to i32
    %cond3A = arith.constant 0 : i32
    %cond3A_1 = arith.cmpi ne, %convert_element_type3A, %cond3A : i32
    scf.if %cond3A_1 {
      %broadcast_in_dim3A_10 = arith.constant 0.000000e+00 : f32
      %broadcast_in_dim3A_11 = vector.broadcast %broadcast_in_dim3A_10 : f32 to vector<1x2048xf32>
      %swap3A_12 = arith.constant 0 : index
      %swap3A_13 = arith.constant 0 : index
      %swap3A_14 = vector.load %arg2[%swap3A_12, %swap3A_13] : memref<1x2048xf32, #tpu.memory_space<vmem>>, vector<1x2048xf32>
      tpu.vector_store %arg2[%swap3A_12, %swap3A_13], %broadcast_in_dim3A_11 {strides = array<i32>} : memref<1x2048xf32, #tpu.memory_space<vmem>>, vector<1x2048xf32>,
    } else {
    }
    %get3A = arith.constant 0 : index
    %get3A_2 = arith.constant 0 : index
    %get3A_3 = vector.load %arg2[%get3A, %get3A_2] : memref<1x2048xf32, #tpu.memory_space<vmem>>, vector<1x2048xf32>
    %get3A_4 = arith.constant 0 : index
    %get3A_5 = arith.constant 0 : index
    %get3A_6 = vector.load %arg1[%get3A_4, %get3A_5] : memref<256x2048xf32, #tpu.memory_space<vmem>>, vector<256x2048xf32>
    %reduce_sum3A = arith.constant dense<0.000000e+00> : vector<2048xf32>
    %reduce_sum3A_7 = vector.multi_reduction <add>, %get3A_6, %reduce_sum3A [0] : vector<256x2048xf32> to vector<2048xf32>
    %broadcast_in_dim3A = vector.shape_cast %reduce_sum3A_7 : vector<2048xf32> to vector<1x2048xf32>
    %add3A = arith.addf %get3A_3, %broadcast_in_dim3A : vector<1x2048xf32>
    %swap3A = arith.constant 0 : index
    %swap3A_8 = arith.constant 0 : index
    %swap3A_9 = vector.load %arg2[%swap3A, %swap3A_8] : memref<1x2048xf32, #tpu.memory_space<vmem>>, vector<1x2048xf32>
    tpu.vector_store %arg2[%swap3A, %swap3A_8], %add3A {strides = array<i32>} : memref<1x2048xf32, #tpu.memory_space<vmem>>, vector<1x2048xf32>,
    return
  }
  func.func @transform_0(%arg0: i32) -> (i32, i32) {
    %c0_i32 = arith.constant 0 : i32
    %c0_i32_0 = arith.constant 0 : i32
    return %arg0, %c0_i32 : i32, i32
  }
  func.func @transform_1(%arg0: i32) -> (i32, i32) {
    %c0_i32 = arith.constant 0 : i32
    %c0_i32_0 = arith.constant 0 : i32
    %c0_i32_1 = arith.constant 0 : i32
    return %c0_i32, %c0_i32_0 : i32, i32
  }
}

module attributes {stable_mosaic.version = 14 : i64} {
  func.func @_norm_body(%arg0: i32, %arg1: memref<256x2048xf32, #tpu.memory_space<vmem>>, %arg2: memref<1x2048xf32, #tpu.memory_space<vmem>>, %arg3: memref<256x1xf32, #tpu.memory_space<vmem>>, %arg4: memref<256x2048xf32, #tpu.memory_space<vmem>>, %arg5: memref<256x2048xf32, #tpu.memory_space<vmem>>) attributes {dimension_semantics = [#tpu.dimension_semantics<arbitrary>], iteration_bounds = array<i64: 8>, scalar_prefetch = 0 : i64, scratch_operands = 0 : i64, tpu.core_type = #tpu.core_type<tc>, window_params = [{transform_indices = @transform_0, window_bounds = array<i64: 256, 2048>}, {pipeline_mode = #tpu.pipeline_mode<synchronous>, transform_indices = @transform_1, window_bounds = array<i64: 1, 2048>}, {transform_indices = @transform_2, window_bounds = array<i64: 256, 1>}, {transform_indices = @transform_3, window_bounds = array<i64: 256, 2048>}, {transform_indices = @transform_4, window_bounds = array<i64: 256, 2048>}]} {
    %iota3A = tpu.iota {dimensions = array<i32: 0>} : vector<256x2048xi32>
    %mul3A = arith.constant 256 : i32
    %mul3A_0 = arith.muli %arg0, %mul3A : i32
    %add3A = vector.broadcast %mul3A_0 : i32 to vector<256x2048xi32>
    %add3A_1 = arith.addi %iota3A, %add3A : vector<256x2048xi32>
    %iota3A_2 = tpu.iota {dimensions = array<i32: 1>} : vector<256x2048xi32>
    %eq3A = arith.cmpi eq, %add3A_1, %iota3A_2 : vector<256x2048xi32>
    %convert_element_type3A = arith.extui %eq3A : vector<256x2048xi1> to vector<256x2048xi32>
    %convert_element_type3A_3 = arith.sitofp %convert_element_type3A : vector<256x2048xi32> to vector<256x2048xf32>
    %get3A = arith.constant 0 : index
    %get3A_4 = arith.constant 0 : index
    %get3A_5 = vector.load %arg2[%get3A, %get3A_4] : memref<1x2048xf32, #tpu.memory_space<vmem>>, vector<1x2048xf32>
    %get3A_6 = arith.constant 0 : index
    %get3A_7 = arith.constant 0 : index
    %get3A_8 = vector.load %arg3[%get3A_6, %get3A_7] : memref<256x1xf32, #tpu.memory_space<vmem>>, vector<256x1xf32>
    %gt3A = arith.constant 0.000000e+00 : f32
    %gt3A_9 = vector.broadcast %gt3A : f32 to vector<1x2048xf32>
    %gt3A_10 = arith.cmpf ogt, %get3A_5, %gt3A_9 : vector<1x2048xf32>
    %rsqrt3A = math.rsqrt %get3A_5 : vector<1x2048xf32>
    %jit3A = arith.constant 0.000000e+00 : f32
    %broadcast_in_dim3A = vector.broadcast %jit3A : f32 to vector<1x2048xf32>
    %select_n3A = arith.select %gt3A_10, %rsqrt3A, %broadcast_in_dim3A : vector<1x2048xi1>, vector<1x2048xf32>
    %gt3A_11 = arith.constant 0.000000e+00 : f32
    %gt3A_12 = vector.broadcast %gt3A_11 : f32 to vector<256x1xf32>
    %gt3A_13 = arith.cmpf ogt, %get3A_8, %gt3A_12 : vector<256x1xf32>
    %rsqrt3A_14 = math.rsqrt %get3A_8 : vector<256x1xf32>
    %jit3A_15 = arith.constant 0.000000e+00 : f32
    %broadcast_in_dim3A_16 = vector.broadcast %jit3A_15 : f32 to vector<256x1xf32>
    %select_n3A_17 = arith.select %gt3A_13, %rsqrt3A_14, %broadcast_in_dim3A_16 : vector<256x1xi1>, vector<256x1xf32>
    %get3A_18 = arith.constant 0 : index
    %get3A_19 = arith.constant 0 : index
    %get3A_20 = vector.load %arg1[%get3A_18, %get3A_19] : memref<256x2048xf32, #tpu.memory_space<vmem>>, vector<256x2048xf32>
    %add3A_21 = arith.addf %get3A_20, %convert_element_type3A_3 : vector<256x2048xf32>
    %mul3A_22 = vector.broadcast %select_n3A_17 : vector<256x1xf32> to vector<256x2048xf32>
    %mul3A_23 = arith.mulf %add3A_21, %mul3A_22 : vector<256x2048xf32>
    %mul3A_24 = vector.broadcast %select_n3A : vector<1x2048xf32> to vector<256x2048xf32>
    %mul3A_25 = arith.mulf %mul3A_23, %mul3A_24 : vector<256x2048xf32>
    %mul3A_26 = arith.constant 8.500000e-01 : f32
    %mul3A_27 = vector.broadcast %mul3A_26 : f32 to vector<256x2048xf32>
    %mul3A_28 = arith.mulf %mul3A_27, %mul3A_25 : vector<256x2048xf32>
    %swap3A = arith.constant 0 : index
    %swap3A_29 = arith.constant 0 : index
    %swap3A_30 = vector.load %arg4[%swap3A, %swap3A_29] : memref<256x2048xf32, #tpu.memory_space<vmem>>, vector<256x2048xf32>
    tpu.vector_store %arg4[%swap3A, %swap3A_29], %mul3A_28 {strides = array<i32>} : memref<256x2048xf32, #tpu.memory_space<vmem>>, vector<256x2048xf32>,
    %add3A_31 = arith.addf %mul3A_28, %convert_element_type3A_3 : vector<256x2048xf32>
    %swap3A_32 = arith.constant 0 : index
    %swap3A_33 = arith.constant 0 : index
    %swap3A_34 = vector.load %arg5[%swap3A_32, %swap3A_33] : memref<256x2048xf32, #tpu.memory_space<vmem>>, vector<256x2048xf32>
    tpu.vector_store %arg5[%swap3A_32, %swap3A_33], %add3A_31 {strides = array<i32>} : memref<256x2048xf32, #tpu.memory_space<vmem>>, vector<256x2048xf32>,
    return
  }
  func.func @transform_0(%arg0: i32) -> (i32, i32) {
    %c0_i32 = arith.constant 0 : i32
    %c0_i32_0 = arith.constant 0 : i32
    return %arg0, %c0_i32 : i32, i32
  }
  func.func @transform_1(%arg0: i32) -> (i32, i32) {
    %c0_i32 = arith.constant 0 : i32
    %c0_i32_0 = arith.constant 0 : i32
    %c0_i32_1 = arith.constant 0 : i32
    return %c0_i32, %c0_i32_0 : i32, i32
  }
  func.func @transform_2(%arg0: i32) -> (i32, i32) {
    %c0_i32 = arith.constant 0 : i32
    %c0_i32_0 = arith.constant 0 : i32
    return %arg0, %c0_i32 : i32, i32
  }
  func.func @transform_3(%arg0: i32) -> (i32, i32) {
    %c0_i32 = arith.constant 0 : i32
    %c0_i32_0 = arith.constant 0 : i32
    return %arg0, %c0_i32 : i32, i32
  }
  func.func @transform_4(%arg0: i32) -> (i32, i32) {
    %c0_i32 = arith.constant 0 : i32
    %c0_i32_0 = arith.constant 0 : i32
    return %arg0, %c0_i32 : i32, i32
  }
}

module attributes {stable_mosaic.version = 14 : i64} {
  func.func @_mm_body(%arg0: i32, %arg1: i32, %arg2: memref<1024x2048xf32, #tpu.memory_space<vmem>>, %arg3: memref<2048x1024xf32, #tpu.memory_space<vmem>>, %arg4: memref<1024x1024xf32, #tpu.memory_space<vmem>>) attributes {dimension_semantics = [#tpu.dimension_semantics<parallel>, #tpu.dimension_semantics<parallel>], iteration_bounds = array<i64: 2, 2>, scalar_prefetch = 0 : i64, scratch_operands = 0 : i64, tpu.core_type = #tpu.core_type<tc>, window_params = [{transform_indices = @transform_0, window_bounds = array<i64: 1024, 2048>}, {transform_indices = @transform_1, window_bounds = array<i64: 2048, 1024>}, {transform_indices = @transform_2, window_bounds = array<i64: 1024, 1024>}]} {
    %get3A = arith.constant 0 : index
    %get3A_0 = arith.constant 0 : index
    %get3A_1 = vector.load %arg2[%get3A, %get3A_0] : memref<1024x2048xf32, #tpu.memory_space<vmem>>, vector<1024x2048xf32>
    %get3A_2 = arith.constant 0 : index
    %get3A_3 = arith.constant 0 : index
    %get3A_4 = vector.load %arg3[%get3A_2, %get3A_3] : memref<2048x1024xf32, #tpu.memory_space<vmem>>, vector<2048x1024xf32>
    %dot_general3A = arith.constant dense<0.000000e+00> : vector<1024x1024xf32>
    %dot_general3A_5 = tpu.matmul %get3A_1, %get3A_4, %dot_general3A {dimension_numbers = #tpu.dot_dimension_numbers<[1], [0], [0], [1], [0, 0, 1, 1], [], []>, transpose_lhs_hint = false} : vector<1024x2048xf32>, vector<2048x1024xf32>, vector<1024x1024xf32> -> vector<1024x1024xf32>
    %swap3A = arith.constant 0 : index
    %swap3A_6 = arith.constant 0 : index
    %swap3A_7 = vector.load %arg4[%swap3A, %swap3A_6] : memref<1024x1024xf32, #tpu.memory_space<vmem>>, vector<1024x1024xf32>
    tpu.vector_store %arg4[%swap3A, %swap3A_6], %dot_general3A_5 {strides = array<i32>} : memref<1024x1024xf32, #tpu.memory_space<vmem>>, vector<1024x1024xf32>,
    return
  }
  func.func @transform_0(%arg0: i32, %arg1: i32) -> (i32, i32) {
    %c0_i32 = arith.constant 0 : i32
    %c0_i32_0 = arith.constant 0 : i32
    return %arg0, %c0_i32 : i32, i32
  }
  func.func @transform_1(%arg0: i32, %arg1: i32) -> (i32, i32) {
    %c0_i32 = arith.constant 0 : i32
    %c0_i32_0 = arith.constant 0 : i32
    return %c0_i32, %arg1 : i32, i32
  }
  func.func @transform_2(%arg0: i32, %arg1: i32) -> (i32, i32) {
    %c0_i32 = arith.constant 0 : i32
    return %arg0, %arg1 : i32, i32
  }
}

module attributes {stable_mosaic.version = 14 : i64} {
  func.func @_mma_body(%arg0: i32, %arg1: i32, %arg2: memref<1024x2048xf32, #tpu.memory_space<vmem>>, %arg3: memref<2048x1024xf32, #tpu.memory_space<vmem>>, %arg4: memref<1024x1024xf32, #tpu.memory_space<vmem>>, %arg5: memref<1024x1024xf32, #tpu.memory_space<vmem>>) attributes {dimension_semantics = [#tpu.dimension_semantics<parallel>, #tpu.dimension_semantics<parallel>], iteration_bounds = array<i64: 2, 2>, scalar_prefetch = 0 : i64, scratch_operands = 0 : i64, tpu.core_type = #tpu.core_type<tc>, window_params = [{transform_indices = @transform_0, window_bounds = array<i64: 1024, 2048>}, {transform_indices = @transform_1, window_bounds = array<i64: 2048, 1024>}, {transform_indices = @transform_2, window_bounds = array<i64: 1024, 1024>}, {transform_indices = @transform_3, window_bounds = array<i64: 1024, 1024>}]} {
    %get3A = arith.constant 0 : index
    %get3A_0 = arith.constant 0 : index
    %get3A_1 = vector.load %arg2[%get3A, %get3A_0] : memref<1024x2048xf32, #tpu.memory_space<vmem>>, vector<1024x2048xf32>
    %get3A_2 = arith.constant 0 : index
    %get3A_3 = arith.constant 0 : index
    %get3A_4 = vector.load %arg3[%get3A_2, %get3A_3] : memref<2048x1024xf32, #tpu.memory_space<vmem>>, vector<2048x1024xf32>
    %dot_general3A = arith.constant dense<0.000000e+00> : vector<1024x1024xf32>
    %dot_general3A_5 = tpu.matmul %get3A_1, %get3A_4, %dot_general3A {dimension_numbers = #tpu.dot_dimension_numbers<[1], [0], [0], [1], [0, 0, 1, 1], [], []>, transpose_lhs_hint = false} : vector<1024x2048xf32>, vector<2048x1024xf32>, vector<1024x1024xf32> -> vector<1024x1024xf32>
    %get3A_6 = arith.constant 0 : index
    %get3A_7 = arith.constant 0 : index
    %get3A_8 = vector.load %arg4[%get3A_6, %get3A_7] : memref<1024x1024xf32, #tpu.memory_space<vmem>>, vector<1024x1024xf32>
    %add3A = arith.addf %dot_general3A_5, %get3A_8 : vector<1024x1024xf32>
    %swap3A = arith.constant 0 : index
    %swap3A_9 = arith.constant 0 : index
    %swap3A_10 = vector.load %arg5[%swap3A, %swap3A_9] : memref<1024x1024xf32, #tpu.memory_space<vmem>>, vector<1024x1024xf32>
    tpu.vector_store %arg5[%swap3A, %swap3A_9], %add3A {strides = array<i32>} : memref<1024x1024xf32, #tpu.memory_space<vmem>>, vector<1024x1024xf32>,
    return
  }
  func.func @transform_0(%arg0: i32, %arg1: i32) -> (i32, i32) {
    %c0_i32 = arith.constant 0 : i32
    %c0_i32_0 = arith.constant 0 : i32
    return %arg0, %c0_i32 : i32, i32
  }
  func.func @transform_1(%arg0: i32, %arg1: i32) -> (i32, i32) {
    %c0_i32 = arith.constant 0 : i32
    %c0_i32_0 = arith.constant 0 : i32
    return %c0_i32, %arg1 : i32, i32
  }
  func.func @transform_2(%arg0: i32, %arg1: i32) -> (i32, i32) {
    %c0_i32 = arith.constant 0 : i32
    return %arg0, %arg1 : i32, i32
  }
  func.func @transform_3(%arg0: i32, %arg1: i32) -> (i32, i32) {
    %c0_i32 = arith.constant 0 : i32
    return %arg0, %arg1 : i32, i32
  }
}

module attributes {stable_mosaic.version = 14 : i64} {
  func.func @_select_body(%arg0: memref<2048x2048xf32, #tpu.memory_space<vmem>>, %arg1: memref<1xf32, #tpu.memory_space<smem>>, %arg2: memref<1x2048xf32, #tpu.memory_space<vmem>>) attributes {dimension_semantics = [], scalar_prefetch = 0 : i64, scratch_operands = 0 : i64, tpu.core_type = #tpu.core_type<tc>} {
    %scan3A = arith.constant 0 : i32
    %scan3A_0 = arith.constant 2139095040 : i32
    %scan3A_1 = arith.constant 0 : i32
    %scan3A_2 = arith.constant 2139095040 : i32
    %scan3A_3 = arith.constant 0 : i32
    %scan3A_4 = arith.constant 31 : i32
    %scan3A_5 = arith.addi %scan3A_3, %scan3A_4 : i32
    %scan3A_6 = arith.constant 1 : i32
    %scan3A_7:4 = scf.for %scan3A_167 = %scan3A_3 to %scan3A_5 step %scan3A_6 iter_args(%scan3A_168 = %scan3A, %scan3A_169 = %scan3A_0, %scan3A_170 = %scan3A_1, %scan3A_171 = %scan3A_2) -> (i32, i32, i32, i32)  : i32 {
      %sub3A = arith.subi %scan3A_169, %scan3A_168 : i32
      %jit3A_172 = arith.constant 2 : i32
      %div3A = arith.divsi %sub3A, %jit3A_172 : i32
      %sign3A = arith.constant 0 : i32
      %sign3A_173 = arith.cmpi sgt, %sub3A, %sign3A : i32
      %sign3A_174 = arith.extui %sign3A_173 : i1 to i32
      %sign3A_175 = arith.constant 0 : i32
      %sign3A_176 = arith.cmpi slt, %sub3A, %sign3A_175 : i32
      %sign3A_177 = arith.extui %sign3A_176 : i1 to i32
      %sign3A_178 = arith.subi %sign3A_174, %sign3A_177 : i32
      %sign3A_179 = arith.constant 0 : i32
      %sign3A_180 = arith.cmpi sgt, %jit3A_172, %sign3A_179 : i32
      %sign3A_181 = arith.extui %sign3A_180 : i1 to i32
      %sign3A_182 = arith.constant 0 : i32
      %sign3A_183 = arith.cmpi slt, %jit3A_172, %sign3A_182 : i32
      %sign3A_184 = arith.extui %sign3A_183 : i1 to i32
      %sign3A_185 = arith.subi %sign3A_181, %sign3A_184 : i32
      %ne3A = arith.cmpi ne, %sign3A_178, %sign3A_185 : i32
      %rem3A = arith.remsi %sub3A, %jit3A_172 : i32
      %ne3A_186 = arith.constant 0 : i32
      %ne3A_187 = arith.cmpi ne, %rem3A, %ne3A_186 : i32
      %and3A = arith.andi %ne3A, %ne3A_187 : i1
      %sub3A_188 = arith.constant 1 : i32
      %sub3A_189 = arith.subi %div3A, %sub3A_188 : i32
      %select_n3A_190 = arith.select %and3A, %sub3A_189, %div3A : i32
      %add3A_191 = arith.addi %scan3A_168, %select_n3A_190 : i32
      %sub3A_192 = arith.subi %scan3A_171, %scan3A_170 : i32
      %jit3A_193 = arith.constant 2 : i32
      %div3A_194 = arith.divsi %sub3A_192, %jit3A_193 : i32
      %sign3A_195 = arith.constant 0 : i32
      %sign3A_196 = arith.cmpi sgt, %sub3A_192, %sign3A_195 : i32
      %sign3A_197 = arith.extui %sign3A_196 : i1 to i32
      %sign3A_198 = arith.constant 0 : i32
      %sign3A_199 = arith.cmpi slt, %sub3A_192, %sign3A_198 : i32
      %sign3A_200 = arith.extui %sign3A_199 : i1 to i32
      %sign3A_201 = arith.subi %sign3A_197, %sign3A_200 : i32
      %sign3A_202 = arith.constant 0 : i32
      %sign3A_203 = arith.cmpi sgt, %jit3A_193, %sign3A_202 : i32
      %sign3A_204 = arith.extui %sign3A_203 : i1 to i32
      %sign3A_205 = arith.constant 0 : i32
      %sign3A_206 = arith.cmpi slt, %jit3A_193, %sign3A_205 : i32
      %sign3A_207 = arith.extui %sign3A_206 : i1 to i32
      %sign3A_208 = arith.subi %sign3A_204, %sign3A_207 : i32
      %ne3A_209 = arith.cmpi ne, %sign3A_201, %sign3A_208 : i32
      %rem3A_210 = arith.remsi %sub3A_192, %jit3A_193 : i32
      %ne3A_211 = arith.constant 0 : i32
      %ne3A_212 = arith.cmpi ne, %rem3A_210, %ne3A_211 : i32
      %and3A_213 = arith.andi %ne3A_209, %ne3A_212 : i1
      %sub3A_214 = arith.constant 1 : i32
      %sub3A_215 = arith.subi %div3A_194, %sub3A_214 : i32
      %select_n3A_216 = arith.select %and3A_213, %sub3A_215, %div3A_194 : i32
      %add3A_217 = arith.addi %scan3A_170, %select_n3A_216 : i32
      %get3A_218 = arith.constant 0 : index
      %get3A_219 = arith.constant 0 : index
      %get3A_220 = vector.load %arg0[%get3A_218, %get3A_219] : memref<2048x2048xf32, #tpu.memory_space<vmem>>, vector<256x2048xf32>
      %bitcast_convert_type3A_221 = tpu.bitcast %get3A_220 : vector<256x2048xf32> -> vector<256x2048xi32>
      %ge3A_222 = vector.broadcast %add3A_191 : i32 to vector<256x2048xi32>
      %ge3A_223 = arith.cmpi sge, %bitcast_convert_type3A_221, %ge3A_222 : vector<256x2048xi32>
      %convert_element_type3A_224 = arith.extui %ge3A_223 : vector<256x2048xi1> to vector<256x2048xi32>
      %reduce_sum3A_225 = vector.shape_cast %convert_element_type3A_224 : vector<256x2048xi32> to vector<1x256x2048xi32>
      %reduce_sum3A_226 = arith.constant dense<0> : vector<1xi32>
      %reduce_sum3A_227 = vector.multi_reduction <add>, %reduce_sum3A_225, %reduce_sum3A_226 [1, 2] : vector<1x256x2048xi32> to vector<1xi32>
      %reduce_sum3A_228 = vector.shape_cast %reduce_sum3A_227 : vector<1xi32> to vector<1x1x1xi32>
      %reduce_sum3A_229 = vector.extract %reduce_sum3A_228[0, 0, 0] : i32 from vector<1x1x1xi32>
      %add3A_230 = arith.constant 0 : i32
      %add3A_231 = arith.addi %add3A_230, %reduce_sum3A_229 : i32
      %ge3A_232 = vector.broadcast %add3A_217 : i32 to vector<256x2048xi32>
      %ge3A_233 = arith.cmpi sge, %bitcast_convert_type3A_221, %ge3A_232 : vector<256x2048xi32>
      %convert_element_type3A_234 = arith.extui %ge3A_233 : vector<256x2048xi1> to vector<256x2048xi32>
      %reduce_sum3A_235 = vector.shape_cast %convert_element_type3A_234 : vector<256x2048xi32> to vector<1x256x2048xi32>
      %reduce_sum3A_236 = arith.constant dense<0> : vector<1xi32>
      %reduce_sum3A_237 = vector.multi_reduction <add>, %reduce_sum3A_235, %reduce_sum3A_236 [1, 2] : vector<1x256x2048xi32> to vector<1xi32>
      %reduce_sum3A_238 = vector.shape_cast %reduce_sum3A_237 : vector<1xi32> to vector<1x1x1xi32>
      %reduce_sum3A_239 = vector.extract %reduce_sum3A_238[0, 0, 0] : i32 from vector<1x1x1xi32>
      %add3A_240 = arith.constant 0 : i32
      %add3A_241 = arith.addi %add3A_240, %reduce_sum3A_239 : i32
      %get3A_242 = arith.constant 256 : index
      %get3A_243 = arith.constant 0 : index
      %get3A_244 = vector.load %arg0[%get3A_242, %get3A_243] : memref<2048x2048xf32, #tpu.memory_space<vmem>>, vector<256x2048xf32>
      %bitcast_convert_type3A_245 = tpu.bitcast %get3A_244 : vector<256x2048xf32> -> vector<256x2048xi32>
      %ge3A_246 = vector.broadcast %add3A_191 : i32 to vector<256x2048xi32>
      %ge3A_247 = arith.cmpi sge, %bitcast_convert_type3A_245, %ge3A_246 : vector<256x2048xi32>
      %convert_element_type3A_248 = arith.extui %ge3A_247 : vector<256x2048xi1> to vector<256x2048xi32>
      %reduce_sum3A_249 = vector.shape_cast %convert_element_type3A_248 : vector<256x2048xi32> to vector<1x256x2048xi32>
      %reduce_sum3A_250 = arith.constant dense<0> : vector<1xi32>
      %reduce_sum3A_251 = vector.multi_reduction <add>, %reduce_sum3A_249, %reduce_sum3A_250 [1, 2] : vector<1x256x2048xi32> to vector<1xi32>
      %reduce_sum3A_252 = vector.shape_cast %reduce_sum3A_251 : vector<1xi32> to vector<1x1x1xi32>
      %reduce_sum3A_253 = vector.extract %reduce_sum3A_252[0, 0, 0] : i32 from vector<1x1x1xi32>
      %add3A_254 = arith.addi %add3A_231, %reduce_sum3A_253 : i32
      %ge3A_255 = vector.broadcast %add3A_217 : i32 to vector<256x2048xi32>
      %ge3A_256 = arith.cmpi sge, %bitcast_convert_type3A_245, %ge3A_255 : vector<256x2048xi32>
      %convert_element_type3A_257 = arith.extui %ge3A_256 : vector<256x2048xi1> to vector<256x2048xi32>
      %reduce_sum3A_258 = vector.shape_cast %convert_element_type3A_257 : vector<256x2048xi32> to vector<1x256x2048xi32>
      %reduce_sum3A_259 = arith.constant dense<0> : vector<1xi32>
      %reduce_sum3A_260 = vector.multi_reduction <add>, %reduce_sum3A_258, %reduce_sum3A_259 [1, 2] : vector<1x256x2048xi32> to vector<1xi32>
      %reduce_sum3A_261 = vector.shape_cast %reduce_sum3A_260 : vector<1xi32> to vector<1x1x1xi32>
      %reduce_sum3A_262 = vector.extract %reduce_sum3A_261[0, 0, 0] : i32 from vector<1x1x1xi32>
      %add3A_263 = arith.addi %add3A_241, %reduce_sum3A_262 : i32
      %get3A_264 = arith.constant 512 : index
      %get3A_265 = arith.constant 0 : index
      %get3A_266 = vector.load %arg0[%get3A_264, %get3A_265] : memref<2048x2048xf32, #tpu.memory_space<vmem>>, vector<256x2048xf32>
      %bitcast_convert_type3A_267 = tpu.bitcast %get3A_266 : vector<256x2048xf32> -> vector<256x2048xi32>
      %ge3A_268 = vector.broadcast %add3A_191 : i32 to vector<256x2048xi32>
      %ge3A_269 = arith.cmpi sge, %bitcast_convert_type3A_267, %ge3A_268 : vector<256x2048xi32>
      %convert_element_type3A_270 = arith.extui %ge3A_269 : vector<256x2048xi1> to vector<256x2048xi32>
      %reduce_sum3A_271 = vector.shape_cast %convert_element_type3A_270 : vector<256x2048xi32> to vector<1x256x2048xi32>
      %reduce_sum3A_272 = arith.constant dense<0> : vector<1xi32>
      %reduce_sum3A_273 = vector.multi_reduction <add>, %reduce_sum3A_271, %reduce_sum3A_272 [1, 2] : vector<1x256x2048xi32> to vector<1xi32>
      %reduce_sum3A_274 = vector.shape_cast %reduce_sum3A_273 : vector<1xi32> to vector<1x1x1xi32>
      %reduce_sum3A_275 = vector.extract %reduce_sum3A_274[0, 0, 0] : i32 from vector<1x1x1xi32>
      %add3A_276 = arith.addi %add3A_254, %reduce_sum3A_275 : i32
      %ge3A_277 = vector.broadcast %add3A_217 : i32 to vector<256x2048xi32>
      %ge3A_278 = arith.cmpi sge, %bitcast_convert_type3A_267, %ge3A_277 : vector<256x2048xi32>
      %convert_element_type3A_279 = arith.extui %ge3A_278 : vector<256x2048xi1> to vector<256x2048xi32>
      %reduce_sum3A_280 = vector.shape_cast %convert_element_type3A_279 : vector<256x2048xi32> to vector<1x256x2048xi32>
      %reduce_sum3A_281 = arith.constant dense<0> : vector<1xi32>
      %reduce_sum3A_282 = vector.multi_reduction <add>, %reduce_sum3A_280, %reduce_sum3A_281 [1, 2] : vector<1x256x2048xi32> to vector<1xi32>
      %reduce_sum3A_283 = vector.shape_cast %reduce_sum3A_282 : vector<1xi32> to vector<1x1x1xi32>
      %reduce_sum3A_284 = vector.extract %reduce_sum3A_283[0, 0, 0] : i32 from vector<1x1x1xi32>
      %add3A_285 = arith.addi %add3A_263, %reduce_sum3A_284 : i32
      %get3A_286 = arith.constant 768 : index
      %get3A_287 = arith.constant 0 : index
      %get3A_288 = vector.load %arg0[%get3A_286, %get3A_287] : memref<2048x2048xf32, #tpu.memory_space<vmem>>, vector<256x2048xf32>
      %bitcast_convert_type3A_289 = tpu.bitcast %get3A_288 : vector<256x2048xf32> -> vector<256x2048xi32>
      %ge3A_290 = vector.broadcast %add3A_191 : i32 to vector<256x2048xi32>
      %ge3A_291 = arith.cmpi sge, %bitcast_convert_type3A_289, %ge3A_290 : vector<256x2048xi32>
      %convert_element_type3A_292 = arith.extui %ge3A_291 : vector<256x2048xi1> to vector<256x2048xi32>
      %reduce_sum3A_293 = vector.shape_cast %convert_element_type3A_292 : vector<256x2048xi32> to vector<1x256x2048xi32>
      %reduce_sum3A_294 = arith.constant dense<0> : vector<1xi32>
      %reduce_sum3A_295 = vector.multi_reduction <add>, %reduce_sum3A_293, %reduce_sum3A_294 [1, 2] : vector<1x256x2048xi32> to vector<1xi32>
      %reduce_sum3A_296 = vector.shape_cast %reduce_sum3A_295 : vector<1xi32> to vector<1x1x1xi32>
      %reduce_sum3A_297 = vector.extract %reduce_sum3A_296[0, 0, 0] : i32 from vector<1x1x1xi32>
      %add3A_298 = arith.addi %add3A_276, %reduce_sum3A_297 : i32
      %ge3A_299 = vector.broadcast %add3A_217 : i32 to vector<256x2048xi32>
      %ge3A_300 = arith.cmpi sge, %bitcast_convert_type3A_289, %ge3A_299 : vector<256x2048xi32>
      %convert_element_type3A_301 = arith.extui %ge3A_300 : vector<256x2048xi1> to vector<256x2048xi32>
      %reduce_sum3A_302 = vector.shape_cast %convert_element_type3A_301 : vector<256x2048xi32> to vector<1x256x2048xi32>
      %reduce_sum3A_303 = arith.constant dense<0> : vector<1xi32>
      %reduce_sum3A_304 = vector.multi_reduction <add>, %reduce_sum3A_302, %reduce_sum3A_303 [1, 2] : vector<1x256x2048xi32> to vector<1xi32>
      %reduce_sum3A_305 = vector.shape_cast %reduce_sum3A_304 : vector<1xi32> to vector<1x1x1xi32>
      %reduce_sum3A_306 = vector.extract %reduce_sum3A_305[0, 0, 0] : i32 from vector<1x1x1xi32>
      %add3A_307 = arith.addi %add3A_285, %reduce_sum3A_306 : i32
      %get3A_308 = arith.constant 1024 : index
      %get3A_309 = arith.constant 0 : index
      %get3A_310 = vector.load %arg0[%get3A_308, %get3A_309] : memref<2048x2048xf32, #tpu.memory_space<vmem>>, vector<256x2048xf32>
      %bitcast_convert_type3A_311 = tpu.bitcast %get3A_310 : vector<256x2048xf32> -> vector<256x2048xi32>
      %ge3A_312 = vector.broadcast %add3A_191 : i32 to vector<256x2048xi32>
      %ge3A_313 = arith.cmpi sge, %bitcast_convert_type3A_311, %ge3A_312 : vector<256x2048xi32>
      %convert_element_type3A_314 = arith.extui %ge3A_313 : vector<256x2048xi1> to vector<256x2048xi32>
      %reduce_sum3A_315 = vector.shape_cast %convert_element_type3A_314 : vector<256x2048xi32> to vector<1x256x2048xi32>
      %reduce_sum3A_316 = arith.constant dense<0> : vector<1xi32>
      %reduce_sum3A_317 = vector.multi_reduction <add>, %reduce_sum3A_315, %reduce_sum3A_316 [1, 2] : vector<1x256x2048xi32> to vector<1xi32>
      %reduce_sum3A_318 = vector.shape_cast %reduce_sum3A_317 : vector<1xi32> to vector<1x1x1xi32>
      %reduce_sum3A_319 = vector.extract %reduce_sum3A_318[0, 0, 0] : i32 from vector<1x1x1xi32>
      %add3A_320 = arith.addi %add3A_298, %reduce_sum3A_319 : i32
      %ge3A_321 = vector.broadcast %add3A_217 : i32 to vector<256x2048xi32>
      %ge3A_322 = arith.cmpi sge, %bitcast_convert_type3A_311, %ge3A_321 : vector<256x2048xi32>
      %convert_element_type3A_323 = arith.extui %ge3A_322 : vector<256x2048xi1> to vector<256x2048xi32>
      %reduce_sum3A_324 = vector.shape_cast %convert_element_type3A_323 : vector<256x2048xi32> to vector<1x256x2048xi32>
      %reduce_sum3A_325 = arith.constant dense<0> : vector<1xi32>
      %reduce_sum3A_326 = vector.multi_reduction <add>, %reduce_sum3A_324, %reduce_sum3A_325 [1, 2] : vector<1x256x2048xi32> to vector<1xi32>
      %reduce_sum3A_327 = vector.shape_cast %reduce_sum3A_326 : vector<1xi32> to vector<1x1x1xi32>
      %reduce_sum3A_328 = vector.extract %reduce_sum3A_327[0, 0, 0] : i32 from vector<1x1x1xi32>
      %add3A_329 = arith.addi %add3A_307, %reduce_sum3A_328 : i32
      %get3A_330 = arith.constant 1280 : index
      %get3A_331 = arith.constant 0 : index
      %get3A_332 = vector.load %arg0[%get3A_330, %get3A_331] : memref<2048x2048xf32, #tpu.memory_space<vmem>>, vector<256x2048xf32>
      %bitcast_convert_type3A_333 = tpu.bitcast %get3A_332 : vector<256x2048xf32> -> vector<256x2048xi32>
      %ge3A_334 = vector.broadcast %add3A_191 : i32 to vector<256x2048xi32>
      %ge3A_335 = arith.cmpi sge, %bitcast_convert_type3A_333, %ge3A_334 : vector<256x2048xi32>
      %convert_element_type3A_336 = arith.extui %ge3A_335 : vector<256x2048xi1> to vector<256x2048xi32>
      %reduce_sum3A_337 = vector.shape_cast %convert_element_type3A_336 : vector<256x2048xi32> to vector<1x256x2048xi32>
      %reduce_sum3A_338 = arith.constant dense<0> : vector<1xi32>
      %reduce_sum3A_339 = vector.multi_reduction <add>, %reduce_sum3A_337, %reduce_sum3A_338 [1, 2] : vector<1x256x2048xi32> to vector<1xi32>
      %reduce_sum3A_340 = vector.shape_cast %reduce_sum3A_339 : vector<1xi32> to vector<1x1x1xi32>
      %reduce_sum3A_341 = vector.extract %reduce_sum3A_340[0, 0, 0] : i32 from vector<1x1x1xi32>
      %add3A_342 = arith.addi %add3A_320, %reduce_sum3A_341 : i32
      %ge3A_343 = vector.broadcast %add3A_217 : i32 to vector<256x2048xi32>
      %ge3A_344 = arith.cmpi sge, %bitcast_convert_type3A_333, %ge3A_343 : vector<256x2048xi32>
      %convert_element_type3A_345 = arith.extui %ge3A_344 : vector<256x2048xi1> to vector<256x2048xi32>
      %reduce_sum3A_346 = vector.shape_cast %convert_element_type3A_345 : vector<256x2048xi32> to vector<1x256x2048xi32>
      %reduce_sum3A_347 = arith.constant dense<0> : vector<1xi32>
      %reduce_sum3A_348 = vector.multi_reduction <add>, %reduce_sum3A_346, %reduce_sum3A_347 [1, 2] : vector<1x256x2048xi32> to vector<1xi32>
      %reduce_sum3A_349 = vector.shape_cast %reduce_sum3A_348 : vector<1xi32> to vector<1x1x1xi32>
      %reduce_sum3A_350 = vector.extract %reduce_sum3A_349[0, 0, 0] : i32 from vector<1x1x1xi32>
      %add3A_351 = arith.addi %add3A_329, %reduce_sum3A_350 : i32
      %get3A_352 = arith.constant 1536 : index
      %get3A_353 = arith.constant 0 : index
      %get3A_354 = vector.load %arg0[%get3A_352, %get3A_353] : memref<2048x2048xf32, #tpu.memory_space<vmem>>, vector<256x2048xf32>
      %bitcast_convert_type3A_355 = tpu.bitcast %get3A_354 : vector<256x2048xf32> -> vector<256x2048xi32>
      %ge3A_356 = vector.broadcast %add3A_191 : i32 to vector<256x2048xi32>
      %ge3A_357 = arith.cmpi sge, %bitcast_convert_type3A_355, %ge3A_356 : vector<256x2048xi32>
      %convert_element_type3A_358 = arith.extui %ge3A_357 : vector<256x2048xi1> to vector<256x2048xi32>
      %reduce_sum3A_359 = vector.shape_cast %convert_element_type3A_358 : vector<256x2048xi32> to vector<1x256x2048xi32>
      %reduce_sum3A_360 = arith.constant dense<0> : vector<1xi32>
      %reduce_sum3A_361 = vector.multi_reduction <add>, %reduce_sum3A_359, %reduce_sum3A_360 [1, 2] : vector<1x256x2048xi32> to vector<1xi32>
      %reduce_sum3A_362 = vector.shape_cast %reduce_sum3A_361 : vector<1xi32> to vector<1x1x1xi32>
      %reduce_sum3A_363 = vector.extract %reduce_sum3A_362[0, 0, 0] : i32 from vector<1x1x1xi32>
      %add3A_364 = arith.addi %add3A_342, %reduce_sum3A_363 : i32
      %ge3A_365 = vector.broadcast %add3A_217 : i32 to vector<256x2048xi32>
      %ge3A_366 = arith.cmpi sge, %bitcast_convert_type3A_355, %ge3A_365 : vector<256x2048xi32>
      %convert_element_type3A_367 = arith.extui %ge3A_366 : vector<256x2048xi1> to vector<256x2048xi32>
      %reduce_sum3A_368 = vector.shape_cast %convert_element_type3A_367 : vector<256x2048xi32> to vector<1x256x2048xi32>
      %reduce_sum3A_369 = arith.constant dense<0> : vector<1xi32>
      %reduce_sum3A_370 = vector.multi_reduction <add>, %reduce_sum3A_368, %reduce_sum3A_369 [1, 2] : vector<1x256x2048xi32> to vector<1xi32>
      %reduce_sum3A_371 = vector.shape_cast %reduce_sum3A_370 : vector<1xi32> to vector<1x1x1xi32>
      %reduce_sum3A_372 = vector.extract %reduce_sum3A_371[0, 0, 0] : i32 from vector<1x1x1xi32>
      %add3A_373 = arith.addi %add3A_351, %reduce_sum3A_372 : i32
      %get3A_374 = arith.constant 1792 : index
      %get3A_375 = arith.constant 0 : index
      %get3A_376 = vector.load %arg0[%get3A_374, %get3A_375] : memref<2048x2048xf32, #tpu.memory_space<vmem>>, vector<256x2048xf32>
      %bitcast_convert_type3A_377 = tpu.bitcast %get3A_376 : vector<256x2048xf32> -> vector<256x2048xi32>
      %ge3A_378 = vector.broadcast %add3A_191 : i32 to vector<256x2048xi32>
      %ge3A_379 = arith.cmpi sge, %bitcast_convert_type3A_377, %ge3A_378 : vector<256x2048xi32>
      %convert_element_type3A_380 = arith.extui %ge3A_379 : vector<256x2048xi1> to vector<256x2048xi32>
      %reduce_sum3A_381 = vector.shape_cast %convert_element_type3A_380 : vector<256x2048xi32> to vector<1x256x2048xi32>
      %reduce_sum3A_382 = arith.constant dense<0> : vector<1xi32>
      %reduce_sum3A_383 = vector.multi_reduction <add>, %reduce_sum3A_381, %reduce_sum3A_382 [1, 2] : vector<1x256x2048xi32> to vector<1xi32>
      %reduce_sum3A_384 = vector.shape_cast %reduce_sum3A_383 : vector<1xi32> to vector<1x1x1xi32>
      %reduce_sum3A_385 = vector.extract %reduce_sum3A_384[0, 0, 0] : i32 from vector<1x1x1xi32>
      %add3A_386 = arith.addi %add3A_364, %reduce_sum3A_385 : i32
      %ge3A_387 = vector.broadcast %add3A_217 : i32 to vector<256x2048xi32>
      %ge3A_388 = arith.cmpi sge, %bitcast_convert_type3A_377, %ge3A_387 : vector<256x2048xi32>
      %convert_element_type3A_389 = arith.extui %ge3A_388 : vector<256x2048xi1> to vector<256x2048xi32>
      %reduce_sum3A_390 = vector.shape_cast %convert_element_type3A_389 : vector<256x2048xi32> to vector<1x256x2048xi32>
      %reduce_sum3A_391 = arith.constant dense<0> : vector<1xi32>
      %reduce_sum3A_392 = vector.multi_reduction <add>, %reduce_sum3A_390, %reduce_sum3A_391 [1, 2] : vector<1x256x2048xi32> to vector<1xi32>
      %reduce_sum3A_393 = vector.shape_cast %reduce_sum3A_392 : vector<1xi32> to vector<1x1x1xi32>
      %reduce_sum3A_394 = vector.extract %reduce_sum3A_393[0, 0, 0] : i32 from vector<1x1x1xi32>
      %add3A_395 = arith.addi %add3A_373, %reduce_sum3A_394 : i32
      %ge3A_396 = arith.constant 131072 : i32
      %ge3A_397 = arith.cmpi sge, %add3A_386, %ge3A_396 : i32
      %ge3A_398 = arith.constant 131073 : i32
      %ge3A_399 = arith.cmpi sge, %add3A_395, %ge3A_398 : i32
      %select_n3A_400 = arith.select %ge3A_397, %add3A_191, %scan3A_168 : i32
      %select_n3A_401 = arith.select %ge3A_397, %scan3A_169, %add3A_191 : i32
      %select_n3A_402 = arith.select %ge3A_399, %add3A_217, %scan3A_170 : i32
      %select_n3A_403 = arith.select %ge3A_399, %scan3A_171, %add3A_217 : i32
      scf.yield %select_n3A_400, %select_n3A_401, %select_n3A_402, %select_n3A_403 : i32, i32, i32, i32
    }
    %bitcast_convert_type3A = arith.bitcast %scan3A_7#0 : i32 to f32
    %bitcast_convert_type3A_8 = arith.bitcast %scan3A_7#2 : i32 to f32
    %add3A = arith.addf %bitcast_convert_type3A, %bitcast_convert_type3A_8 : f32
    %mul3A = arith.constant 5.000000e-01 : f32
    %mul3A_9 = arith.mulf %add3A, %mul3A : f32
    %swap3A = arith.constant 0 : index
    %swap3A_10 = memref.load %arg1[%swap3A] : memref<1xf32, #tpu.memory_space<smem>>
    memref.store %mul3A_9, %arg1[%swap3A] : memref<1xf32, #tpu.memory_space<smem>>
    %broadcast_in_dim3A = arith.constant 0.000000e+00 : f32
    %broadcast_in_dim3A_11 = vector.broadcast %broadcast_in_dim3A : f32 to vector<1x2048xf32>
    %iota3A = tpu.iota {dimensions = array<i32: 0>} : vector<256x2048xi32>
    %add3A_12 = arith.constant 0 : i32
    %add3A_13 = vector.broadcast %add3A_12 : i32 to vector<256x2048xi32>
    %add3A_14 = arith.addi %iota3A, %add3A_13 : vector<256x2048xi32>
    %iota3A_15 = tpu.iota {dimensions = array<i32: 1>} : vector<256x2048xi32>
    %get3A = arith.constant 0 : index
    %get3A_16 = arith.constant 0 : index
    %get3A_17 = vector.load %arg0[%get3A, %get3A_16] : memref<2048x2048xf32, #tpu.memory_space<vmem>>, vector<256x2048xf32>
    %ge3A = vector.broadcast %mul3A_9 : f32 to vector<256x2048xf32>
    %ge3A_18 = arith.cmpf oge, %get3A_17, %ge3A : vector<256x2048xf32>
    %convert_element_type3A = arith.extui %ge3A_18 : vector<256x2048xi1> to vector<256x2048xi32>
    %convert_element_type3A_19 = arith.sitofp %convert_element_type3A : vector<256x2048xi32> to vector<256x2048xf32>
    %eq3A = arith.cmpi eq, %add3A_14, %iota3A_15 : vector<256x2048xi32>
    %jit3A = arith.constant 1.000000e+00 : f32
    %broadcast_in_dim3A_20 = vector.broadcast %jit3A : f32 to vector<256x2048xf32>
    %select_n3A = arith.select %eq3A, %broadcast_in_dim3A_20, %convert_element_type3A_19 : vector<256x2048xi1>, vector<256x2048xf32>
    %reduce_sum3A = arith.constant dense<0.000000e+00> : vector<2048xf32>
    %reduce_sum3A_21 = vector.multi_reduction <add>, %select_n3A, %reduce_sum3A [0] : vector<256x2048xf32> to vector<2048xf32>
    %broadcast_in_dim3A_22 = vector.shape_cast %reduce_sum3A_21 : vector<2048xf32> to vector<1x2048xf32>
    %add3A_23 = arith.addf %broadcast_in_dim3A_11, %broadcast_in_dim3A_22 : vector<1x2048xf32>
    %iota3A_24 = tpu.iota {dimensions = array<i32: 0>} : vector<256x2048xi32>
    %add3A_25 = arith.constant 256 : i32
    %add3A_26 = vector.broadcast %add3A_25 : i32 to vector<256x2048xi32>
    %add3A_27 = arith.addi %iota3A_24, %add3A_26 : vector<256x2048xi32>
    %iota3A_28 = tpu.iota {dimensions = array<i32: 1>} : vector<256x2048xi32>
    %get3A_29 = arith.constant 256 : index
    %get3A_30 = arith.constant 0 : index
    %get3A_31 = vector.load %arg0[%get3A_29, %get3A_30] : memref<2048x2048xf32, #tpu.memory_space<vmem>>, vector<256x2048xf32>
    %ge3A_32 = vector.broadcast %mul3A_9 : f32 to vector<256x2048xf32>
    %ge3A_33 = arith.cmpf oge, %get3A_31, %ge3A_32 : vector<256x2048xf32>
    %convert_element_type3A_34 = arith.extui %ge3A_33 : vector<256x2048xi1> to vector<256x2048xi32>
    %convert_element_type3A_35 = arith.sitofp %convert_element_type3A_34 : vector<256x2048xi32> to vector<256x2048xf32>
    %eq3A_36 = arith.cmpi eq, %add3A_27, %iota3A_28 : vector<256x2048xi32>
    %jit3A_37 = arith.constant 1.000000e+00 : f32
    %broadcast_in_dim3A_38 = vector.broadcast %jit3A_37 : f32 to vector<256x2048xf32>
    %select_n3A_39 = arith.select %eq3A_36, %broadcast_in_dim3A_38, %convert_element_type3A_35 : vector<256x2048xi1>, vector<256x2048xf32>
    %reduce_sum3A_40 = arith.constant dense<0.000000e+00> : vector<2048xf32>
    %reduce_sum3A_41 = vector.multi_reduction <add>, %select_n3A_39, %reduce_sum3A_40 [0] : vector<256x2048xf32> to vector<2048xf32>
    %broadcast_in_dim3A_42 = vector.shape_cast %reduce_sum3A_41 : vector<2048xf32> to vector<1x2048xf32>
    %add3A_43 = arith.addf %add3A_23, %broadcast_in_dim3A_42 : vector<1x2048xf32>
    %iota3A_44 = tpu.iota {dimensions = array<i32: 0>} : vector<256x2048xi32>
    %add3A_45 = arith.constant 512 : i32
    %add3A_46 = vector.broadcast %add3A_45 : i32 to vector<256x2048xi32>
    %add3A_47 = arith.addi %iota3A_44, %add3A_46 : vector<256x2048xi32>
    %iota3A_48 = tpu.iota {dimensions = array<i32: 1>} : vector<256x2048xi32>
    %get3A_49 = arith.constant 512 : index
    %get3A_50 = arith.constant 0 : index
    %get3A_51 = vector.load %arg0[%get3A_49, %get3A_50] : memref<2048x2048xf32, #tpu.memory_space<vmem>>, vector<256x2048xf32>
    %ge3A_52 = vector.broadcast %mul3A_9 : f32 to vector<256x2048xf32>
    %ge3A_53 = arith.cmpf oge, %get3A_51, %ge3A_52 : vector<256x2048xf32>
    %convert_element_type3A_54 = arith.extui %ge3A_53 : vector<256x2048xi1> to vector<256x2048xi32>
    %convert_element_type3A_55 = arith.sitofp %convert_element_type3A_54 : vector<256x2048xi32> to vector<256x2048xf32>
    %eq3A_56 = arith.cmpi eq, %add3A_47, %iota3A_48 : vector<256x2048xi32>
    %jit3A_57 = arith.constant 1.000000e+00 : f32
    %broadcast_in_dim3A_58 = vector.broadcast %jit3A_57 : f32 to vector<256x2048xf32>
    %select_n3A_59 = arith.select %eq3A_56, %broadcast_in_dim3A_58, %convert_element_type3A_55 : vector<256x2048xi1>, vector<256x2048xf32>
    %reduce_sum3A_60 = arith.constant dense<0.000000e+00> : vector<2048xf32>
    %reduce_sum3A_61 = vector.multi_reduction <add>, %select_n3A_59, %reduce_sum3A_60 [0] : vector<256x2048xf32> to vector<2048xf32>
    %broadcast_in_dim3A_62 = vector.shape_cast %reduce_sum3A_61 : vector<2048xf32> to vector<1x2048xf32>
    %add3A_63 = arith.addf %add3A_43, %broadcast_in_dim3A_62 : vector<1x2048xf32>
    %iota3A_64 = tpu.iota {dimensions = array<i32: 0>} : vector<256x2048xi32>
    %add3A_65 = arith.constant 768 : i32
    %add3A_66 = vector.broadcast %add3A_65 : i32 to vector<256x2048xi32>
    %add3A_67 = arith.addi %iota3A_64, %add3A_66 : vector<256x2048xi32>
    %iota3A_68 = tpu.iota {dimensions = array<i32: 1>} : vector<256x2048xi32>
    %get3A_69 = arith.constant 768 : index
    %get3A_70 = arith.constant 0 : index
    %get3A_71 = vector.load %arg0[%get3A_69, %get3A_70] : memref<2048x2048xf32, #tpu.memory_space<vmem>>, vector<256x2048xf32>
    %ge3A_72 = vector.broadcast %mul3A_9 : f32 to vector<256x2048xf32>
    %ge3A_73 = arith.cmpf oge, %get3A_71, %ge3A_72 : vector<256x2048xf32>
    %convert_element_type3A_74 = arith.extui %ge3A_73 : vector<256x2048xi1> to vector<256x2048xi32>
    %convert_element_type3A_75 = arith.sitofp %convert_element_type3A_74 : vector<256x2048xi32> to vector<256x2048xf32>
    %eq3A_76 = arith.cmpi eq, %add3A_67, %iota3A_68 : vector<256x2048xi32>
    %jit3A_77 = arith.constant 1.000000e+00 : f32
    %broadcast_in_dim3A_78 = vector.broadcast %jit3A_77 : f32 to vector<256x2048xf32>
    %select_n3A_79 = arith.select %eq3A_76, %broadcast_in_dim3A_78, %convert_element_type3A_75 : vector<256x2048xi1>, vector<256x2048xf32>
    %reduce_sum3A_80 = arith.constant dense<0.000000e+00> : vector<2048xf32>
    %reduce_sum3A_81 = vector.multi_reduction <add>, %select_n3A_79, %reduce_sum3A_80 [0] : vector<256x2048xf32> to vector<2048xf32>
    %broadcast_in_dim3A_82 = vector.shape_cast %reduce_sum3A_81 : vector<2048xf32> to vector<1x2048xf32>
    %add3A_83 = arith.addf %add3A_63, %broadcast_in_dim3A_82 : vector<1x2048xf32>
    %iota3A_84 = tpu.iota {dimensions = array<i32: 0>} : vector<256x2048xi32>
    %add3A_85 = arith.constant 1024 : i32
    %add3A_86 = vector.broadcast %add3A_85 : i32 to vector<256x2048xi32>
    %add3A_87 = arith.addi %iota3A_84, %add3A_86 : vector<256x2048xi32>
    %iota3A_88 = tpu.iota {dimensions = array<i32: 1>} : vector<256x2048xi32>
    %get3A_89 = arith.constant 1024 : index
    %get3A_90 = arith.constant 0 : index
    %get3A_91 = vector.load %arg0[%get3A_89, %get3A_90] : memref<2048x2048xf32, #tpu.memory_space<vmem>>, vector<256x2048xf32>
    %ge3A_92 = vector.broadcast %mul3A_9 : f32 to vector<256x2048xf32>
    %ge3A_93 = arith.cmpf oge, %get3A_91, %ge3A_92 : vector<256x2048xf32>
    %convert_element_type3A_94 = arith.extui %ge3A_93 : vector<256x2048xi1> to vector<256x2048xi32>
    %convert_element_type3A_95 = arith.sitofp %convert_element_type3A_94 : vector<256x2048xi32> to vector<256x2048xf32>
    %eq3A_96 = arith.cmpi eq, %add3A_87, %iota3A_88 : vector<256x2048xi32>
    %jit3A_97 = arith.constant 1.000000e+00 : f32
    %broadcast_in_dim3A_98 = vector.broadcast %jit3A_97 : f32 to vector<256x2048xf32>
    %select_n3A_99 = arith.select %eq3A_96, %broadcast_in_dim3A_98, %convert_element_type3A_95 : vector<256x2048xi1>, vector<256x2048xf32>
    %reduce_sum3A_100 = arith.constant dense<0.000000e+00> : vector<2048xf32>
    %reduce_sum3A_101 = vector.multi_reduction <add>, %select_n3A_99, %reduce_sum3A_100 [0] : vector<256x2048xf32> to vector<2048xf32>
    %broadcast_in_dim3A_102 = vector.shape_cast %reduce_sum3A_101 : vector<2048xf32> to vector<1x2048xf32>
    %add3A_103 = arith.addf %add3A_83, %broadcast_in_dim3A_102 : vector<1x2048xf32>
    %iota3A_104 = tpu.iota {dimensions = array<i32: 0>} : vector<256x2048xi32>
    %add3A_105 = arith.constant 1280 : i32
    %add3A_106 = vector.broadcast %add3A_105 : i32 to vector<256x2048xi32>
    %add3A_107 = arith.addi %iota3A_104, %add3A_106 : vector<256x2048xi32>
    %iota3A_108 = tpu.iota {dimensions = array<i32: 1>} : vector<256x2048xi32>
    %get3A_109 = arith.constant 1280 : index
    %get3A_110 = arith.constant 0 : index
    %get3A_111 = vector.load %arg0[%get3A_109, %get3A_110] : memref<2048x2048xf32, #tpu.memory_space<vmem>>, vector<256x2048xf32>
    %ge3A_112 = vector.broadcast %mul3A_9 : f32 to vector<256x2048xf32>
    %ge3A_113 = arith.cmpf oge, %get3A_111, %ge3A_112 : vector<256x2048xf32>
    %convert_element_type3A_114 = arith.extui %ge3A_113 : vector<256x2048xi1> to vector<256x2048xi32>
    %convert_element_type3A_115 = arith.sitofp %convert_element_type3A_114 : vector<256x2048xi32> to vector<256x2048xf32>
    %eq3A_116 = arith.cmpi eq, %add3A_107, %iota3A_108 : vector<256x2048xi32>
    %jit3A_117 = arith.constant 1.000000e+00 : f32
    %broadcast_in_dim3A_118 = vector.broadcast %jit3A_117 : f32 to vector<256x2048xf32>
    %select_n3A_119 = arith.select %eq3A_116, %broadcast_in_dim3A_118, %convert_element_type3A_115 : vector<256x2048xi1>, vector<256x2048xf32>
    %reduce_sum3A_120 = arith.constant dense<0.000000e+00> : vector<2048xf32>
    %reduce_sum3A_121 = vector.multi_reduction <add>, %select_n3A_119, %reduce_sum3A_120 [0] : vector<256x2048xf32> to vector<2048xf32>
    %broadcast_in_dim3A_122 = vector.shape_cast %reduce_sum3A_121 : vector<2048xf32> to vector<1x2048xf32>
    %add3A_123 = arith.addf %add3A_103, %broadcast_in_dim3A_122 : vector<1x2048xf32>
    %iota3A_124 = tpu.iota {dimensions = array<i32: 0>} : vector<256x2048xi32>
    %add3A_125 = arith.constant 1536 : i32
    %add3A_126 = vector.broadcast %add3A_125 : i32 to vector<256x2048xi32>
    %add3A_127 = arith.addi %iota3A_124, %add3A_126 : vector<256x2048xi32>
    %iota3A_128 = tpu.iota {dimensions = array<i32: 1>} : vector<256x2048xi32>
    %get3A_129 = arith.constant 1536 : index
    %get3A_130 = arith.constant 0 : index
    %get3A_131 = vector.load %arg0[%get3A_129, %get3A_130] : memref<2048x2048xf32, #tpu.memory_space<vmem>>, vector<256x2048xf32>
    %ge3A_132 = vector.broadcast %mul3A_9 : f32 to vector<256x2048xf32>
    %ge3A_133 = arith.cmpf oge, %get3A_131, %ge3A_132 : vector<256x2048xf32>
    %convert_element_type3A_134 = arith.extui %ge3A_133 : vector<256x2048xi1> to vector<256x2048xi32>
    %convert_element_type3A_135 = arith.sitofp %convert_element_type3A_134 : vector<256x2048xi32> to vector<256x2048xf32>
    %eq3A_136 = arith.cmpi eq, %add3A_127, %iota3A_128 : vector<256x2048xi32>
    %jit3A_137 = arith.constant 1.000000e+00 : f32
    %broadcast_in_dim3A_138 = vector.broadcast %jit3A_137 : f32 to vector<256x2048xf32>
    %select_n3A_139 = arith.select %eq3A_136, %broadcast_in_dim3A_138, %convert_element_type3A_135 : vector<256x2048xi1>, vector<256x2048xf32>
    %reduce_sum3A_140 = arith.constant dense<0.000000e+00> : vector<2048xf32>
    %reduce_sum3A_141 = vector.multi_reduction <add>, %select_n3A_139, %reduce_sum3A_140 [0] : vector<256x2048xf32> to vector<2048xf32>
    %broadcast_in_dim3A_142 = vector.shape_cast %reduce_sum3A_141 : vector<2048xf32> to vector<1x2048xf32>
    %add3A_143 = arith.addf %add3A_123, %broadcast_in_dim3A_142 : vector<1x2048xf32>
    %iota3A_144 = tpu.iota {dimensions = array<i32: 0>} : vector<256x2048xi32>
    %add3A_145 = arith.constant 1792 : i32
    %add3A_146 = vector.broadcast %add3A_145 : i32 to vector<256x2048xi32>
    %add3A_147 = arith.addi %iota3A_144, %add3A_146 : vector<256x2048xi32>
    %iota3A_148 = tpu.iota {dimensions = array<i32: 1>} : vector<256x2048xi32>
    %get3A_149 = arith.constant 1792 : index
    %get3A_150 = arith.constant 0 : index
    %get3A_151 = vector.load %arg0[%get3A_149, %get3A_150] : memref<2048x2048xf32, #tpu.memory_space<vmem>>, vector<256x2048xf32>
    %ge3A_152 = vector.broadcast %mul3A_9 : f32 to vector<256x2048xf32>
    %ge3A_153 = arith.cmpf oge, %get3A_151, %ge3A_152 : vector<256x2048xf32>
    %convert_element_type3A_154 = arith.extui %ge3A_153 : vector<256x2048xi1> to vector<256x2048xi32>
    %convert_element_type3A_155 = arith.sitofp %convert_element_type3A_154 : vector<256x2048xi32> to vector<256x2048xf32>
    %eq3A_156 = arith.cmpi eq, %add3A_147, %iota3A_148 : vector<256x2048xi32>
    %jit3A_157 = arith.constant 1.000000e+00 : f32
    %broadcast_in_dim3A_158 = vector.broadcast %jit3A_157 : f32 to vector<256x2048xf32>
    %select_n3A_159 = arith.select %eq3A_156, %broadcast_in_dim3A_158, %convert_element_type3A_155 : vector<256x2048xi1>, vector<256x2048xf32>
    %reduce_sum3A_160 = arith.constant dense<0.000000e+00> : vector<2048xf32>
    %reduce_sum3A_161 = vector.multi_reduction <add>, %select_n3A_159, %reduce_sum3A_160 [0] : vector<256x2048xf32> to vector<2048xf32>
    %broadcast_in_dim3A_162 = vector.shape_cast %reduce_sum3A_161 : vector<2048xf32> to vector<1x2048xf32>
    %add3A_163 = arith.addf %add3A_143, %broadcast_in_dim3A_162 : vector<1x2048xf32>
    %swap3A_164 = arith.constant 0 : index
    %swap3A_165 = arith.constant 0 : index
    %swap3A_166 = vector.load %arg2[%swap3A_164, %swap3A_165] : memref<1x2048xf32, #tpu.memory_space<vmem>>, vector<1x2048xf32>
    tpu.vector_store %arg2[%swap3A_164, %swap3A_165], %add3A_163 {strides = array<i32>} : memref<1x2048xf32, #tpu.memory_space<vmem>>, vector<1x2048xf32>,
    return
  }
}

module attributes {stable_mosaic.version = 14 : i64} {
  func.func @_gat_body(%arg0: i32, %arg1: memref<2048x256xf32, #tpu.memory_space<vmem>>, %arg2: memref<1xf32, #tpu.memory_space<smem>>, %arg3: memref<2048x1xf32, #tpu.memory_space<vmem>>, %arg4: memref<1x16xf32, #tpu.memory_space<vmem>>, %arg5: memref<16x1xf32, #tpu.memory_space<vmem>>, %arg6: memref<16x1xf32, #tpu.memory_space<vmem>>, %arg7: memref<1x16xf32, #tpu.memory_space<vmem>>, %arg8: memref<256x16xf32, #tpu.memory_space<vmem>>) attributes {dimension_semantics = [#tpu.dimension_semantics<arbitrary>], iteration_bounds = array<i64: 8>, scalar_prefetch = 0 : i64, scratch_operands = 0 : i64, tpu.core_type = #tpu.core_type<tc>, window_params = [{transform_indices = @transform_0, window_bounds = array<i64: 2048, 256>}, {transform_indices = @transform_1, window_bounds = array<i64: 1>}, {pipeline_mode = #tpu.pipeline_mode<synchronous>, transform_indices = @transform_2, window_bounds = array<i64: 2048, 1>}, {pipeline_mode = #tpu.pipeline_mode<synchronous>, transform_indices = @transform_3, window_bounds = array<i64: 1, 16>}, {pipeline_mode = #tpu.pipeline_mode<synchronous>, transform_indices = @transform_4, window_bounds = array<i64: 16, 1>}, {pipeline_mode = #tpu.pipeline_mode<synchronous>, transform_indices = @transform_5, window_bounds = array<i64: 16, 1>}, {pipeline_mode = #tpu.pipeline_mode<synchronous>, transform_indices = @transform_6, window_bounds = array<i64: 1, 16>}, {transform_indices = @transform_7, window_bounds = array<i64: 256, 16>}]} {
    %get3A = arith.constant 0 : index
    %get3A_0 = memref.load %arg2[%get3A] : memref<1xf32, #tpu.memory_space<smem>>
    %get3A_1 = arith.constant 0 : index
    %get3A_2 = arith.constant 0 : index
    %get3A_3 = vector.load %arg3[%get3A_1, %get3A_2] : memref<2048x1xf32, #tpu.memory_space<vmem>>, vector<2048x1xf32>
    %get3A_4 = arith.constant 0 : index
    %get3A_5 = arith.constant 0 : index
    %get3A_6 = vector.load %arg4[%get3A_4, %get3A_5] : memref<1x16xf32, #tpu.memory_space<vmem>>, vector<1x16xf32>
    %mul3A = vector.broadcast %get3A_3 : vector<2048x1xf32> to vector<2048x16xf32>
    %mul3A_7 = vector.broadcast %get3A_6 : vector<1x16xf32> to vector<2048x16xf32>
    %mul3A_8 = arith.mulf %mul3A, %mul3A_7 : vector<2048x16xf32>
    %get3A_9 = arith.constant 0 : index
    %get3A_10 = arith.constant 0 : index
    %get3A_11 = vector.load %arg5[%get3A_9, %get3A_10] : memref<16x1xf32, #tpu.memory_space<vmem>>, vector<16x1xf32>
    %dot_general3A = arith.constant dense<0.000000e+00> : vector<2048x1xf32>
    %dot_general3A_12 = tpu.matmul %mul3A_8, %get3A_11, %dot_general3A {dimension_numbers = #tpu.dot_dimension_numbers<[1], [0], [0], [1], [0, 0, 1, 1], [], []>, transpose_lhs_hint = false} : vector<2048x16xf32>, vector<16x1xf32>, vector<2048x1xf32> -> vector<2048x1xf32>
    %mul3A_13 = arith.constant 256 : i32
    %mul3A_14 = arith.muli %arg0, %mul3A_13 : i32
    %get3A_15 = arith.index_cast %mul3A_14 : i32 to index
    %get3A_16 = arith.constant 0 : index
    %get3A_17 = vector.load %arg3[%get3A_15, %get3A_16] : memref<2048x1xf32, #tpu.memory_space<vmem>>, vector<256x1xf32>
    %get3A_18 = arith.constant 0 : index
    %get3A_19 = arith.constant 0 : index
    %get3A_20 = vector.load %arg4[%get3A_18, %get3A_19] : memref<1x16xf32, #tpu.memory_space<vmem>>, vector<1x16xf32>
    %mul3A_21 = vector.broadcast %get3A_17 : vector<256x1xf32> to vector<256x16xf32>
    %mul3A_22 = vector.broadcast %get3A_20 : vector<1x16xf32> to vector<256x16xf32>
    %mul3A_23 = arith.mulf %mul3A_21, %mul3A_22 : vector<256x16xf32>
    %get3A_24 = arith.constant 0 : index
    %get3A_25 = arith.constant 0 : index
    %get3A_26 = vector.load %arg6[%get3A_24, %get3A_25] : memref<16x1xf32, #tpu.memory_space<vmem>>, vector<16x1xf32>
    %dot_general3A_27 = arith.constant dense<0.000000e+00> : vector<1x256xf32>
    %dot_general3A_28 = tpu.matmul %get3A_26, %mul3A_23, %dot_general3A_27 {dimension_numbers = #tpu.dot_dimension_numbers<[0], [1], [1], [0], [0, 1, 1, 0], [], []>, transpose_lhs_hint = false} : vector<16x1xf32>, vector<256x16xf32>, vector<1x256xf32> -> vector<1x256xf32>
    %iota3A = tpu.iota {dimensions = array<i32: 0>} : vector<2048x256xi32>
    %iota3A_29 = tpu.iota {dimensions = array<i32: 1>} : vector<2048x256xi32>
    %mul3A_30 = arith.constant 256 : i32
    %mul3A_31 = arith.muli %arg0, %mul3A_30 : i32
    %add3A = vector.broadcast %mul3A_31 : i32 to vector<2048x256xi32>
    %add3A_32 = arith.addi %iota3A_29, %add3A : vector<2048x256xi32>
    %get3A_33 = arith.constant 0 : index
    %get3A_34 = arith.constant 0 : index
    %get3A_35 = vector.load %arg1[%get3A_33, %get3A_34] : memref<2048x256xf32, #tpu.memory_space<vmem>>, vector<2048x256xf32>
    %ge3A = vector.broadcast %get3A_0 : f32 to vector<2048x256xf32>
    %ge3A_36 = arith.cmpf oge, %get3A_35, %ge3A : vector<2048x256xf32>
    %eq3A = arith.cmpi eq, %iota3A, %add3A_32 : vector<2048x256xi32>
    %or3A = arith.ori %ge3A_36, %eq3A : vector<2048x256xi1>
    %add3A_37 = vector.broadcast %dot_general3A_12 : vector<2048x1xf32> to vector<2048x256xf32>
    %add3A_38 = vector.broadcast %dot_general3A_28 : vector<1x256xf32> to vector<2048x256xf32>
    %add3A_39 = arith.addf %add3A_37, %add3A_38 : vector<2048x256xf32>
    %ge3A_40 = arith.constant 0.000000e+00 : f32
    %ge3A_41 = vector.broadcast %ge3A_40 : f32 to vector<2048x256xf32>
    %ge3A_42 = arith.cmpf oge, %add3A_39, %ge3A_41 : vector<2048x256xf32>
    %mul3A_43 = arith.constant 2.000000e-01 : f32
    %mul3A_44 = vector.broadcast %mul3A_43 : f32 to vector<2048x256xf32>
    %mul3A_45 = arith.mulf %mul3A_44, %add3A_39 : vector<2048x256xf32>
    %select_n3A = arith.select %ge3A_42, %add3A_39, %mul3A_45 : vector<2048x256xi1>, vector<2048x256xf32>
    %jit3A = arith.constant -1.000000e+09 : f32
    %broadcast_in_dim3A = vector.broadcast %jit3A : f32 to vector<2048x256xf32>
    %select_n3A_46 = arith.select %or3A, %select_n3A, %broadcast_in_dim3A : vector<2048x256xi1>, vector<2048x256xf32>
    %reduce_max3A = arith.constant dense<0xFF800000> : vector<256xf32>
    %reduce_max3A_47 = vector.multi_reduction <maximumf>, %select_n3A_46, %reduce_max3A [0] : vector<2048x256xf32> to vector<256xf32>
    %broadcast_in_dim3A_48 = vector.shape_cast %reduce_max3A_47 : vector<256xf32> to vector<1x256xf32>
    %sub3A = vector.broadcast %broadcast_in_dim3A_48 : vector<1x256xf32> to vector<2048x256xf32>
    %sub3A_49 = arith.subf %select_n3A_46, %sub3A : vector<2048x256xf32>
    %exp3A = math.exp %sub3A_49 : vector<2048x256xf32>
    %reduce_sum3A = arith.constant dense<0.000000e+00> : vector<256xf32>
    %reduce_sum3A_50 = vector.multi_reduction <add>, %exp3A, %reduce_sum3A [0] : vector<2048x256xf32> to vector<256xf32>
    %broadcast_in_dim3A_51 = vector.shape_cast %reduce_sum3A_50 : vector<256xf32> to vector<1x256xf32>
    %div3A = vector.broadcast %broadcast_in_dim3A_51 : vector<1x256xf32> to vector<2048x256xf32>
    %div3A_52 = arith.divf %exp3A, %div3A : vector<2048x256xf32>
    %jit3A_53 = arith.constant 0.000000e+00 : f32
    %broadcast_in_dim3A_54 = vector.broadcast %jit3A_53 : f32 to vector<2048x256xf32>
    %select_n3A_55 = arith.select %or3A, %div3A_52, %broadcast_in_dim3A_54 : vector<2048x256xi1>, vector<2048x256xf32>
    %dot_general3A_56 = arith.constant dense<0.000000e+00> : vector<256x16xf32>
    %dot_general3A_57 = tpu.matmul %select_n3A_55, %mul3A_8, %dot_general3A_56 {dimension_numbers = #tpu.dot_dimension_numbers<[0], [0], [1], [1], [0, 1, 1, 1], [], []>, transpose_lhs_hint = false} : vector<2048x256xf32>, vector<2048x16xf32>, vector<256x16xf32> -> vector<256x16xf32>
    %get3A_58 = arith.constant 0 : index
    %get3A_59 = arith.constant 0 : index
    %get3A_60 = vector.load %arg7[%get3A_58, %get3A_59] : memref<1x16xf32, #tpu.memory_space<vmem>>, vector<1x16xf32>
    %add3A_61 = vector.broadcast %get3A_60 : vector<1x16xf32> to vector<256x16xf32>
    %add3A_62 = arith.addf %dot_general3A_57, %add3A_61 : vector<256x16xf32>
    %gt3A = arith.constant 0.000000e+00 : f32
    %gt3A_63 = vector.broadcast %gt3A : f32 to vector<256x16xf32>
    %gt3A_64 = arith.cmpf ogt, %add3A_62, %gt3A_63 : vector<256x16xf32>
    %exp3A_65 = math.exp %add3A_62 : vector<256x16xf32>
    %sub3A_66 = arith.constant 1.000000e+00 : f32
    %sub3A_67 = vector.broadcast %sub3A_66 : f32 to vector<256x16xf32>
    %sub3A_68 = arith.subf %exp3A_65, %sub3A_67 : vector<256x16xf32>
    %select_n3A_69 = arith.select %gt3A_64, %add3A_62, %sub3A_68 : vector<256x16xi1>, vector<256x16xf32>
    %swap3A = arith.constant 0 : index
    %swap3A_70 = arith.constant 0 : index
    %swap3A_71 = vector.load %arg8[%swap3A, %swap3A_70] : memref<256x16xf32, #tpu.memory_space<vmem>>, vector<256x16xf32>
    tpu.vector_store %arg8[%swap3A, %swap3A_70], %select_n3A_69 {strides = array<i32>} : memref<256x16xf32, #tpu.memory_space<vmem>>, vector<256x16xf32>,
    return
  }
  func.func @transform_0(%arg0: i32) -> (i32, i32) {
    %c0_i32 = arith.constant 0 : i32
    %c0_i32_0 = arith.constant 0 : i32
    return %c0_i32, %arg0 : i32, i32
  }
  func.func @transform_1(%arg0: i32) -> i32 {
    %c0_i32 = arith.constant 0 : i32
    %c0_i32_0 = arith.constant 0 : i32
    return %c0_i32 : i32
  }
  func.func @transform_2(%arg0: i32) -> (i32, i32) {
    %c0_i32 = arith.constant 0 : i32
    %c0_i32_0 = arith.constant 0 : i32
    %c0_i32_1 = arith.constant 0 : i32
    return %c0_i32, %c0_i32_0 : i32, i32
  }
  func.func @transform_3(%arg0: i32) -> (i32, i32) {
    %c0_i32 = arith.constant 0 : i32
    %c0_i32_0 = arith.constant 0 : i32
    %c0_i32_1 = arith.constant 0 : i32
    return %c0_i32, %c0_i32_0 : i32, i32
  }
  func.func @transform_4(%arg0: i32) -> (i32, i32) {
    %c0_i32 = arith.constant 0 : i32
    %c0_i32_0 = arith.constant 0 : i32
    %c0_i32_1 = arith.constant 0 : i32
    return %c0_i32, %c0_i32_0 : i32, i32
  }
  func.func @transform_5(%arg0: i32) -> (i32, i32) {
    %c0_i32 = arith.constant 0 : i32
    %c0_i32_0 = arith.constant 0 : i32
    %c0_i32_1 = arith.constant 0 : i32
    return %c0_i32, %c0_i32_0 : i32, i32
  }
  func.func @transform_6(%arg0: i32) -> (i32, i32) {
    %c0_i32 = arith.constant 0 : i32
    %c0_i32_0 = arith.constant 0 : i32
    %c0_i32_1 = arith.constant 0 : i32
    return %c0_i32, %c0_i32_0 : i32, i32
  }
  func.func @transform_7(%arg0: i32) -> (i32, i32) {
    %c0_i32 = arith.constant 0 : i32
    %c0_i32_0 = arith.constant 0 : i32
    return %arg0, %c0_i32 : i32, i32
  }
}

module attributes {stable_mosaic.version = 14 : i64} {
  func.func @_gcn_body(%arg0: i32, %arg1: memref<2048x256xf32, #tpu.memory_space<vmem>>, %arg2: memref<1xf32, #tpu.memory_space<smem>>, %arg3: memref<2048x1xf32, #tpu.memory_space<vmem>>, %arg4: memref<2048x16xf32, #tpu.memory_space<vmem>>, %arg5: memref<16x32xf32, #tpu.memory_space<vmem>>, %arg6: memref<1x32xf32, #tpu.memory_space<vmem>>, %arg7: memref<256x32xf32, #tpu.memory_space<vmem>>) attributes {dimension_semantics = [#tpu.dimension_semantics<arbitrary>], iteration_bounds = array<i64: 8>, scalar_prefetch = 0 : i64, scratch_operands = 0 : i64, tpu.core_type = #tpu.core_type<tc>, window_params = [{transform_indices = @transform_0, window_bounds = array<i64: 2048, 256>}, {transform_indices = @transform_1, window_bounds = array<i64: 1>}, {pipeline_mode = #tpu.pipeline_mode<synchronous>, transform_indices = @transform_2, window_bounds = array<i64: 2048, 1>}, {pipeline_mode = #tpu.pipeline_mode<synchronous>, transform_indices = @transform_3, window_bounds = array<i64: 2048, 16>}, {pipeline_mode = #tpu.pipeline_mode<synchronous>, transform_indices = @transform_4, window_bounds = array<i64: 16, 32>}, {pipeline_mode = #tpu.pipeline_mode<synchronous>, transform_indices = @transform_5, window_bounds = array<i64: 1, 32>}, {transform_indices = @transform_6, window_bounds = array<i64: 256, 32>}]} {
    %get3A = arith.constant 0 : index
    %get3A_0 = memref.load %arg2[%get3A] : memref<1xf32, #tpu.memory_space<smem>>
    %iota3A = tpu.iota {dimensions = array<i32: 0>} : vector<2048x256xi32>
    %iota3A_1 = tpu.iota {dimensions = array<i32: 1>} : vector<2048x256xi32>
    %mul3A = arith.constant 256 : i32
    %mul3A_2 = arith.muli %arg0, %mul3A : i32
    %add3A = vector.broadcast %mul3A_2 : i32 to vector<2048x256xi32>
    %add3A_3 = arith.addi %iota3A_1, %add3A : vector<2048x256xi32>
    %get3A_4 = arith.constant 0 : index
    %get3A_5 = arith.constant 0 : index
    %get3A_6 = vector.load %arg1[%get3A_4, %get3A_5] : memref<2048x256xf32, #tpu.memory_space<vmem>>, vector<2048x256xf32>
    %ge3A = vector.broadcast %get3A_0 : f32 to vector<2048x256xf32>
    %ge3A_7 = arith.cmpf oge, %get3A_6, %ge3A : vector<2048x256xf32>
    %convert_element_type3A = arith.extui %ge3A_7 : vector<2048x256xi1> to vector<2048x256xi32>
    %convert_element_type3A_8 = arith.sitofp %convert_element_type3A : vector<2048x256xi32> to vector<2048x256xf32>
    %eq3A = arith.cmpi eq, %iota3A, %add3A_3 : vector<2048x256xi32>
    %jit3A = arith.constant 1.000000e+00 : f32
    %broadcast_in_dim3A = vector.broadcast %jit3A : f32 to vector<2048x256xf32>
    %select_n3A = arith.select %eq3A, %broadcast_in_dim3A, %convert_element_type3A_8 : vector<2048x256xi1>, vector<2048x256xf32>
    %get3A_9 = arith.constant 0 : index
    %get3A_10 = arith.constant 0 : index
    %get3A_11 = vector.load %arg3[%get3A_9, %get3A_10] : memref<2048x1xf32, #tpu.memory_space<vmem>>, vector<2048x1xf32>
    %rsqrt3A = math.rsqrt %get3A_11 : vector<2048x1xf32>
    %get3A_12 = arith.constant 0 : index
    %get3A_13 = arith.constant 0 : index
    %get3A_14 = vector.load %arg4[%get3A_12, %get3A_13] : memref<2048x16xf32, #tpu.memory_space<vmem>>, vector<2048x16xf32>
    %get3A_15 = arith.constant 0 : index
    %get3A_16 = arith.constant 0 : index
    %get3A_17 = vector.load %arg5[%get3A_15, %get3A_16] : memref<16x32xf32, #tpu.memory_space<vmem>>, vector<16x32xf32>
    %dot_general3A = arith.constant dense<0.000000e+00> : vector<2048x32xf32>
    %dot_general3A_18 = tpu.matmul %get3A_14, %get3A_17, %dot_general3A {dimension_numbers = #tpu.dot_dimension_numbers<[1], [0], [0], [1], [0, 0, 1, 1], [], []>, transpose_lhs_hint = false} : vector<2048x16xf32>, vector<16x32xf32>, vector<2048x32xf32> -> vector<2048x32xf32>
    %mul3A_19 = vector.broadcast %rsqrt3A : vector<2048x1xf32> to vector<2048x32xf32>
    %mul3A_20 = arith.mulf %mul3A_19, %dot_general3A_18 : vector<2048x32xf32>
    %dot_general3A_21 = arith.constant dense<0.000000e+00> : vector<256x32xf32>
    %dot_general3A_22 = tpu.matmul %select_n3A, %mul3A_20, %dot_general3A_21 {dimension_numbers = #tpu.dot_dimension_numbers<[0], [0], [1], [1], [0, 1, 1, 1], [], []>, transpose_lhs_hint = false} : vector<2048x256xf32>, vector<2048x32xf32>, vector<256x32xf32> -> vector<256x32xf32>
    %mul3A_23 = arith.constant 256 : i32
    %mul3A_24 = arith.muli %arg0, %mul3A_23 : i32
    %get3A_25 = arith.index_cast %mul3A_24 : i32 to index
    %get3A_26 = arith.constant 0 : index
    %get3A_27 = vector.load %arg3[%get3A_25, %get3A_26] : memref<2048x1xf32, #tpu.memory_space<vmem>>, vector<256x1xf32>
    %rsqrt3A_28 = math.rsqrt %get3A_27 : vector<256x1xf32>
    %mul3A_29 = vector.broadcast %rsqrt3A_28 : vector<256x1xf32> to vector<256x32xf32>
    %mul3A_30 = arith.mulf %mul3A_29, %dot_general3A_22 : vector<256x32xf32>
    %get3A_31 = arith.constant 0 : index
    %get3A_32 = arith.constant 0 : index
    %get3A_33 = vector.load %arg6[%get3A_31, %get3A_32] : memref<1x32xf32, #tpu.memory_space<vmem>>, vector<1x32xf32>
    %add3A_34 = vector.broadcast %get3A_33 : vector<1x32xf32> to vector<256x32xf32>
    %add3A_35 = arith.addf %mul3A_30, %add3A_34 : vector<256x32xf32>
    %gt3A = arith.constant 0.000000e+00 : f32
    %gt3A_36 = vector.broadcast %gt3A : f32 to vector<256x32xf32>
    %gt3A_37 = arith.cmpf ogt, %add3A_35, %gt3A_36 : vector<256x32xf32>
    %exp3A = math.exp %add3A_35 : vector<256x32xf32>
    %sub3A = arith.constant 1.000000e+00 : f32
    %sub3A_38 = vector.broadcast %sub3A : f32 to vector<256x32xf32>
    %sub3A_39 = arith.subf %exp3A, %sub3A_38 : vector<256x32xf32>
    %select_n3A_40 = arith.select %gt3A_37, %add3A_35, %sub3A_39 : vector<256x32xi1>, vector<256x32xf32>
    %swap3A = arith.constant 0 : index
    %swap3A_41 = arith.constant 0 : index
    %swap3A_42 = vector.load %arg7[%swap3A, %swap3A_41] : memref<256x32xf32, #tpu.memory_space<vmem>>, vector<256x32xf32>
    tpu.vector_store %arg7[%swap3A, %swap3A_41], %select_n3A_40 {strides = array<i32>} : memref<256x32xf32, #tpu.memory_space<vmem>>, vector<256x32xf32>,
    return
  }
  func.func @transform_0(%arg0: i32) -> (i32, i32) {
    %c0_i32 = arith.constant 0 : i32
    %c0_i32_0 = arith.constant 0 : i32
    return %c0_i32, %arg0 : i32, i32
  }
  func.func @transform_1(%arg0: i32) -> i32 {
    %c0_i32 = arith.constant 0 : i32
    %c0_i32_0 = arith.constant 0 : i32
    return %c0_i32 : i32
  }
  func.func @transform_2(%arg0: i32) -> (i32, i32) {
    %c0_i32 = arith.constant 0 : i32
    %c0_i32_0 = arith.constant 0 : i32
    %c0_i32_1 = arith.constant 0 : i32
    return %c0_i32, %c0_i32_0 : i32, i32
  }
  func.func @transform_3(%arg0: i32) -> (i32, i32) {
    %c0_i32 = arith.constant 0 : i32
    %c0_i32_0 = arith.constant 0 : i32
    %c0_i32_1 = arith.constant 0 : i32
    return %c0_i32, %c0_i32_0 : i32, i32
  }
  func.func @transform_4(%arg0: i32) -> (i32, i32) {
    %c0_i32 = arith.constant 0 : i32
    %c0_i32_0 = arith.constant 0 : i32
    %c0_i32_1 = arith.constant 0 : i32
    return %c0_i32, %c0_i32_0 : i32, i32
  }
  func.func @transform_5(%arg0: i32) -> (i32, i32) {
    %c0_i32 = arith.constant 0 : i32
    %c0_i32_0 = arith.constant 0 : i32
    %c0_i32_1 = arith.constant 0 : i32
    return %c0_i32, %c0_i32_0 : i32, i32
  }
  func.func @transform_6(%arg0: i32) -> (i32, i32) {
    %c0_i32 = arith.constant 0 : i32
    %c0_i32_0 = arith.constant 0 : i32
    return %arg0, %c0_i32 : i32, i32
  }
}

module attributes {stable_mosaic.version = 14 : i64} {
  func.func @_pool_body(%arg0: i32, %arg1: memref<2048x32xf32, #tpu.memory_space<vmem>>, %arg2: memref<2048x1xi32, #tpu.memory_space<vmem>>, %arg3: memref<96x2xf32, #tpu.memory_space<vmem>>, %arg4: memref<1x2xf32, #tpu.memory_space<vmem>>, %arg5: memref<8x2xf32, #tpu.memory_space<vmem>>) attributes {dimension_semantics = [#tpu.dimension_semantics<arbitrary>], iteration_bounds = array<i64: 1>, scalar_prefetch = 0 : i64, scratch_operands = 0 : i64, tpu.core_type = #tpu.core_type<tc>, window_params = [{pipeline_mode = #tpu.pipeline_mode<synchronous>, transform_indices = @transform_0, window_bounds = array<i64: 2048, 32>}, {pipeline_mode = #tpu.pipeline_mode<synchronous>, transform_indices = @transform_1, window_bounds = array<i64: 2048, 1>}, {pipeline_mode = #tpu.pipeline_mode<synchronous>, transform_indices = @transform_2, window_bounds = array<i64: 96, 2>}, {pipeline_mode = #tpu.pipeline_mode<synchronous>, transform_indices = @transform_3, window_bounds = array<i64: 1, 2>}, {pipeline_mode = #tpu.pipeline_mode<synchronous>, transform_indices = @transform_4, window_bounds = array<i64: 8, 2>}]} {
    %get3A = arith.constant 0 : index
    %get3A_0 = arith.constant 0 : index
    %get3A_1 = vector.load %arg1[%get3A, %get3A_0] : memref<2048x32xf32, #tpu.memory_space<vmem>>, vector<2048x32xf32>
    %get3A_2 = arith.constant 0 : index
    %get3A_3 = arith.constant 0 : index
    %get3A_4 = vector.load %arg2[%get3A_2, %get3A_3] : memref<2048x1xi32, #tpu.memory_space<vmem>>, vector<2048x1xi32>
    %iota3A = tpu.iota {dimensions = array<i32: 1>} : vector<2048x8xi32>
    %eq3A = vector.broadcast %get3A_4 : vector<2048x1xi32> to vector<2048x8xi32>
    %eq3A_5 = arith.cmpi eq, %eq3A, %iota3A : vector<2048x8xi32>
    %convert_element_type3A = arith.extui %eq3A_5 : vector<2048x8xi1> to vector<2048x8xi32>
    %convert_element_type3A_6 = arith.sitofp %convert_element_type3A : vector<2048x8xi32> to vector<2048x8xf32>
    %dot_general3A = arith.constant dense<0.000000e+00> : vector<8x32xf32>
    %dot_general3A_7 = tpu.matmul %convert_element_type3A_6, %get3A_1, %dot_general3A {dimension_numbers = #tpu.dot_dimension_numbers<[0], [0], [1], [1], [0, 1, 1, 1], [], []>, transpose_lhs_hint = false} : vector<2048x8xf32>, vector<2048x32xf32>, vector<8x32xf32> -> vector<8x32xf32>
    %broadcast_in_dim3A = arith.constant 1.000000e+00 : f32
    %broadcast_in_dim3A_8 = vector.broadcast %broadcast_in_dim3A : f32 to vector<2048x1xf32>
    %dot_general3A_9 = arith.constant dense<0.000000e+00> : vector<8x1xf32>
    %dot_general3A_10 = tpu.matmul %convert_element_type3A_6, %broadcast_in_dim3A_8, %dot_general3A_9 {dimension_numbers = #tpu.dot_dimension_numbers<[0], [0], [1], [1], [0, 1, 1, 1], [], []>, transpose_lhs_hint = false} : vector<2048x8xf32>, vector<2048x1xf32>, vector<8x1xf32> -> vector<8x1xf32>
    %max3A = arith.constant 1.000000e+00 : f32
    %max3A_11 = vector.broadcast %max3A : f32 to vector<8x1xf32>
    %max3A_12 = arith.maximumf %dot_general3A_10, %max3A_11 : vector<8x1xf32>
    %div3A = vector.broadcast %max3A_12 : vector<8x1xf32> to vector<8x32xf32>
    %div3A_13 = arith.divf %dot_general3A_7, %div3A : vector<8x32xf32>
    %eq3A_14 = arith.constant 0 : i32
    %eq3A_15 = vector.broadcast %eq3A_14 : i32 to vector<2048x1xi32>
    %eq3A_16 = arith.cmpi eq, %get3A_4, %eq3A_15 : vector<2048x1xi32>
    %jit3A = arith.constant 0xFF800000 : f32
    %broadcast_in_dim3A_17 = vector.shape_cast %eq3A_16 : vector<2048x1xi1> to vector<2048x1xi1>
    %broadcast_in_dim3A_18 = vector.broadcast %broadcast_in_dim3A_17 : vector<2048x1xi1> to vector<2048x32xi1>
    %broadcast_in_dim3A_19 = vector.broadcast %jit3A : f32 to vector<2048x32xf32>
    %select_n3A = arith.select %broadcast_in_dim3A_18, %get3A_1, %broadcast_in_dim3A_19 : vector<2048x32xi1>, vector<2048x32xf32>
    %reduce_max3A = arith.constant dense<0xFF800000> : vector<32xf32>
    %reduce_max3A_20 = vector.multi_reduction <maximumf>, %select_n3A, %reduce_max3A [0] : vector<2048x32xf32> to vector<32xf32>
    %broadcast_in_dim3A_21 = vector.shape_cast %reduce_max3A_20 : vector<32xf32> to vector<1x32xf32>
    %eq3A_22 = arith.constant 1 : i32
    %eq3A_23 = vector.broadcast %eq3A_22 : i32 to vector<2048x1xi32>
    %eq3A_24 = arith.cmpi eq, %get3A_4, %eq3A_23 : vector<2048x1xi32>
    %jit3A_25 = arith.constant 0xFF800000 : f32
    %broadcast_in_dim3A_26 = vector.shape_cast %eq3A_24 : vector<2048x1xi1> to vector<2048x1xi1>
    %broadcast_in_dim3A_27 = vector.broadcast %broadcast_in_dim3A_26 : vector<2048x1xi1> to vector<2048x32xi1>
    %broadcast_in_dim3A_28 = vector.broadcast %jit3A_25 : f32 to vector<2048x32xf32>
    %select_n3A_29 = arith.select %broadcast_in_dim3A_27, %get3A_1, %broadcast_in_dim3A_28 : vector<2048x32xi1>, vector<2048x32xf32>
    %reduce_max3A_30 = arith.constant dense<0xFF800000> : vector<32xf32>
    %reduce_max3A_31 = vector.multi_reduction <maximumf>, %select_n3A_29, %reduce_max3A_30 [0] : vector<2048x32xf32> to vector<32xf32>
    %broadcast_in_dim3A_32 = vector.shape_cast %reduce_max3A_31 : vector<32xf32> to vector<1x32xf32>
    %eq3A_33 = arith.constant 2 : i32
    %eq3A_34 = vector.broadcast %eq3A_33 : i32 to vector<2048x1xi32>
    %eq3A_35 = arith.cmpi eq, %get3A_4, %eq3A_34 : vector<2048x1xi32>
    %jit3A_36 = arith.constant 0xFF800000 : f32
    %broadcast_in_dim3A_37 = vector.shape_cast %eq3A_35 : vector<2048x1xi1> to vector<2048x1xi1>
    %broadcast_in_dim3A_38 = vector.broadcast %broadcast_in_dim3A_37 : vector<2048x1xi1> to vector<2048x32xi1>
    %broadcast_in_dim3A_39 = vector.broadcast %jit3A_36 : f32 to vector<2048x32xf32>
    %select_n3A_40 = arith.select %broadcast_in_dim3A_38, %get3A_1, %broadcast_in_dim3A_39 : vector<2048x32xi1>, vector<2048x32xf32>
    %reduce_max3A_41 = arith.constant dense<0xFF800000> : vector<32xf32>
    %reduce_max3A_42 = vector.multi_reduction <maximumf>, %select_n3A_40, %reduce_max3A_41 [0] : vector<2048x32xf32> to vector<32xf32>
    %broadcast_in_dim3A_43 = vector.shape_cast %reduce_max3A_42 : vector<32xf32> to vector<1x32xf32>
    %eq3A_44 = arith.constant 3 : i32
    %eq3A_45 = vector.broadcast %eq3A_44 : i32 to vector<2048x1xi32>
    %eq3A_46 = arith.cmpi eq, %get3A_4, %eq3A_45 : vector<2048x1xi32>
    %jit3A_47 = arith.constant 0xFF800000 : f32
    %broadcast_in_dim3A_48 = vector.shape_cast %eq3A_46 : vector<2048x1xi1> to vector<2048x1xi1>
    %broadcast_in_dim3A_49 = vector.broadcast %broadcast_in_dim3A_48 : vector<2048x1xi1> to vector<2048x32xi1>
    %broadcast_in_dim3A_50 = vector.broadcast %jit3A_47 : f32 to vector<2048x32xf32>
    %select_n3A_51 = arith.select %broadcast_in_dim3A_49, %get3A_1, %broadcast_in_dim3A_50 : vector<2048x32xi1>, vector<2048x32xf32>
    %reduce_max3A_52 = arith.constant dense<0xFF800000> : vector<32xf32>
    %reduce_max3A_53 = vector.multi_reduction <maximumf>, %select_n3A_51, %reduce_max3A_52 [0] : vector<2048x32xf32> to vector<32xf32>
    %broadcast_in_dim3A_54 = vector.shape_cast %reduce_max3A_53 : vector<32xf32> to vector<1x32xf32>
    %eq3A_55 = arith.constant 4 : i32
    %eq3A_56 = vector.broadcast %eq3A_55 : i32 to vector<2048x1xi32>
    %eq3A_57 = arith.cmpi eq, %get3A_4, %eq3A_56 : vector<2048x1xi32>
    %jit3A_58 = arith.constant 0xFF800000 : f32
    %broadcast_in_dim3A_59 = vector.shape_cast %eq3A_57 : vector<2048x1xi1> to vector<2048x1xi1>
    %broadcast_in_dim3A_60 = vector.broadcast %broadcast_in_dim3A_59 : vector<2048x1xi1> to vector<2048x32xi1>
    %broadcast_in_dim3A_61 = vector.broadcast %jit3A_58 : f32 to vector<2048x32xf32>
    %select_n3A_62 = arith.select %broadcast_in_dim3A_60, %get3A_1, %broadcast_in_dim3A_61 : vector<2048x32xi1>, vector<2048x32xf32>
    %reduce_max3A_63 = arith.constant dense<0xFF800000> : vector<32xf32>
    %reduce_max3A_64 = vector.multi_reduction <maximumf>, %select_n3A_62, %reduce_max3A_63 [0] : vector<2048x32xf32> to vector<32xf32>
    %broadcast_in_dim3A_65 = vector.shape_cast %reduce_max3A_64 : vector<32xf32> to vector<1x32xf32>
    %eq3A_66 = arith.constant 5 : i32
    %eq3A_67 = vector.broadcast %eq3A_66 : i32 to vector<2048x1xi32>
    %eq3A_68 = arith.cmpi eq, %get3A_4, %eq3A_67 : vector<2048x1xi32>
    %jit3A_69 = arith.constant 0xFF800000 : f32
    %broadcast_in_dim3A_70 = vector.shape_cast %eq3A_68 : vector<2048x1xi1> to vector<2048x1xi1>
    %broadcast_in_dim3A_71 = vector.broadcast %broadcast_in_dim3A_70 : vector<2048x1xi1> to vector<2048x32xi1>
    %broadcast_in_dim3A_72 = vector.broadcast %jit3A_69 : f32 to vector<2048x32xf32>
    %select_n3A_73 = arith.select %broadcast_in_dim3A_71, %get3A_1, %broadcast_in_dim3A_72 : vector<2048x32xi1>, vector<2048x32xf32>
    %reduce_max3A_74 = arith.constant dense<0xFF800000> : vector<32xf32>
    %reduce_max3A_75 = vector.multi_reduction <maximumf>, %select_n3A_73, %reduce_max3A_74 [0] : vector<2048x32xf32> to vector<32xf32>
    %broadcast_in_dim3A_76 = vector.shape_cast %reduce_max3A_75 : vector<32xf32> to vector<1x32xf32>
    %eq3A_77 = arith.constant 6 : i32
    %eq3A_78 = vector.broadcast %eq3A_77 : i32 to vector<2048x1xi32>
    %eq3A_79 = arith.cmpi eq, %get3A_4, %eq3A_78 : vector<2048x1xi32>
    %jit3A_80 = arith.constant 0xFF800000 : f32
    %broadcast_in_dim3A_81 = vector.shape_cast %eq3A_79 : vector<2048x1xi1> to vector<2048x1xi1>
    %broadcast_in_dim3A_82 = vector.broadcast %broadcast_in_dim3A_81 : vector<2048x1xi1> to vector<2048x32xi1>
    %broadcast_in_dim3A_83 = vector.broadcast %jit3A_80 : f32 to vector<2048x32xf32>
    %select_n3A_84 = arith.select %broadcast_in_dim3A_82, %get3A_1, %broadcast_in_dim3A_83 : vector<2048x32xi1>, vector<2048x32xf32>
    %reduce_max3A_85 = arith.constant dense<0xFF800000> : vector<32xf32>
    %reduce_max3A_86 = vector.multi_reduction <maximumf>, %select_n3A_84, %reduce_max3A_85 [0] : vector<2048x32xf32> to vector<32xf32>
    %broadcast_in_dim3A_87 = vector.shape_cast %reduce_max3A_86 : vector<32xf32> to vector<1x32xf32>
    %eq3A_88 = arith.constant 7 : i32
    %eq3A_89 = vector.broadcast %eq3A_88 : i32 to vector<2048x1xi32>
    %eq3A_90 = arith.cmpi eq, %get3A_4, %eq3A_89 : vector<2048x1xi32>
    %jit3A_91 = arith.constant 0xFF800000 : f32
    %broadcast_in_dim3A_92 = vector.shape_cast %eq3A_90 : vector<2048x1xi1> to vector<2048x1xi1>
    %broadcast_in_dim3A_93 = vector.broadcast %broadcast_in_dim3A_92 : vector<2048x1xi1> to vector<2048x32xi1>
    %broadcast_in_dim3A_94 = vector.broadcast %jit3A_91 : f32 to vector<2048x32xf32>
    %select_n3A_95 = arith.select %broadcast_in_dim3A_93, %get3A_1, %broadcast_in_dim3A_94 : vector<2048x32xi1>, vector<2048x32xf32>
    %reduce_max3A_96 = arith.constant dense<0xFF800000> : vector<32xf32>
    %reduce_max3A_97 = vector.multi_reduction <maximumf>, %select_n3A_95, %reduce_max3A_96 [0] : vector<2048x32xf32> to vector<32xf32>
    %broadcast_in_dim3A_98 = vector.shape_cast %reduce_max3A_97 : vector<32xf32> to vector<1x32xf32>
    %concatenate3A = tpu.concatenate %broadcast_in_dim3A_21, %broadcast_in_dim3A_32, %broadcast_in_dim3A_43, %broadcast_in_dim3A_54, %broadcast_in_dim3A_65, %broadcast_in_dim3A_76, %broadcast_in_dim3A_87, %broadcast_in_dim3A_98 in 0 : vector<1x32xf32>, vector<1x32xf32>, vector<1x32xf32>, vector<1x32xf32>, vector<1x32xf32>, vector<1x32xf32>, vector<1x32xf32>, vector<1x32xf32> -> vector<8x32xf32>
    %get3A_99 = arith.constant 0 : index
    %get3A_100 = arith.constant 0 : index
    %get3A_101 = vector.load %arg3[%get3A_99, %get3A_100] : memref<96x2xf32, #tpu.memory_space<vmem>>, vector<96x2xf32>
    %slice3A = vector.extract_strided_slice %get3A_101 {offsets = [0, 0], sizes = [32, 2], strides = [1, 1]} : vector<96x2xf32> to vector<32x2xf32>
    %dot_general3A_102 = arith.constant dense<0.000000e+00> : vector<8x2xf32>
    %dot_general3A_103 = tpu.matmul %concatenate3A, %slice3A, %dot_general3A_102 {dimension_numbers = #tpu.dot_dimension_numbers<[1], [0], [0], [1], [0, 0, 1, 1], [], []>, transpose_lhs_hint = false} : vector<8x32xf32>, vector<32x2xf32>, vector<8x2xf32> -> vector<8x2xf32>
    %slice3A_104 = vector.extract_strided_slice %get3A_101 {offsets = [32, 0], sizes = [32, 2], strides = [1, 1]} : vector<96x2xf32> to vector<32x2xf32>
    %dot_general3A_105 = arith.constant dense<0.000000e+00> : vector<8x2xf32>
    %dot_general3A_106 = tpu.matmul %div3A_13, %slice3A_104, %dot_general3A_105 {dimension_numbers = #tpu.dot_dimension_numbers<[1], [0], [0], [1], [0, 0, 1, 1], [], []>, transpose_lhs_hint = false} : vector<8x32xf32>, vector<32x2xf32>, vector<8x2xf32> -> vector<8x2xf32>
    %add3A = arith.addf %dot_general3A_103, %dot_general3A_106 : vector<8x2xf32>
    %slice3A_107 = vector.extract_strided_slice %get3A_101 {offsets = [64, 0], sizes = [32, 2], strides = [1, 1]} : vector<96x2xf32> to vector<32x2xf32>
    %dot_general3A_108 = arith.constant dense<0.000000e+00> : vector<8x2xf32>
    %dot_general3A_109 = tpu.matmul %dot_general3A_7, %slice3A_107, %dot_general3A_108 {dimension_numbers = #tpu.dot_dimension_numbers<[1], [0], [0], [1], [0, 0, 1, 1], [], []>, transpose_lhs_hint = false} : vector<8x32xf32>, vector<32x2xf32>, vector<8x2xf32> -> vector<8x2xf32>
    %add3A_110 = arith.addf %add3A, %dot_general3A_109 : vector<8x2xf32>
    %get3A_111 = arith.constant 0 : index
    %get3A_112 = arith.constant 0 : index
    %get3A_113 = vector.load %arg4[%get3A_111, %get3A_112] : memref<1x2xf32, #tpu.memory_space<vmem>>, vector<1x2xf32>
    %add3A_114 = vector.broadcast %get3A_113 : vector<1x2xf32> to vector<8x2xf32>
    %add3A_115 = arith.addf %add3A_110, %add3A_114 : vector<8x2xf32>
    %swap3A = arith.constant 0 : index
    %swap3A_116 = arith.constant 0 : index
    %swap3A_117 = vector.load %arg5[%swap3A, %swap3A_116] : memref<8x2xf32, #tpu.memory_space<vmem>>, vector<8x2xf32>
    tpu.vector_store %arg5[%swap3A, %swap3A_116], %add3A_115 {strides = array<i32>} : memref<8x2xf32, #tpu.memory_space<vmem>>, vector<8x2xf32>,
    return
  }
  func.func @transform_0(%arg0: i32) -> (i32, i32) {
    %c0_i32 = arith.constant 0 : i32
    %c0_i32_0 = arith.constant 0 : i32
    %c0_i32_1 = arith.constant 0 : i32
    return %c0_i32, %c0_i32_0 : i32, i32
  }
  func.func @transform_1(%arg0: i32) -> (i32, i32) {
    %c0_i32 = arith.constant 0 : i32
    %c0_i32_0 = arith.constant 0 : i32
    %c0_i32_1 = arith.constant 0 : i32
    return %c0_i32, %c0_i32_0 : i32, i32
  }
  func.func @transform_2(%arg0: i32) -> (i32, i32) {
    %c0_i32 = arith.constant 0 : i32
    %c0_i32_0 = arith.constant 0 : i32
    %c0_i32_1 = arith.constant 0 : i32
    return %c0_i32, %c0_i32_0 : i32, i32
  }
  func.func @transform_3(%arg0: i32) -> (i32, i32) {
    %c0_i32 = arith.constant 0 : i32
    %c0_i32_0 = arith.constant 0 : i32
    %c0_i32_1 = arith.constant 0 : i32
    return %c0_i32, %c0_i32_0 : i32, i32
  }
  func.func @transform_4(%arg0: i32) -> (i32, i32) {
    %c0_i32 = arith.constant 0 : i32
    %c0_i32_0 = arith.constant 0 : i32
    %c0_i32_1 = arith.constant 0 : i32
    return %c0_i32, %c0_i32_0 : i32, i32
  }
}

</mosaic_0001>

<sc_bundles>
// kernel: kernel.19.cloned.1.call-start
scs
__scs_entry_jumppad:
0x0: {  	(pc) =	sbr.rel $0x88, $3  }
0x1: {  	(tag) =	ssettag $0x0;
	lr =	simm.s32 $0x1  }
0x2: {  	[smem:$0x3F96] =	sst lr;
	_ =	strace $0xD0000000  }
0x3: {  	_ = 	snop  }
0x4: {  	_ = 	snop  }
0x5: {  	_ = 	snop  }
0x6: {  	_ = 	snop  }
0x7: {  	_ = 	snop  }
__scs_overlays_trampoline_lowered:
0x8: {  	[smem:$0x3FA5] =	sst s0  }
0x9: {  	[smem:$0x3FA6] =	sst s1  }
0xa: {  	[smem:$0x3FA7] =	sst s2  }
0xb: {  	[smem:$0x3FA8] =	sst s3  }
0xc: {  	[smem:$0x3FA9] =	sst s4  }
0xd: {  	[smem:$0x3FAA] =	sst s5  }
0xe: {  	[smem:$0x3FAB] =	sst s6  }
0xf: {  	[smem:$0x3FAC] =	sst s7  }
0x10: {  	[smem:$0x3FAD] =	sst s8  }
0x11: {  	[smem:$0x3FAE] =	sst s9;
	s0 =	simm.s32 @!p0 $0x0  }
0x12: {  	s1 =	sld [smem:$0x3F94];
	s0 =	simm.s32 @p0 $0x1  }
0x13: {  	[smem:$0x3FAF] =	sst s0;
	s0 =	simm.s32 @!p1 $0x0  }
0x14: {  	s2 =	sld [smem:$0x3F93];
	s0 =	simm.s32 @p1 $0x1  }
0x15: {  	[smem:$0x3FB0] =	sst s0;
	s0 =	simm.s32 @!p2 $0x0  }
0x16: {  	s3 =	sld [smem:$0x3FDB];
	s0 =	simm.s32 @p2 $0x1  }
0x17: {  	s4 =	simm.s32 $0x1BF5;
	[smem:$0x3FB2] =	sst s0  }
0x18: {  	s0 =	sld [smem:$0x3F95];
	_ =	swait.ge [sflag:s4], $0x0  }
0x19: {  	s7 =	sld [smem:$0x3F96]  }
0x1a: {  	s8 =	sadd.s32 $0xFFFFE003, lr  }
0x1b: {  	s9 =	sadd.s32 $0xFFFFFEF7, lr;
	s5 =	simm.s32 $0xFFFFFFFF;
	p2 =	slt.u32 s8, $0xFFFFF086  }
0x1c: {  	p1 =	slt.u32 s9, $0xF7A;
	s5 =	simm.s32 @!p2 $0x0  }
0x1d: {  	s5 =	simm.s32 @p1 $0x1;
	p0 =	seq.s32 s7, s2  }
0x1e: {  	s7 =	smul.u32 @!p0 $0xF7A, s2;
	p2 =	seq.s32 @!p0 s5, $0x0  }
0x1f: {  	s9 =	smul.u32 $0xF7A, s1;
	s8 =	simm.s32 @!p0 $0x1BF5;
	p2 =	por !p2, p0  }
0x20: {  	[sflag:s8] =	ssyncset.s32 @!p0 $0xFFFFF086;
	s6 =	sadd.s32 @!p0 s3, s7;
	s7 =	simm.s32 @!p0 $0x108  }
0x21: {  	s3 =	sadd.s32 s3, s9;
	s6 =	sadd.s32 @!p0 $0x88, s6;
	s7 =	simm.s32 @p2 $0x1082  }
0x22: {  	[simem:s7], [sflag:s8] =	dma.local @!p0 [hbm:s6], $0xF7A  }
0x23: {  	s9 =	sor.u32 $0xD0000000, s2;
	s6 =	simm.s32 $0x108;
	_ =	swait.ge @!p0 [sflag:s8], $0x0  }
0x24: {  	s3 =	sadd.s32 $0x88, s3;
	s6 =	simm.s32 @!p1 $0x1082;
	[sflag:s4] =	ssyncset.s32 $0xFFFFF086  }
0x25: {  	[simem:s6], [sflag:s4] =	dma.local [hbm:s3], $0xF7A  }
0x26: {  	[smem:$0x3F96] =	sst s1;
	(tag) =	ssettag s2;
	_ =	strace s9  }
0x27: {  	s1 =	sld [smem:$0x3FA6]  }
0x28: {  	s2 =	sld [smem:$0x3FA7]  }
0x29: {  	s4 =	sld [smem:$0x3FA9]  }
0x2a: {  	p0 =	seq.s32 s5, $0x0;
	s5 =	sld [smem:$0x3FAA]  }
0x2b: {  	s6 =	sld [smem:$0x3FAB]  }
0x2c: {  	s7 =	sld [smem:$0x3FAC]  }
0x2d: {  	s3 =	simm.s32 $0x108;
	s8 =	sld [smem:$0x3FAD]  }
0x2e: {  	s3 =	simm.s32 @!p0 $0x1082;
	s9 =	sld [smem:$0x3FAE]  }
0x2f: {  	lr =	sadd.s32 s0, s3;
	s0 =	sld [smem:$0x3FA5]  }
0x30: {  	s3 =	sld [smem:$0x3FA8]  }
0x31: {  	[smem:$0x3FB1] =	sst s10  }
0x32: {  	s10 =	sld [smem:$0x3FAF];
	_ =	sdelay $0x3  }
0x33: {  	p0 =	seq.s32 s10, $0x1;
	s10 =	sld [smem:$0x3FB1];
	_ =	sdelay $0x3  }
0x34: {  	[smem:$0x3FB1] =	sst s10  }
0x35: {  	s10 =	sld [smem:$0x3FB0];
	_ =	sdelay $0x3  }
0x36: {  	p1 =	seq.s32 s10, $0x1;
	s10 =	sld [smem:$0x3FB1];
	_ =	sdelay $0x3  }
0x37: {  	[smem:$0x3FB1] =	sst s10  }
0x38: {  	s10 =	sld [smem:$0x3FB2]  }
0x39: {  	_ = 	snop;
	(pc) =	sbr.ind lr, $3  }
0x3a: {  	_ = 	snop  }
0x3b: {  	_ = 	snop  }
0x3c: {  	p2 =	seq.s32 s10, $0x1;
	s10 =	sld [smem:$0x3FB1]  }
0x3d: {  	_ =	shalt  }
0x3e: {  	_ =	shalt  }
0x3f: {  	_ =	shalt  }
0x40: {  	_ =	shalt  }
0x41: {  	_ =	shalt  }
0x42: {  	_ =	shalt  }
0x43: {  	_ =	shalt  }
0x44: {  	_ =	shalt  }
0x45: {  	_ =	shalt  }
0x46: {  	_ =	shalt  }
0x47: {  	_ =	shalt  }
0x48: {  	_ =	shalt  }
0x49: {  	_ =	shalt  }
0x4a: {  	_ =	shalt  }
0x4b: {  	_ =	shalt  }
0x4c: {  	_ =	shalt  }
0x4d: {  	_ =	shalt  }
0x4e: {  	_ =	shalt  }
0x4f: {  	_ =	shalt  }
0x50: {  	_ =	shalt  }
0x51: {  	_ =	shalt  }
0x52: {  	_ =	shalt  }
0x53: {  	_ =	shalt  }
0x54: {  	_ =	shalt  }
0x55: {  	_ =	shalt  }
0x56: {  	_ =	shalt  }
0x57: {  	_ =	shalt  }
0x58: {  	_ =	shalt  }
0x59: {  	_ =	shalt  }
0x5a: {  	_ =	shalt  }
0x5b: {  	_ =	shalt  }
0x5c: {  	_ =	shalt  }
0x5d: {  	_ =	shalt  }
0x5e: {  	_ =	shalt  }
0x5f: {  	_ =	shalt  }
0x60: {  	_ =	shalt  }
0x61: {  	_ =	shalt  }
0x62: {  	_ =	shalt  }
0x63: {  	_ =	shalt  }
0x64: {  	_ =	shalt  }
0x65: {  	_ =	shalt  }
0x66: {  	_ =	shalt  }
0x67: {  	_ =	shalt  }
0x68: {  	_ =	shalt  }
0x69: {  	_ =	shalt  }
0x6a: {  	_ =	shalt  }
0x6b: {  	_ =	shalt  }
0x6c: {  	_ =	shalt  }
0x6d: {  	_ =	shalt  }
0x6e: {  	_ =	shalt  }
0x6f: {  	_ =	shalt  }
0x70: {  	_ =	shalt  }
0x71: {  	_ =	shalt  }
0x72: {  	_ =	shalt  }
0x73: {  	_ =	shalt  }
0x74: {  	_ =	shalt  }
0x75: {  	_ =	shalt  }
0x76: {  	_ =	shalt  }
0x77: {  	_ =	shalt  }
0x78: {  	_ =	shalt  }
0x79: {  	_ =	shalt  }
0x7a: {  	_ =	shalt  }
0x7b: {  	_ =	shalt  }
0x7c: {  	_ =	shalt  }
0x7d: {  	_ =	shalt  }
0x7e: {  	_ =	shalt  }
0x7f: {  	_ =	shalt  }
0x80: {  	_ =	shalt  }
0x81: {  	_ =	shalt  }
0x82: {  	_ =	shalt  }
0x83: {  	_ =	shalt  }
0x84: {  	_ =	shalt  }
0x85: {  	_ =	shalt  }
0x86: {  	_ =	shalt  }
0x87: {  	_ =	shalt  }
.Lfunc_end0:
.L_simem_size_0:
called_computation_lowered:
.L_overlay_start_0:
0x88: {  	s2 =	sld [smem:$0x3FD9]  }
0x89: {  	s3 =	sld [smem:$0x3FFE];
	_ =	sdelay $0x1  }
0x8a: {  	s1 =	srdreg.scid  }
0x8b: {  	s0 =	sand.u32 $0x1, s1  }
0x8c: {  	s16 =	sshll.u32 s0, $0xA;
	s2 =	sadd.s32 s3, s2  }
0x8d: {  	s2 =	sadd.s32 s2, s16  }
0x8e: {  	[smem:$0x3FBD] =	sst s2  }
0x8f: {  	_ = 	snop  }
0x90: {  	(tm) =	ssettm $0x1  }
0x91: {  	s17 =	sld [smem:$0x3FFB];
	_ =	sdelay $0x3  }
0x92: {  	_ =	strace s17  }
0x93: {  	s2 =	sld [smem:$0x3FFC];
	_ =	sdelay $0x3  }
0x94: {  	_ =	strace s2  }
0x95: {  	s2 =	sld [smem:$0x3FFD];
	_ =	sdelay $0x3  }
0x96: {  	_ =	strace s2  }
0x97: {  	_ =	strace $0x8FFFFFFF  }
0x98: {  	s18 =	sld [smem:$0x3FDB];
	_ =	sdelay $0x1  }
0x99: {  	s19 =	simm.s32 $_scs_section_size  }
0x9a: {  	s4 =	simm.s32 $_size__tile_overlayer_lowered;
	s5 =	simm.s32 $_tile_overlayer_lowered  }
0x9b: {  	s22 =	simm.s32 $0x1BFF;
	s21 =	sshll.u32 s5, $0x1;
	s2 =	sadd.s32 s19, s18  }
0x9c: {  	s6 =	simm.s32 $0x0;
	s20 =	sshll.u32 s4, $0x1;
	s4 =	sadd.s32 s21, s2  }
0x9d: {  	[timem:s6], [sflag:s22] =	dma.local [hbm:s4], s20  }
0x9e: {  	_ =	swait.ge [sflag:s22], s20  }
0x9f: {  	s3 =	ssub.s32 $0x0, s20;
	[sflag:s22] =	ssyncset.done $0x0  }
0xa0: {  	[sflag:s22] =	ssyncadd.s32 s3;
	_ =	sdelay $0x1  }
0xa1: {  	s23 =	simm.s32 $0x1B8B  }
0xa2: {  	_ =	swait.ge [sflag:s23], $0x1  }
0xa3: {  	[sflag:s23] =	ssyncset.done $0x0  }
0xa4: {  	s25 =	simm.s32 $0x1B8E;
	s24 =	sld [smem:$0x3FFE];
	[sflag:s23] =	ssyncadd.s32 $0xFFFFFFFF  }
0xa5: {  	s26 =	simm.s32 $execute0_lowered;
	[smem:$0x3FD2] =	sst s25  }
0xa6: {  	s4 =	sshll.u32 s26, $0x1;
	_ =	strace $0x80000046;
	[dreg:$0x1] =	wrdreg $0xFFFFFFFF  }
0xa7: {  	s28 =	simm.s32 $_size_execute0_lowered;
	s2 =	sadd.s32 s2, s4;
	[dreg:$0x0] =	wrdreg $0x0  }
0xa8: {  	s4 =	sshll.u32 s28, $0x1;
	[dreg:$0x2] =	wrdreg s2  }
0xa9: {  	[dreg:$0x3] =	wrdreg s4  }
0xaa: {  	[dreg:$0x4] =	wrdreg $0xC0  }
0xab: {  	_ =	task [dreg:s6], $0x5FFFF  }
0xac: {  	[dreg:$0x1] =	wrdreg $0xFFFFFFFF  }
0xad: {  	[dreg:$0x0] =	wrdreg $0x60  }
0xae: {  	[dreg:$0x2] =	wrdreg s24  }
0xaf: {  	[dreg:$0x3] =	wrdreg $0x0  }
0xb0: {  	[dreg:$0x4] =	wrdreg $0x9  }
0xb1: {  	_ =	task.clear_ibuf [dreg:s6], $0x5FFFF;
	_ =	strace $0x90000046  }
0xb2: {  	s29 =	simm.s32 $0x9;
	_ =	strace $0x80000048  }
0xb3: {  	_ =	swait.ge [sflag:s29], $0x1  }
0xb4: {  	[sflag:s29] =	ssyncadd.s32 $0xFFFFFFFF  }
0xb5: {  	_ =	strace $0x90000048  }
0xb6: {  	_ =	sfence  }
0xb7: {  	s30 =	sld [smem:$0x0];
	_ =	sdelay $0x2  }
0xb8: {  	s31 =	sshll.u32 s1, $0xD;
	s1 =	sshrl.u32 s1, $0x2  }
0xb9: {  	s3 =	sand.u32 $0x4000, s31;
	s1 =	sadd.s32 s1, s30  }
0xba: {  	s0 =	sor.u32 s3, s0;
	s1 =	sshll.u32 s1, $0x11  }
0xbb: {  	s0 =	sor.u32 s1, s0  }
0xbc: {  	s0 =	sadd.s32 $0x8F2B, s0  }
0xbd: {  	[sflag:s0] =	ssyncadd.remote.s32 $0x1  }
0xbe: {  	_ =	sfence.sel $0xFFFF  }
0xbf: {  	[dreg:$0x0] =	wrdreg $0xFFFFFFFF;
	(pc) =	sbr.abs _section_cstart, $3  }
0xc0: {  	[dreg:$0x1] =	wrdreg $0xFFFFFFFF  }
0xc1: {  	_ =	task.clear_ibuf [dreg:s6], $0x2FFFF;
	_ =	strace $0x9FFFFFFF  }
0xc2: {  	(tm) =	ssettm $0x7FFFFFFF  }
0xc3: {  	_ =	shalt  }
tec
execute0_lowered:
.L_overlay_start_1:
0x0: {  	(tag) =	ssettag $0x1  }
0x1: {  	s4 =	rddreg [dreg:$0x0]  }
0x2: {  	s1 =	rddreg [dreg:$0x1]  }
0x3: {  	s0 =	rddreg [dreg:$0x2]  }
0x4: {  	s2 =	simm.s32 $0x0;
	s3 =	stileid.u32;
	s5 =	srdreg.scid  }
0x5: {  	s17 =	simm.s32 $0x12080;
	s18 =	simm.s32 $0x13080;
	[smem:$0x7FF] =	sst s2  }
0x6: {  	s6 =	smul.u32 $0x10080, s3;
	s7 =	sand.u32 $0x1, s5;
	p0 =	sne.s32 s3, $0x0  }
0x7: {  	s25 =	sshll.u32 s3, $0x9;
	s11 =	sadd.s32 $0x27200, s4;
	s13 =	simm.s32 @!p0 $0x0  }
0x8: {  	s26 =	sshll.u32 s3, $0x10;
	s13 =	simm.s32 @p0 $0x1;
	p0 =	sne.s32 s3, $0x1  }
0x9: {  	s14 =	sshll.u32 s3, $0x6;
	_ =	strace $0x80000047;
	s16 =	simm.s32 @!p0 $0x0  }
0xa: {  	s8 =	ssub.s32 $0x2, s7;
	s16 =	simm.s32 @p0 $0x1;
	p0 =	sne.s32 s3, $0x2  }
0xb: {  	s5 =	sadd.s32 s25, s4;
	s19 =	sshll.u32 s7, $0xA;
	s23 =	simm.s32 @!p0 $0x0  }
0xc: {  	s12 =	sshll.u32 s7, $0x15;
	s23 =	simm.s32 @p0 $0x1;
	p0 =	sne.s32 s3, $0x3  }
0xd: {  	s29 =	sshllo.u32 s7, $0x1;
	[smem:$0x7F0] =	sst s23;
	s23 =	simm.s32 @!p0 $0x0  }
0xe: {  	s14 =	sor.u32 $0x1C01, s14;
	s23 =	simm.s32 @p0 $0x1;
	p0 =	sne.s32 s3, $0x4  }
0xf: {  	s9 =	sshrl.u32 s6, $0x3;
	[smem:$0x7F1] =	sst s23;
	s23 =	simm.s32 @!p0 $0x0  }
0x10: {  	s10 =	sshrl.u32 s8, $0x1;
	s23 =	simm.s32 @p0 $0x1;
	p0 =	sne.s32 s3, $0x5  }
0x11: {  	s15 =	sadd.s32 s6, s1;
	[smem:$0x7F2] =	sst s23;
	s23 =	simm.s32 @!p0 $0x0  }
0x12: {  	s28 =	sor.u32 s26, s12;
	s23 =	simm.s32 @p0 $0x1;
	p0 =	sne.s32 s3, $0x6  }
0x13: {  	s20 =	sor.u32 $0x200, s19;
	[smem:$0x7F3] =	sst s23;
	s23 =	simm.s32 @!p0 $0x0  }
0x14: {  	s31 =	sshll.u32 s29, $0x14;
	s23 =	simm.s32 @p0 $0x1;
	p0 =	sne.s32 s3, $0x7  }
0x15: {  	s21 =	sshll.u32 s29, $0x9;
	[smem:$0x7F4] =	sst s23;
	s23 =	simm.s32 @!p0 $0x0  }
0x16: {  	s12 =	simm.s32 $0x1;
	s23 =	simm.s32 @p0 $0x1;
	p0 =	sne.s32 s3, $0x8  }
0x17: {  	s9 =	sadd.s32 s9, s4;
	[smem:$0x7F5] =	sst s23;
	s23 =	simm.s32 @!p0 $0x0  }
0x18: {  	s10 =	ssub.s32 s8, s10;
	s23 =	simm.s32 @p0 $0x1;
	p0 =	sne.s32 s3, $0x9  }
0x19: {  	s4 =	sadd.s32 $0x5000, s5;
	[smem:$0x7F6] =	sst s23;
	s23 =	simm.s32 @!p0 $0x0  }
0x1a: {  	s5 =	sadd.s32 $0x3000, s5;
	s23 =	simm.s32 @p0 $0x1;
	p0 =	sne.s32 s3, $0xA  }
0x1b: {  	v0 =	vmov s19;
	s30 =	sshrl.u32 s28, $0x3;
	[smem:$0x7EE] =	sst s13;
	s19 =	simm.s32 @!p0 $0x0  }
0x1c: {  	s8 =	sadd.s32 s26, s1;
	s19 =	simm.s32 @p0 $0x1;
	p0 =	sne.s32 s3, $0xB  }
0x1d: {  	s22 =	sadd.s32 $0x200, s21;
	[smem:$0x7F8] =	sst s19;
	s19 =	simm.s32 @!p0 $0x0  }
0x1e: {  	s13 =	simm.s32 $0x11080;
	s19 =	simm.s32 @p0 $0x1;
	p0 =	sne.s32 s3, $0xC  }
0x1f: {  	s15 =	sshrl.u32 s15, $0x3;
	[smem:$0x7F9] =	sst s19;
	s19 =	simm.s32 @!p0 $0x0  }
0x20: {  	s6 =	sadd.s32 $0x7000, s9;
	s19 =	simm.s32 @p0 $0x1;
	p0 =	sne.s32 s3, $0xD  }
0x21: {  	s7 =	sadd.s32 s11, s30;
	[smem:$0x7FA] =	sst s19;
	s19 =	simm.s32 @!p0 $0x0  }
0x22: {  	s9 =	sor.u32 s26, s31;
	s19 =	simm.s32 @p0 $0x1;
	p0 =	sne.s32 s3, $0xE  }
0x23: {  	s10 =	smax.u32 s10, $0x1;
	[smem:$0x7FB] =	sst s19;
	s19 =	simm.s32 @!p0 $0x0  }
0x24: {  	[smem:$0x7EF] =	sst s16;
	s19 =	simm.s32 @p0 $0x1;
	p0 =	sne.s32 s3, $0xF  }
0x25: {  	s9 =	sshrl.u32 s9, $0x3;
	[smem:$0x7FC] =	sst s19;
	s19 =	simm.s32 @!p0 $0x0  }
0x26: {  	v4 =	vimm.f32 $1.000000000e+00;
	s16 =	simm.s32 $0x1000;
	[smem:$0x7F7] =	sst s23;
	s19 =	simm.s32 @p0 $0x1  }
0x27: {  	v1 =	vmov s20;
	v2 =	vmov s21;
	v3 =	vmov s22;
	s9 =	sadd.s32 s11, s9;
	s11 =	simm.s32 $0x10080;
	[smem:$0x7FD] =	sst s19  }
.LBB2_1:
0x28: {  	s19 =	simm.s32 $0x40;
	s20 =	simm.s32 $0x0  }
.LBB2_2:
0x29: {  	p0 =	sne.s32 s19, $0x3FC0;
	[tilespmem:s20+$0x13080] =	vst v4;
	s20 =	smov.u32 s19;
	s19 =	sadd.s32 $0x40, s19  }
.Ltmp0:
0x2a: {  	(pc) =	sbr.rel @p0 .LBB2_2-.Ltmp0, $2  }
0x2b: {  	_ =	sdelay $0x2  }
0x2c: {  	s20 =	sshra.s32 s20, $0x2  }
0x2d: {  	[tilespmem:s20+$0x13080] =	vst v4;
	s19 =	simm.s32 $0x0  }
0x2e: {  	[tilespmem:s11], [sflag:$0x1] =	stream.linear.gather [hbm4b:s4+s19], $0x1000, $0x38;
	[tilespmem:$0x14080] =	vst v63  }
0x2f: {  	_ =	swait.ge [sflag:s12], $0x1000  }
0x30: {  	[sflag:s12] =	ssyncset.done $0x0  }
0x31: {  	[sflag:s12] =	ssyncadd.s32 $0xFFFFF000  }
0x32: {  	[tilespmem:s13], [sflag:$0x1] =	stream.linear.gather [hbm4b:s5+s19], $0x1000, $0x38;
	[tilespmem:$0x14080] =	vst v63  }
0x33: {  	_ =	swait.ge [sflag:s12], $0x1000  }
0x34: {  	[sflag:s12] =	ssyncset.done $0x0  }
0x35: {  	[sflag:s12] =	ssyncadd.s32 $0xFFFFF000  }
0x36: {  	[spmem:s15], [sflag:s14] =	dma.local [hbm:s6], $0x2010  }
0x37: {  	_ =	swait.ge [sflag:s12], $0x2010  }
0x38: {  	[sflag:s12] =	ssyncset.done $0x0  }
0x39: {  	[sflag:s12] =	ssyncadd.s32 $0xFFFFDFF0  }
0x3a: {  	s19 =	simm.s32 $0x0;
	[bflag:$0x0] =	sbarrier.arrive $0xFFFF  }
0x3b: {  	v5 =	vld [tilespmem:s19+$0x10080];
	_ =	sdelay $0x1  }
0x3c: {  	v6 =	vld [tilespmem:s19+$0x11080]  }
0x3d: {  	s20 =	simm.s32 $0x40  }
.LBB2_4:
0x3e: {  	p0 =	sne.s32 s20, $0x3FC0  }
.Ltmp1:
0x3f: {  	s21 =	sshra.s32 s20, $0x2;
	s20 =	sadd.s32 $0x40, s20;
	v7 =	vsub.s32 v5, v0;
	(pc) =	sbr.rel @p0 .LBB2_4-.Ltmp1, $4  }
0x40: {  	vm0 =	vge.s32 v5, v0;
	vm1 =	vlt.s32 v5, v1;
	v5 =	vld [tilespmem:s21+$0x10080];
	v7 =	vshll.u32 v7, $0xB  }
0x41: {  	vm0 =	vmand vm0, vm1;
	v7 =	vadd.s32 v6, v7  }
0x42: {  	v6 =	vld [tilespmem:s21+$0x11080];
	v7 =	vnsel vm0, $0x100000, v7  }
0x43: {  	[tilespmem:s19+$0x12080] =	vst v7;
	s19 =	smov.u32 s21  }
0x44: {  	s31 =	sld [smem:$0x7EE];
	_ =	sdelay $0x2  }
0x45: {  	p0 =	seq.s32 s31, $0x1  }
.Ltmp2:
0x46: {  	v7 =	vsub.s32 v5, v0;
	(pc) =	sbr.rel @!p0 .LBB2_6-.Ltmp2, $4  }
0x47: {  	vm0 =	vge.s32 v5, v0;
	vm1 =	vlt.s32 v5, v1;
	v5 =	vshll.u32 v7, $0xB  }
0x48: {  	vm0 =	vmand vm0, vm1;
	v5 =	vadd.s32 v6, v5  }
0x49: {  	v5 =	vnsel vm0, $0x100000, v5  }
0x4a: {  	[tilespmem:s19+$0x12080] =	vst v5  }
0x4b: {  	[bflag:$0x0] =	sbarrier.arrive $0xFFFF  }
0x4c: {  	s19 =	sld [smem:$0x7EF];
	_ =	sdelay $0x2  }
0x4d: {  	p0 =	seq.s32 s19, $0x1  }
.Ltmp3:
0x4e: {  	_ = 	snop;
	(pc) =	sbr.rel @p0 .LBB2_10-.Ltmp3, $1  }
0x4f: {  	_ =	sdelay $0x3  }
.Ltmp4:
0x50: {  	(pc) =	sbr.rel .LBB2_9-.Ltmp4, $4  }
0x51: {  	[spmem:s1] =	stream.indirect.scatter.add.f32 [tilespmem:s18], [sflag:$0x1], $0x1, s17, s16, $0xb8;
	[tilespmem:$0x14080] =	vst v63  }
0x52: {  	_ =	swait.ge [sflag:s12], $0x1000  }
0x53: {  	[sflag:s12] =	ssyncset.done $0x0  }
0x54: {  	[sflag:s12] =	ssyncadd.s32 $0xFFFFF000  }
.LBB2_6:
0x55: {  	[spmem:s1] =	stream.indirect.scatter.add.f32 [tilespmem:s18], [sflag:$0x1], $0x1, s17, s16, $0xb8;
	[tilespmem:$0x14080] =	vst v63  }
0x56: {  	_ =	swait.ge [sflag:s12], $0x1000  }
0x57: {  	[sflag:s12] =	ssyncset.done $0x0  }
0x58: {  	[sflag:s12] =	ssyncadd.s32 $0xFFFFF000  }
0x59: {  	[bflag:$0x0] =	sbarrier.arrive $0xFFFF  }
.LBB2_9:
0x5a: {  	[bflag:$0x0] =	sbarrier.arrive $0xFFFF  }
0x5b: {  	s19 =	sld [smem:$0x7EE];
	_ =	sdelay $0x2  }
0x5c: {  	p0 =	por $0x0, $0x0;
	p6 =	seq.s32 s19, $0x1  }
.LBB2_12:
0x5d: {  	[bflag:$0x0] =	sbarrier.arrive $0xFFFF;
	p2 =	por $0x0, $0x0  }
.LBB2_15:
0x5e: {  	[bflag:$0x0] =	sbarrier.arrive $0xFFFF;
	p1 =	por $0x0, $0x0  }
.LBB2_18:
0x5f: {  	p3 =	por $0x0, $0x0  }
0x60: {  	s19 =	simm.s32 @!p3 $0x0  }
0x61: {  	[bflag:$0x0] =	sbarrier.arrive $0xFFFF;
	s19 =	simm.s32 @p3 $0x1  }
0x62: {  	[smem:$0x7ED] =	sst s19  }
.LBB2_21:
0x63: {  	[bflag:$0x0] =	sbarrier.arrive $0xFFFF;
	p4 =	por $0x0, $0x0  }
.LBB2_24:
0x64: {  	p3 =	por $0x0, $0x0  }
0x65: {  	s19 =	simm.s32 @!p3 $0x0  }
0x66: {  	[bflag:$0x0] =	sbarrier.arrive $0xFFFF;
	s19 =	simm.s32 @p3 $0x1  }
0x67: {  	[smem:$0x7EC] =	sst s19  }
.LBB2_27:
0x68: {  	p3 =	por $0x0, $0x0  }
0x69: {  	s19 =	simm.s32 @!p3 $0x0  }
0x6a: {  	[bflag:$0x0] =	sbarrier.arrive $0xFFFF;
	s19 =	simm.s32 @p3 $0x1  }
0x6b: {  	[smem:$0x7EB] =	sst s19  }
.LBB2_30:
0x6c: {  	p3 =	por $0x0, $0x0  }
0x6d: {  	s19 =	simm.s32 @!p3 $0x0  }
0x6e: {  	[bflag:$0x0] =	sbarrier.arrive $0xFFFF;
	s19 =	simm.s32 @p3 $0x1  }
0x6f: {  	[smem:$0x7EA] =	sst s19  }
.LBB2_33:
0x70: {  	p3 =	por $0x0, $0x0  }
0x71: {  	s19 =	simm.s32 @!p3 $0x0  }
0x72: {  	[bflag:$0x0] =	sbarrier.arrive $0xFFFF;
	s19 =	simm.s32 @p3 $0x1  }
0x73: {  	[smem:$0x7E9] =	sst s19  }
.LBB2_36:
0x74: {  	p3 =	por $0x0, $0x0  }
0x75: {  	s19 =	simm.s32 @!p3 $0x0  }
0x76: {  	[bflag:$0x0] =	sbarrier.arrive $0xFFFF;
	s19 =	simm.s32 @p3 $0x1  }
0x77: {  	[smem:$0x7E8] =	sst s19  }
.LBB2_39:
0x78: {  	p3 =	por $0x0, $0x0  }
0x79: {  	s19 =	simm.s32 @!p3 $0x0  }
0x7a: {  	[bflag:$0x0] =	sbarrier.arrive $0xFFFF;
	s19 =	simm.s32 @p3 $0x1  }
0x7b: {  	[smem:$0x7E7] =	sst s19  }
.LBB2_42:
0x7c: {  	p3 =	por $0x0, $0x0  }
0x7d: {  	s19 =	simm.s32 @!p3 $0x0  }
0x7e: {  	[bflag:$0x0] =	sbarrier.arrive $0xFFFF;
	s19 =	simm.s32 @p3 $0x1  }
0x7f: {  	[smem:$0x7E6] =	sst s19  }
.LBB2_45:
0x80: {  	[bflag:$0x0] =	sbarrier.arrive $0xFFFF;
	p3 =	por $0x0, $0x0  }
.LBB2_48:
0x81: {  	p5 =	por $0x0, $0x0  }
0x82: {  	s19 =	simm.s32 @!p5 $0x0  }
0x83: {  	[bflag:$0x0] =	sbarrier.arrive $0xFFFF;
	s19 =	simm.s32 @p5 $0x1  }
0x84: {  	[smem:$0x7E5] =	sst s19  }
.LBB2_50:
0x85: {  	[bflag:$0x0] =	sbarrier.arrive $0xFFFF;
	s19 =	sshrl.u32 s8, $0x3  }
0x86: {  	[hbm:s7], [sflag:s14] =	dma.local [spmem:s19], $0x2000  }
0x87: {  	_ =	swait.ge [sflag:s12], $0x2000  }
0x88: {  	[sflag:s12] =	ssyncset.done $0x0  }
0x89: {  	[sflag:s12] =	ssyncadd.s32 $0xFFFFE000  }
0x8a: {  	[bflag:$0x0] =	sbarrier.arrive $0xFFFF  }
0x8b: {  	[spmem:s15], [sflag:s14] =	dma.local [hbm:s6], $0x2010  }
0x8c: {  	_ =	swait.ge [sflag:s12], $0x2010  }
0x8d: {  	[sflag:s12] =	ssyncset.done $0x0  }
0x8e: {  	[sflag:s12] =	ssyncadd.s32 $0xFFFFDFF0  }
0x8f: {  	s20 =	simm.s32 $0x0;
	[bflag:$0x0] =	sbarrier.arrive $0xFFFF  }
0x90: {  	v5 =	vld [tilespmem:s20+$0x10080];
	_ =	sdelay $0x1  }
0x91: {  	v6 =	vld [tilespmem:s20+$0x11080]  }
0x92: {  	s21 =	simm.s32 $0x40  }
.LBB2_51:
0x93: {  	p5 =	sne.s32 s21, $0x3FC0  }
.Ltmp5:
0x94: {  	s22 =	sshra.s32 s21, $0x2;
	s21 =	sadd.s32 $0x40, s21;
	v7 =	vsub.s32 v5, v2;
	(pc) =	sbr.rel @p5 .LBB2_51-.Ltmp5, $4  }
0x95: {  	vm0 =	vge.s32 v5, v2;
	vm1 =	vlt.s32 v5, v3;
	v5 =	vld [tilespmem:s22+$0x10080];
	v7 =	vshll.u32 v7, $0xB  }
0x96: {  	vm0 =	vmand vm0, vm1;
	v7 =	vadd.s32 v6, v7  }
0x97: {  	v6 =	vld [tilespmem:s22+$0x11080];
	v7 =	vnsel vm0, $0x100000, v7  }
0x98: {  	[tilespmem:s20+$0x12080] =	vst v7;
	s20 =	smov.u32 s22  }
0x99: {  	_ = 	snop  }
0x9a: {  	v7 =	vsub.s32 v5, v2  }
0x9b: {  	vm0 =	vge.s32 v5, v2;
	vm1 =	vlt.s32 v5, v3;
	v5 =	vshll.u32 v7, $0xB  }
0x9c: {  	vm0 =	vmand vm0, vm1;
	v5 =	vadd.s32 v6, v5  }
0x9d: {  	p5 =	sne.s32 s3, $0x0;
	v5 =	vnsel vm0, $0x100000, v5  }
0x9e: {  	s21 =	simm.s32 @!p5 $0x12080;
	s22 =	simm.s32 @!p5 $0x13080;
	[tilespmem:s20+$0x12080] =	vst v5;
	s20 =	simm.s32 @!p5 $0x1000  }
0x9f: {  	[spmem:s1] =	stream.indirect.scatter.add.f32 @!p5 [tilespmem:s22], [sflag:$0x1], $0x1, s21, s20, $0xb8;
	[tilespmem:$0x14080] =	vst v63  }
0xa0: {  	s20 =	simm.s32 @!p5 $0x1  }
0xa1: {  	_ =	swait.ge @!p5 [sflag:s20], $0x1000  }
0xa2: {  	[sflag:s20] =	ssyncset.done @!p5 $0x0  }
0xa3: {  	s21 =	simm.s32 @p6 $0x12080;
	[sflag:s20] =	ssyncadd.s32 @!p5 $0xFFFFF000  }
0xa4: {  	s22 =	simm.s32 @p6 $0x13080;
	s20 =	simm.s32 @p6 $0x1000;
	[bflag:$0x0] =	sbarrier.arrive $0xFFFF  }
0xa5: {  	[spmem:s1] =	stream.indirect.scatter.add.f32 @p6 [tilespmem:s22], [sflag:$0x1], $0x1, s21, s20, $0xb8;
	[tilespmem:$0x14080] =	vst v63  }
0xa6: {  	s20 =	simm.s32 @p6 $0x1  }
0xa7: {  	_ =	swait.ge @p6 [sflag:s20], $0x1000  }
0xa8: {  	[sflag:s20] =	ssyncset.done @p6 $0x0  }
0xa9: {  	s21 =	simm.s32 @p0 $0x12080;
	[sflag:s20] =	ssyncadd.s32 @p6 $0xFFFFF000  }
0xaa: {  	s22 =	simm.s32 @p0 $0x13080;
	s20 =	simm.s32 @p0 $0x1000;
	[bflag:$0x0] =	sbarrier.arrive $0xFFFF  }
0xab: {  	[spmem:s1] =	stream.indirect.scatter.add.f32 @p0 [tilespmem:s22], [sflag:$0x1], $0x1, s21, s20, $0xb8;
	[tilespmem:$0x14080] =	vst v63  }
0xac: {  	s20 =	simm.s32 @p0 $0x1  }
0xad: {  	_ =	swait.ge @p0 [sflag:s20], $0x1000  }
0xae: {  	[sflag:s20] =	ssyncset.done @p0 $0x0  }
0xaf: {  	s21 =	simm.s32 @p2 $0x12080;
	[sflag:s20] =	ssyncadd.s32 @p0 $0xFFFFF000  }
0xb0: {  	s22 =	simm.s32 @p2 $0x13080;
	s20 =	simm.s32 @p2 $0x1000;
	[bflag:$0x0] =	sbarrier.arrive $0xFFFF  }
0xb1: {  	[spmem:s1] =	stream.indirect.scatter.add.f32 @p2 [tilespmem:s22], [sflag:$0x1], $0x1, s21, s20, $0xb8;
	[tilespmem:$0x14080] =	vst v63  }
0xb2: {  	s20 =	simm.s32 @p2 $0x1  }
0xb3: {  	_ =	swait.ge @p2 [sflag:s20], $0x1000  }
0xb4: {  	[sflag:s20] =	ssyncset.done @p2 $0x0  }
0xb5: {  	s21 =	simm.s32 @p1 $0x12080;
	[sflag:s20] =	ssyncadd.s32 @p2 $0xFFFFF000  }
0xb6: {  	s22 =	simm.s32 @p1 $0x13080;
	s20 =	simm.s32 @p1 $0x1000;
	[bflag:$0x0] =	sbarrier.arrive $0xFFFF  }
0xb7: {  	[spmem:s1] =	stream.indirect.scatter.add.f32 @p1 [tilespmem:s22], [sflag:$0x1], $0x1, s21, s20, $0xb8;
	[tilespmem:$0x14080] =	vst v63  }
0xb8: {  	s20 =	simm.s32 @p1 $0x1  }
0xb9: {  	_ =	swait.ge @p1 [sflag:s20], $0x1000  }
0xba: {  	[sflag:s20] =	ssyncset.done @p1 $0x0  }
0xbb: {  	[sflag:s20] =	ssyncadd.s32 @p1 $0xFFFFF000  }
0xbc: {  	[bflag:$0x0] =	sbarrier.arrive $0xFFFF  }
0xbd: {  	s22 =	sld [smem:$0x7ED];
	_ =	sdelay $0x2  }
0xbe: {  	p0 =	seq.s32 s22, $0x1  }
0xbf: {  	s20 =	simm.s32 @p0 $0x1000;
	s21 =	simm.s32 @p0 $0x12080;
	s22 =	simm.s32 @p0 $0x13080  }
0xc0: {  	[spmem:s1] =	stream.indirect.scatter.add.f32 @p0 [tilespmem:s22], [sflag:$0x1], $0x1, s21, s20, $0xb8;
	[tilespmem:$0x14080] =	vst v63  }
0xc1: {  	s20 =	simm.s32 @p0 $0x1  }
0xc2: {  	_ =	swait.ge @p0 [sflag:s20], $0x1000  }
0xc3: {  	[sflag:s20] =	ssyncset.done @p0 $0x0  }
0xc4: {  	s21 =	simm.s32 @p4 $0x12080;
	[sflag:s20] =	ssyncadd.s32 @p0 $0xFFFFF000  }
0xc5: {  	s22 =	simm.s32 @p4 $0x13080;
	s20 =	simm.s32 @p4 $0x1000;
	[bflag:$0x0] =	sbarrier.arrive $0xFFFF  }
0xc6: {  	[spmem:s1] =	stream.indirect.scatter.add.f32 @p4 [tilespmem:s22], [sflag:$0x1], $0x1, s21, s20, $0xb8;
	[tilespmem:$0x14080] =	vst v63  }
0xc7: {  	s20 =	simm.s32 @p4 $0x1  }
0xc8: {  	_ =	swait.ge @p4 [sflag:s20], $0x1000  }
0xc9: {  	[sflag:s20] =	ssyncset.done @p4 $0x0  }
0xca: {  	[sflag:s20] =	ssyncadd.s32 @p4 $0xFFFFF000  }
0xcb: {  	[bflag:$0x0] =	sbarrier.arrive $0xFFFF  }
0xcc: {  	s23 =	sld [smem:$0x7EC];
	_ =	sdelay $0x2  }
0xcd: {  	p0 =	seq.s32 s23, $0x1  }
0xce: {  	s20 =	simm.s32 @p0 $0x1000;
	s21 =	simm.s32 @p0 $0x12080;
	s22 =	simm.s32 @p0 $0x13080  }
0xcf: {  	[spmem:s1] =	stream.indirect.scatter.add.f32 @p0 [tilespmem:s22], [sflag:$0x1], $0x1, s21, s20, $0xb8;
	[tilespmem:$0x14080] =	vst v63  }
0xd0: {  	s20 =	simm.s32 @p0 $0x1  }
0xd1: {  	_ =	swait.ge @p0 [sflag:s20], $0x1000  }
0xd2: {  	[sflag:s20] =	ssyncset.done @p0 $0x0  }
0xd3: {  	[sflag:s20] =	ssyncadd.s32 @p0 $0xFFFFF000  }
0xd4: {  	[bflag:$0x0] =	sbarrier.arrive $0xFFFF  }
0xd5: {  	s24 =	sld [smem:$0x7EB];
	_ =	sdelay $0x2  }
0xd6: {  	p0 =	seq.s32 s24, $0x1  }
0xd7: {  	s20 =	simm.s32 @p0 $0x1000;
	s21 =	simm.s32 @p0 $0x12080;
	s22 =	simm.s32 @p0 $0x13080  }
0xd8: {  	[spmem:s1] =	stream.indirect.scatter.add.f32 @p0 [tilespmem:s22], [sflag:$0x1], $0x1, s21, s20, $0xb8;
	[tilespmem:$0x14080] =	vst v63  }
0xd9: {  	s20 =	simm.s32 @p0 $0x1  }
0xda: {  	_ =	swait.ge @p0 [sflag:s20], $0x1000  }
0xdb: {  	[sflag:s20] =	ssyncset.done @p0 $0x0  }
0xdc: {  	[sflag:s20] =	ssyncadd.s32 @p0 $0xFFFFF000  }
0xdd: {  	[bflag:$0x0] =	sbarrier.arrive $0xFFFF  }
0xde: {  	s25 =	sld [smem:$0x7EA];
	_ =	sdelay $0x2  }
0xdf: {  	p0 =	seq.s32 s25, $0x1  }
0xe0: {  	s20 =	simm.s32 @p0 $0x1000;
	s21 =	simm.s32 @p0 $0x12080;
	s22 =	simm.s32 @p0 $0x13080  }
0xe1: {  	[spmem:s1] =	stream.indirect.scatter.add.f32 @p0 [tilespmem:s22], [sflag:$0x1], $0x1, s21, s20, $0xb8;
	[tilespmem:$0x14080] =	vst v63  }
0xe2: {  	s20 =	simm.s32 @p0 $0x1  }
0xe3: {  	_ =	swait.ge @p0 [sflag:s20], $0x1000  }
0xe4: {  	[sflag:s20] =	ssyncset.done @p0 $0x0  }
0xe5: {  	[sflag:s20] =	ssyncadd.s32 @p0 $0xFFFFF000  }
0xe6: {  	[bflag:$0x0] =	sbarrier.arrive $0xFFFF  }
0xe7: {  	s26 =	sld [smem:$0x7E9];
	_ =	sdelay $0x2  }
0xe8: {  	p0 =	seq.s32 s26, $0x1  }
0xe9: {  	s20 =	simm.s32 @p0 $0x1000;
	s21 =	simm.s32 @p0 $0x12080;
	s22 =	simm.s32 @p0 $0x13080  }
0xea: {  	[spmem:s1] =	stream.indirect.scatter.add.f32 @p0 [tilespmem:s22], [sflag:$0x1], $0x1, s21, s20, $0xb8;
	[tilespmem:$0x14080] =	vst v63  }
0xeb: {  	s20 =	simm.s32 @p0 $0x1  }
0xec: {  	_ =	swait.ge @p0 [sflag:s20], $0x1000  }
0xed: {  	[sflag:s20] =	ssyncset.done @p0 $0x0  }
0xee: {  	[sflag:s20] =	ssyncadd.s32 @p0 $0xFFFFF000  }
0xef: {  	[bflag:$0x0] =	sbarrier.arrive $0xFFFF  }
0xf0: {  	s28 =	sld [smem:$0x7E8];
	_ =	sdelay $0x2  }
0xf1: {  	p0 =	seq.s32 s28, $0x1  }
0xf2: {  	s20 =	simm.s32 @p0 $0x1000;
	s21 =	simm.s32 @p0 $0x12080;
	s22 =	simm.s32 @p0 $0x13080  }
0xf3: {  	[spmem:s1] =	stream.indirect.scatter.add.f32 @p0 [tilespmem:s22], [sflag:$0x1], $0x1, s21, s20, $0xb8;
	[tilespmem:$0x14080] =	vst v63  }
0xf4: {  	s20 =	simm.s32 @p0 $0x1  }
0xf5: {  	_ =	swait.ge @p0 [sflag:s20], $0x1000  }
0xf6: {  	[sflag:s20] =	ssyncset.done @p0 $0x0  }
0xf7: {  	[sflag:s20] =	ssyncadd.s32 @p0 $0xFFFFF000  }
0xf8: {  	[bflag:$0x0] =	sbarrier.arrive $0xFFFF  }
0xf9: {  	s29 =	sld [smem:$0x7E7];
	_ =	sdelay $0x2  }
0xfa: {  	p0 =	seq.s32 s29, $0x1  }
0xfb: {  	s20 =	simm.s32 @p0 $0x1000;
	s21 =	simm.s32 @p0 $0x12080;
	s22 =	simm.s32 @p0 $0x13080  }
0xfc: {  	[spmem:s1] =	stream.indirect.scatter.add.f32 @p0 [tilespmem:s22], [sflag:$0x1], $0x1, s21, s20, $0xb8;
	[tilespmem:$0x14080] =	vst v63  }
0xfd: {  	s20 =	simm.s32 @p0 $0x1  }
0xfe: {  	_ =	swait.ge @p0 [sflag:s20], $0x1000  }
0xff: {  	[sflag:s20] =	ssyncset.done @p0 $0x0  }
0x100: {  	[sflag:s20] =	ssyncadd.s32 @p0 $0xFFFFF000  }
0x101: {  	[bflag:$0x0] =	sbarrier.arrive $0xFFFF  }
0x102: {  	s30 =	sld [smem:$0x7E6];
	_ =	sdelay $0x2  }
0x103: {  	p0 =	seq.s32 s30, $0x1  }
0x104: {  	s20 =	simm.s32 @p0 $0x1000;
	s21 =	simm.s32 @p0 $0x12080;
	s22 =	simm.s32 @p0 $0x13080  }
0x105: {  	[spmem:s1] =	stream.indirect.scatter.add.f32 @p0 [tilespmem:s22], [sflag:$0x1], $0x1, s21, s20, $0xb8;
	[tilespmem:$0x14080] =	vst v63  }
0x106: {  	s20 =	simm.s32 @p0 $0x1  }
0x107: {  	_ =	swait.ge @p0 [sflag:s20], $0x1000  }
0x108: {  	[sflag:s20] =	ssyncset.done @p0 $0x0  }
0x109: {  	s21 =	simm.s32 @p3 $0x12080;
	[sflag:s20] =	ssyncadd.s32 @p0 $0xFFFFF000  }
0x10a: {  	s22 =	simm.s32 @p3 $0x13080;
	s20 =	simm.s32 @p3 $0x1000;
	[bflag:$0x0] =	sbarrier.arrive $0xFFFF  }
0x10b: {  	[spmem:s1] =	stream.indirect.scatter.add.f32 @p3 [tilespmem:s22], [sflag:$0x1], $0x1, s21, s20, $0xb8;
	[tilespmem:$0x14080] =	vst v63  }
0x10c: {  	s20 =	simm.s32 @p3 $0x1  }
0x10d: {  	_ =	swait.ge @p3 [sflag:s20], $0x1000  }
0x10e: {  	[sflag:s20] =	ssyncset.done @p3 $0x0  }
0x10f: {  	[sflag:s20] =	ssyncadd.s32 @p3 $0xFFFFF000  }
0x110: {  	[bflag:$0x0] =	sbarrier.arrive $0xFFFF  }
0x111: {  	s31 =	sld [smem:$0x7E5];
	_ =	sdelay $0x2  }
0x112: {  	p0 =	seq.s32 s31, $0x1  }
0x113: {  	s20 =	simm.s32 @p0 $0x1000;
	s21 =	simm.s32 @p0 $0x12080;
	s22 =	simm.s32 @p0 $0x13080  }
0x114: {  	[spmem:s1] =	stream.indirect.scatter.add.f32 @p0 [tilespmem:s22], [sflag:$0x1], $0x1, s21, s20, $0xb8;
	[tilespmem:$0x14080] =	vst v63  }
0x115: {  	s20 =	simm.s32 @p0 $0x1  }
0x116: {  	_ =	swait.ge @p0 [sflag:s20], $0x1000  }
0x117: {  	[sflag:s20] =	ssyncset.done @p0 $0x0  }
0x118: {  	s2 =	sadd.s32 $0x1, s2;
	[sflag:s20] =	ssyncadd.s32 @p0 $0xFFFFF000  }
0x119: {  	p0 =	sne.s32 s2, s10;
	[bflag:$0x0] =	sbarrier.arrive $0xFFFF  }
0x11a: {  	[hbm:s9], [sflag:s14] =	dma.local [spmem:s19], $0x2000  }
.Ltmp6:
0x11b: {  	_ =	swait.ge [sflag:s12], $0x2000;
	(pc) =	sbr.rel @p0 .LBB2_1-.Ltmp6, $4  }
.Ltmp7:
0x11c: {  	[sflag:s12] =	ssyncset.done $0x0;
	(pc) =	sbr.rel @!p0 .LBB2_53-.Ltmp7, $4  }
0x11d: {  	[sflag:s12] =	ssyncadd.s32 $0xFFFFE000  }
0x11e: {  	[bflag:$0x0] =	sbarrier.arrive $0xFFFF  }
0x11f: {  	_ = 	snop  }
0x120: {  	_ = 	snop  }
.LBB2_10:
0x121: {  	[bflag:$0x0] =	sbarrier.arrive $0xFFFF  }
0x122: {  	s19 =	sld [smem:$0x7F0];
	_ =	sdelay $0x2  }
0x123: {  	p0 =	seq.s32 s19, $0x1  }
.Ltmp8:
0x124: {  	_ = 	snop;
	(pc) =	sbr.rel @p0 .LBB2_13-.Ltmp8, $1  }
0x125: {  	_ =	sdelay $0x3  }
.Ltmp9:
0x126: {  	(pc) =	sbr.rel .LBB2_12-.Ltmp9, $4  }
0x127: {  	[spmem:s1] =	stream.indirect.scatter.add.f32 [tilespmem:s18], [sflag:$0x1], $0x1, s17, s16, $0xb8;
	[tilespmem:$0x14080] =	vst v63  }
0x128: {  	_ =	swait.ge [sflag:s12], $0x1000  }
0x129: {  	[sflag:s12] =	ssyncset.done $0x0  }
0x12a: {  	p6 =	por $0x0, $0x0;
	p0 =	por $0x1, $0x1;
	[sflag:s12] =	ssyncadd.s32 $0xFFFFF000  }
.LBB2_13:
0x12b: {  	[bflag:$0x0] =	sbarrier.arrive $0xFFFF  }
0x12c: {  	s19 =	sld [smem:$0x7F1];
	_ =	sdelay $0x2  }
0x12d: {  	p0 =	seq.s32 s19, $0x1  }
.Ltmp10:
0x12e: {  	_ = 	snop;
	(pc) =	sbr.rel @p0 .LBB2_16-.Ltmp10, $1  }
0x12f: {  	_ =	sdelay $0x3  }
.Ltmp11:
0x130: {  	(pc) =	sbr.rel .LBB2_15-.Ltmp11, $4  }
0x131: {  	[spmem:s1] =	stream.indirect.scatter.add.f32 [tilespmem:s18], [sflag:$0x1], $0x1, s17, s16, $0xb8;
	[tilespmem:$0x14080] =	vst v63  }
0x132: {  	_ =	swait.ge [sflag:s12], $0x1000  }
0x133: {  	p6 =	por $0x0, $0x0;
	[sflag:s12] =	ssyncset.done $0x0  }
0x134: {  	p2 =	por $0x1, $0x1;
	p0 =	por $0x0, $0x0;
	[sflag:s12] =	ssyncadd.s32 $0xFFFFF000  }
.LBB2_16:
0x135: {  	[bflag:$0x0] =	sbarrier.arrive $0xFFFF  }
0x136: {  	s19 =	sld [smem:$0x7F2];
	_ =	sdelay $0x2  }
0x137: {  	p0 =	seq.s32 s19, $0x1  }
.Ltmp12:
0x138: {  	_ = 	snop;
	(pc) =	sbr.rel @p0 .LBB2_19-.Ltmp12, $1  }
0x139: {  	_ =	sdelay $0x3  }
.Ltmp13:
0x13a: {  	(pc) =	sbr.rel .LBB2_18-.Ltmp13, $4  }
0x13b: {  	[spmem:s1] =	stream.indirect.scatter.add.f32 [tilespmem:s18], [sflag:$0x1], $0x1, s17, s16, $0xb8;
	[tilespmem:$0x14080] =	vst v63  }
0x13c: {  	_ =	swait.ge [sflag:s12], $0x1000  }
0x13d: {  	p0 =	por $0x0, $0x0;
	p1 =	por $0x1, $0x1;
	[sflag:s12] =	ssyncset.done $0x0  }
0x13e: {  	p6 =	por $0x0, $0x0;
	p2 =	por $0x0, $0x0;
	[sflag:s12] =	ssyncadd.s32 $0xFFFFF000  }
.LBB2_19:
0x13f: {  	[bflag:$0x0] =	sbarrier.arrive $0xFFFF  }
0x140: {  	s19 =	sld [smem:$0x7F3];
	_ =	sdelay $0x2  }
0x141: {  	p0 =	seq.s32 s19, $0x1  }
.Ltmp14:
0x142: {  	_ = 	snop;
	(pc) =	sbr.rel @p0 .LBB2_22-.Ltmp14, $1  }
0x143: {  	_ =	sdelay $0x3  }
0x144: {  	[spmem:s1] =	stream.indirect.scatter.add.f32 [tilespmem:s18], [sflag:$0x1], $0x1, s17, s16, $0xb8;
	[tilespmem:$0x14080] =	vst v63  }
.Ltmp15:
0x145: {  	_ = 	snop;
	(pc) =	sbr.rel .LBB2_21-.Ltmp15, $4  }
0x146: {  	p2 =	por $0x0, $0x0;
	p0 =	por $0x1, $0x1  }
0x147: {  	p6 =	por $0x0, $0x0;
	_ =	swait.ge [sflag:s12], $0x1000;
	s19 =	simm.s32 @!p0 $0x0  }
0x148: {  	p1 =	por $0x0, $0x0;
	[sflag:s12] =	ssyncset.done $0x0;
	s19 =	simm.s32 @p0 $0x1  }
0x149: {  	p0 =	por $0x0, $0x0;
	[sflag:s12] =	ssyncadd.s32 $0xFFFFF000;
	[smem:$0x7ED] =	sst s19  }
.LBB2_22:
0x14a: {  	[bflag:$0x0] =	sbarrier.arrive $0xFFFF  }
0x14b: {  	s19 =	sld [smem:$0x7F4];
	_ =	sdelay $0x2  }
0x14c: {  	p0 =	seq.s32 s19, $0x1  }
.Ltmp16:
0x14d: {  	_ = 	snop;
	(pc) =	sbr.rel @p0 .LBB2_25-.Ltmp16, $1  }
0x14e: {  	_ =	sdelay $0x3  }
0x14f: {  	[spmem:s1] =	stream.indirect.scatter.add.f32 [tilespmem:s18], [sflag:$0x1], $0x1, s17, s16, $0xb8;
	[tilespmem:$0x14080] =	vst v63  }
.Ltmp17:
0x150: {  	_ = 	snop;
	(pc) =	sbr.rel .LBB2_24-.Ltmp17, $4  }
0x151: {  	p1 =	por $0x0, $0x0;
	p4 =	por $0x1, $0x1;
	p3 =	por $0x0, $0x0  }
0x152: {  	p0 =	por $0x0, $0x0;
	_ =	swait.ge [sflag:s12], $0x1000;
	s19 =	simm.s32 @!p3 $0x0  }
0x153: {  	p6 =	por $0x0, $0x0;
	[sflag:s12] =	ssyncset.done $0x0;
	s19 =	simm.s32 @p3 $0x1  }
0x154: {  	p2 =	por $0x0, $0x0;
	[sflag:s12] =	ssyncadd.s32 $0xFFFFF000;
	[smem:$0x7ED] =	sst s19  }
.LBB2_25:
0x155: {  	[bflag:$0x0] =	sbarrier.arrive $0xFFFF  }
0x156: {  	s19 =	sld [smem:$0x7F5];
	_ =	sdelay $0x2  }
0x157: {  	p0 =	seq.s32 s19, $0x1  }
.Ltmp18:
0x158: {  	_ = 	snop;
	(pc) =	sbr.rel @p0 .LBB2_28-.Ltmp18, $1  }
0x159: {  	_ =	sdelay $0x3  }
0x15a: {  	[spmem:s1] =	stream.indirect.scatter.add.f32 [tilespmem:s18], [sflag:$0x1], $0x1, s17, s16, $0xb8;
	[tilespmem:$0x14080] =	vst v63  }
0x15b: {  	p0 =	por $0x0, $0x0;
	p2 =	por $0x0, $0x0  }
.Ltmp19:
0x15c: {  	p6 =	por $0x0, $0x0;
	s19 =	simm.s32 @!p0 $0x0;
	(pc) =	sbr.rel .LBB2_27-.Ltmp19, $4  }
0x15d: {  	_ =	swait.ge [sflag:s12], $0x1000;
	s19 =	simm.s32 @p0 $0x1;
	p0 =	por $0x1, $0x1  }
0x15e: {  	p1 =	por $0x0, $0x0;
	[smem:$0x7ED] =	sst s19;
	s19 =	simm.s32 @!p0 $0x0  }
0x15f: {  	p4 =	por $0x0, $0x0;
	[sflag:s12] =	ssyncset.done $0x0;
	s19 =	simm.s32 @p0 $0x1  }
0x160: {  	[sflag:s12] =	ssyncadd.s32 $0xFFFFF000;
	p0 =	por $0x0, $0x0;
	[smem:$0x7EC] =	sst s19  }
.LBB2_28:
0x161: {  	[bflag:$0x0] =	sbarrier.arrive $0xFFFF  }
0x162: {  	s19 =	sld [smem:$0x7F6];
	_ =	sdelay $0x2  }
0x163: {  	p0 =	seq.s32 s19, $0x1  }
.Ltmp20:
0x164: {  	_ = 	snop;
	(pc) =	sbr.rel @p0 .LBB2_31-.Ltmp20, $1  }
0x165: {  	_ =	sdelay $0x3  }
0x166: {  	[spmem:s1] =	stream.indirect.scatter.add.f32 [tilespmem:s18], [sflag:$0x1], $0x1, s17, s16, $0xb8;
	[tilespmem:$0x14080] =	vst v63  }
0x167: {  	p0 =	por $0x1, $0x1  }
0x168: {  	p4 =	por $0x0, $0x0;
	s19 =	simm.s32 @!p0 $0x0  }
0x169: {  	p3 =	por $0x0, $0x0;
	_ =	swait.ge [sflag:s12], $0x1000;
	s19 =	simm.s32 @p0 $0x1  }
.Ltmp21:
0x16a: {  	[smem:$0x7EB] =	sst s19;
	s19 =	simm.s32 @!p3 $0x0;
	(pc) =	sbr.rel .LBB2_30-.Ltmp21, $4  }
0x16b: {  	p1 =	por $0x0, $0x0;
	s19 =	simm.s32 @p3 $0x1;
	p3 =	por $0x0, $0x0  }
0x16c: {  	p6 =	por $0x0, $0x0;
	[smem:$0x7ED] =	sst s19;
	s19 =	simm.s32 @!p3 $0x0  }
0x16d: {  	p2 =	por $0x0, $0x0;
	[sflag:s12] =	ssyncset.done $0x0;
	s19 =	simm.s32 @p3 $0x1  }
0x16e: {  	p0 =	por $0x0, $0x0;
	[sflag:s12] =	ssyncadd.s32 $0xFFFFF000;
	[smem:$0x7EC] =	sst s19  }
.LBB2_31:
0x16f: {  	[bflag:$0x0] =	sbarrier.arrive $0xFFFF  }
0x170: {  	s19 =	sld [smem:$0x7F7];
	_ =	sdelay $0x2  }
0x171: {  	p0 =	seq.s32 s19, $0x1  }
.Ltmp22:
0x172: {  	_ = 	snop;
	(pc) =	sbr.rel @p0 .LBB2_34-.Ltmp22, $1  }
0x173: {  	_ =	sdelay $0x3  }
0x174: {  	[spmem:s1] =	stream.indirect.scatter.add.f32 [tilespmem:s18], [sflag:$0x1], $0x1, s17, s16, $0xb8;
	[tilespmem:$0x14080] =	vst v63  }
0x175: {  	p0 =	por $0x0, $0x0  }
0x176: {  	s19 =	simm.s32 @!p0 $0x0  }
0x177: {  	_ =	swait.ge [sflag:s12], $0x1000;
	s19 =	simm.s32 @p0 $0x1;
	p0 =	por $0x1, $0x1  }
0x178: {  	[smem:$0x7EC] =	sst s19;
	s19 =	simm.s32 @!p0 $0x0  }
0x179: {  	p2 =	por $0x0, $0x0;
	s19 =	simm.s32 @p0 $0x1;
	p0 =	por $0x0, $0x0  }
.Ltmp23:
0x17a: {  	[smem:$0x7EA] =	sst s19;
	s19 =	simm.s32 @!p0 $0x0;
	(pc) =	sbr.rel .LBB2_33-.Ltmp23, $4  }
0x17b: {  	p6 =	por $0x0, $0x0;
	p3 =	por $0x0, $0x0;
	s19 =	simm.s32 @p0 $0x1  }
0x17c: {  	p1 =	por $0x0, $0x0;
	[smem:$0x7ED] =	sst s19;
	s19 =	simm.s32 @!p3 $0x0  }
0x17d: {  	p4 =	por $0x0, $0x0;
	[sflag:s12] =	ssyncset.done $0x0;
	s19 =	simm.s32 @p3 $0x1  }
0x17e: {  	[sflag:s12] =	ssyncadd.s32 $0xFFFFF000;
	p0 =	por $0x0, $0x0;
	[smem:$0x7EB] =	sst s19  }
.LBB2_34:
0x17f: {  	[bflag:$0x0] =	sbarrier.arrive $0xFFFF  }
0x180: {  	s19 =	sld [smem:$0x7F8];
	_ =	sdelay $0x2  }
0x181: {  	p0 =	seq.s32 s19, $0x1  }
.Ltmp24:
0x182: {  	_ = 	snop;
	(pc) =	sbr.rel @p0 .LBB2_37-.Ltmp24, $1  }
0x183: {  	_ =	sdelay $0x3  }
0x184: {  	[spmem:s1] =	stream.indirect.scatter.add.f32 [tilespmem:s18], [sflag:$0x1], $0x1, s17, s16, $0xb8;
	[tilespmem:$0x14080] =	vst v63  }
0x185: {  	p0 =	por $0x0, $0x0  }
0x186: {  	s19 =	simm.s32 @!p0 $0x0  }
0x187: {  	_ =	swait.ge [sflag:s12], $0x1000;
	s19 =	simm.s32 @p0 $0x1;
	p0 =	por $0x1, $0x1  }
0x188: {  	[smem:$0x7EB] =	sst s19;
	s19 =	simm.s32 @!p0 $0x0  }
0x189: {  	p3 =	por $0x0, $0x0;
	s19 =	simm.s32 @p0 $0x1  }
0x18a: {  	[smem:$0x7E9] =	sst s19;
	s19 =	simm.s32 @!p3 $0x0  }
0x18b: {  	p4 =	por $0x0, $0x0;
	s19 =	simm.s32 @p3 $0x1;
	p3 =	por $0x0, $0x0  }
.Ltmp25:
0x18c: {  	[smem:$0x7ED] =	sst s19;
	s19 =	simm.s32 @!p3 $0x0;
	(pc) =	sbr.rel .LBB2_36-.Ltmp25, $4  }
0x18d: {  	p1 =	por $0x0, $0x0;
	s19 =	simm.s32 @p3 $0x1;
	p3 =	por $0x0, $0x0  }
0x18e: {  	p6 =	por $0x0, $0x0;
	[smem:$0x7EC] =	sst s19;
	s19 =	simm.s32 @!p3 $0x0  }
0x18f: {  	p2 =	por $0x0, $0x0;
	[sflag:s12] =	ssyncset.done $0x0;
	s19 =	simm.s32 @p3 $0x1  }
0x190: {  	[sflag:s12] =	ssyncadd.s32 $0xFFFFF000;
	p0 =	por $0x0, $0x0;
	[smem:$0x7EA] =	sst s19  }
.LBB2_37:
0x191: {  	[bflag:$0x0] =	sbarrier.arrive $0xFFFF  }
0x192: {  	s19 =	sld [smem:$0x7F9];
	_ =	sdelay $0x2  }
0x193: {  	p0 =	seq.s32 s19, $0x1  }
.Ltmp26:
0x194: {  	_ = 	snop;
	(pc) =	sbr.rel @p0 .LBB2_40-.Ltmp26, $1  }
0x195: {  	_ =	sdelay $0x3  }
0x196: {  	[spmem:s1] =	stream.indirect.scatter.add.f32 [tilespmem:s18], [sflag:$0x1], $0x1, s17, s16, $0xb8;
	[tilespmem:$0x14080] =	vst v63  }
0x197: {  	p0 =	por $0x0, $0x0  }
0x198: {  	s19 =	simm.s32 @!p0 $0x0  }
0x199: {  	_ =	swait.ge [sflag:s12], $0x1000;
	s19 =	simm.s32 @p0 $0x1;
	p0 =	por $0x1, $0x1  }
0x19a: {  	[smem:$0x7EA] =	sst s19;
	s19 =	simm.s32 @!p0 $0x0  }
0x19b: {  	s19 =	simm.s32 @p0 $0x1;
	p0 =	por $0x0, $0x0  }
0x19c: {  	[smem:$0x7E8] =	sst s19;
	s19 =	simm.s32 @!p0 $0x0  }
0x19d: {  	s19 =	simm.s32 @p0 $0x1;
	p0 =	por $0x0, $0x0  }
0x19e: {  	[smem:$0x7EC] =	sst s19;
	s19 =	simm.s32 @!p0 $0x0  }
0x19f: {  	p2 =	por $0x0, $0x0;
	p3 =	por $0x0, $0x0;
	s19 =	simm.s32 @p0 $0x1  }
.Ltmp27:
0x1a0: {  	[smem:$0x7ED] =	sst s19;
	s19 =	simm.s32 @!p3 $0x0;
	(pc) =	sbr.rel .LBB2_39-.Ltmp27, $4  }
0x1a1: {  	p6 =	por $0x0, $0x0;
	s19 =	simm.s32 @p3 $0x1;
	p3 =	por $0x0, $0x0  }
0x1a2: {  	p1 =	por $0x0, $0x0;
	[smem:$0x7EB] =	sst s19;
	s19 =	simm.s32 @!p3 $0x0  }
0x1a3: {  	p4 =	por $0x0, $0x0;
	[sflag:s12] =	ssyncset.done $0x0;
	s19 =	simm.s32 @p3 $0x1  }
0x1a4: {  	[sflag:s12] =	ssyncadd.s32 $0xFFFFF000;
	p0 =	por $0x0, $0x0;
	[smem:$0x7E9] =	sst s19  }
.LBB2_40:
0x1a5: {  	[bflag:$0x0] =	sbarrier.arrive $0xFFFF  }
0x1a6: {  	s19 =	sld [smem:$0x7FA];
	_ =	sdelay $0x2  }
0x1a7: {  	p0 =	seq.s32 s19, $0x1  }
.Ltmp28:
0x1a8: {  	_ = 	snop;
	(pc) =	sbr.rel @p0 .LBB2_43-.Ltmp28, $1  }
0x1a9: {  	_ =	sdelay $0x3  }
0x1aa: {  	[spmem:s1] =	stream.indirect.scatter.add.f32 [tilespmem:s18], [sflag:$0x1], $0x1, s17, s16, $0xb8;
	[tilespmem:$0x14080] =	vst v63  }
0x1ab: {  	p0 =	por $0x0, $0x0  }
0x1ac: {  	s19 =	simm.s32 @!p0 $0x0  }
0x1ad: {  	_ =	swait.ge [sflag:s12], $0x1000;
	s19 =	simm.s32 @p0 $0x1;
	p0 =	por $0x1, $0x1  }
0x1ae: {  	[smem:$0x7E9] =	sst s19;
	s19 =	simm.s32 @!p0 $0x0  }
0x1af: {  	s19 =	simm.s32 @p0 $0x1;
	p0 =	por $0x0, $0x0  }
0x1b0: {  	[smem:$0x7E7] =	sst s19;
	s19 =	simm.s32 @!p0 $0x0  }
0x1b1: {  	p3 =	por $0x0, $0x0;
	s19 =	simm.s32 @p0 $0x1  }
0x1b2: {  	[smem:$0x7EB] =	sst s19;
	s19 =	simm.s32 @!p3 $0x0  }
0x1b3: {  	s19 =	simm.s32 @p3 $0x1;
	p3 =	por $0x0, $0x0  }
0x1b4: {  	[smem:$0x7ED] =	sst s19;
	s19 =	simm.s32 @!p3 $0x0  }
0x1b5: {  	p4 =	por $0x0, $0x0;
	s19 =	simm.s32 @p3 $0x1;
	p3 =	por $0x0, $0x0  }
.Ltmp29:
0x1b6: {  	[smem:$0x7EC] =	sst s19;
	s19 =	simm.s32 @!p3 $0x0;
	(pc) =	sbr.rel .LBB2_42-.Ltmp29, $4  }
0x1b7: {  	p1 =	por $0x0, $0x0;
	s19 =	simm.s32 @p3 $0x1;
	p3 =	por $0x0, $0x0  }
0x1b8: {  	p6 =	por $0x0, $0x0;
	[smem:$0x7EA] =	sst s19;
	s19 =	simm.s32 @!p3 $0x0  }
0x1b9: {  	p2 =	por $0x0, $0x0;
	[sflag:s12] =	ssyncset.done $0x0;
	s19 =	simm.s32 @p3 $0x1  }
0x1ba: {  	[sflag:s12] =	ssyncadd.s32 $0xFFFFF000;
	p0 =	por $0x0, $0x0;
	[smem:$0x7E8] =	sst s19  }
.LBB2_43:
0x1bb: {  	[bflag:$0x0] =	sbarrier.arrive $0xFFFF  }
0x1bc: {  	s19 =	sld [smem:$0x7FB];
	_ =	sdelay $0x2  }
0x1bd: {  	p0 =	seq.s32 s19, $0x1  }
.Ltmp30:
0x1be: {  	_ = 	snop;
	(pc) =	sbr.rel @p0 .LBB2_46-.Ltmp30, $1  }
0x1bf: {  	_ =	sdelay $0x3  }
0x1c0: {  	[spmem:s1] =	stream.indirect.scatter.add.f32 [tilespmem:s18], [sflag:$0x1], $0x1, s17, s16, $0xb8;
	[tilespmem:$0x14080] =	vst v63  }
0x1c1: {  	p0 =	por $0x0, $0x0  }
0x1c2: {  	s19 =	simm.s32 @!p0 $0x0  }
0x1c3: {  	_ =	swait.ge [sflag:s12], $0x1000;
	s19 =	simm.s32 @p0 $0x1;
	p0 =	por $0x1, $0x1  }
0x1c4: {  	[smem:$0x7E8] =	sst s19;
	s19 =	simm.s32 @!p0 $0x0  }
0x1c5: {  	s19 =	simm.s32 @p0 $0x1;
	p0 =	por $0x0, $0x0  }
0x1c6: {  	[smem:$0x7E6] =	sst s19;
	s19 =	simm.s32 @!p0 $0x0  }
0x1c7: {  	s19 =	simm.s32 @p0 $0x1;
	p0 =	por $0x0, $0x0  }
0x1c8: {  	[smem:$0x7EA] =	sst s19;
	s19 =	simm.s32 @!p0 $0x0  }
0x1c9: {  	s19 =	simm.s32 @p0 $0x1;
	p0 =	por $0x0, $0x0  }
0x1ca: {  	[smem:$0x7EC] =	sst s19;
	s19 =	simm.s32 @!p0 $0x0  }
0x1cb: {  	p3 =	por $0x0, $0x0;
	s19 =	simm.s32 @p0 $0x1  }
0x1cc: {  	[smem:$0x7ED] =	sst s19;
	s19 =	simm.s32 @!p3 $0x0  }
0x1cd: {  	p2 =	por $0x0, $0x0;
	s19 =	simm.s32 @p3 $0x1;
	p3 =	por $0x0, $0x0  }
.Ltmp31:
0x1ce: {  	[smem:$0x7EB] =	sst s19;
	s19 =	simm.s32 @!p3 $0x0;
	(pc) =	sbr.rel .LBB2_45-.Ltmp31, $4  }
0x1cf: {  	p6 =	por $0x0, $0x0;
	s19 =	simm.s32 @p3 $0x1;
	p3 =	por $0x0, $0x0  }
0x1d0: {  	p1 =	por $0x0, $0x0;
	[smem:$0x7E9] =	sst s19;
	s19 =	simm.s32 @!p3 $0x0  }
0x1d1: {  	p4 =	por $0x0, $0x0;
	[sflag:s12] =	ssyncset.done $0x0;
	s19 =	simm.s32 @p3 $0x1  }
0x1d2: {  	[sflag:s12] =	ssyncadd.s32 $0xFFFFF000;
	p0 =	por $0x0, $0x0;
	[smem:$0x7E7] =	sst s19  }
.LBB2_46:
0x1d3: {  	[bflag:$0x0] =	sbarrier.arrive $0xFFFF  }
0x1d4: {  	s19 =	sld [smem:$0x7FC];
	_ =	sdelay $0x2  }
0x1d5: {  	p0 =	seq.s32 s19, $0x1  }
.Ltmp32:
0x1d6: {  	_ = 	snop;
	(pc) =	sbr.rel @p0 .LBB2_49-.Ltmp32, $1  }
0x1d7: {  	_ =	sdelay $0x3  }
0x1d8: {  	[spmem:s1] =	stream.indirect.scatter.add.f32 [tilespmem:s18], [sflag:$0x1], $0x1, s17, s16, $0xb8;
	[tilespmem:$0x14080] =	vst v63  }
0x1d9: {  	p0 =	por $0x0, $0x0  }
0x1da: {  	s19 =	simm.s32 @!p0 $0x0  }
0x1db: {  	_ =	swait.ge [sflag:s12], $0x1000;
	s19 =	simm.s32 @p0 $0x1;
	p0 =	por $0x0, $0x0  }
0x1dc: {  	[smem:$0x7E7] =	sst s19;
	s19 =	simm.s32 @!p0 $0x0  }
0x1dd: {  	s19 =	simm.s32 @p0 $0x1;
	p0 =	por $0x0, $0x0  }
0x1de: {  	[smem:$0x7E9] =	sst s19;
	s19 =	simm.s32 @!p0 $0x0  }
0x1df: {  	p5 =	por $0x0, $0x0;
	s19 =	simm.s32 @p0 $0x1  }
0x1e0: {  	[smem:$0x7EB] =	sst s19;
	s19 =	simm.s32 @!p5 $0x0  }
0x1e1: {  	s19 =	simm.s32 @p5 $0x1;
	p5 =	por $0x0, $0x0  }
0x1e2: {  	[smem:$0x7ED] =	sst s19;
	s19 =	simm.s32 @!p5 $0x0  }
0x1e3: {  	s19 =	simm.s32 @p5 $0x1;
	p5 =	por $0x0, $0x0  }
0x1e4: {  	p3 =	por $0x1, $0x1;
	[smem:$0x7EC] =	sst s19;
	s19 =	simm.s32 @!p5 $0x0  }
0x1e5: {  	p4 =	por $0x0, $0x0;
	s19 =	simm.s32 @p5 $0x1;
	p5 =	por $0x0, $0x0  }
.Ltmp33:
0x1e6: {  	[smem:$0x7EA] =	sst s19;
	s19 =	simm.s32 @!p5 $0x0;
	(pc) =	sbr.rel .LBB2_48-.Ltmp33, $4  }
0x1e7: {  	p1 =	por $0x0, $0x0;
	s19 =	simm.s32 @p5 $0x1;
	p5 =	por $0x0, $0x0  }
0x1e8: {  	p6 =	por $0x0, $0x0;
	[smem:$0x7E8] =	sst s19;
	s19 =	simm.s32 @!p5 $0x0  }
0x1e9: {  	p2 =	por $0x0, $0x0;
	[sflag:s12] =	ssyncset.done $0x0;
	s19 =	simm.s32 @p5 $0x1  }
0x1ea: {  	[sflag:s12] =	ssyncadd.s32 $0xFFFFF000;
	p0 =	por $0x0, $0x0;
	[smem:$0x7E6] =	sst s19  }
.LBB2_49:
0x1eb: {  	[bflag:$0x0] =	sbarrier.arrive $0xFFFF  }
0x1ec: {  	s19 =	sld [smem:$0x7FD];
	_ =	sdelay $0x2  }
0x1ed: {  	p4 =	seq.s32 s19, $0x1  }
0x1ee: {  	p1 =	por $0x0, $0x0;
	s19 =	simm.s32 @!p4 $0x1000  }
0x1ef: {  	s20 =	simm.s32 @!p4 $0x12080;
	s21 =	simm.s32 @!p4 $0x13080;
	p0 =	por @!p4 $0x1, $0x1  }
0x1f0: {  	[spmem:s1] =	stream.indirect.scatter.add.f32 @!p4 [tilespmem:s21], [sflag:$0x1], $0x1, s20, s19, $0xb8;
	[tilespmem:$0x14080] =	vst v63  }
0x1f1: {  	p1 =	por @!p4 p0, p0  }
0x1f2: {  	p3 =	por @!p4 $0x0, $0x0;
	s20 =	simm.s32 @!p1 $0x0  }
0x1f3: {  	s19 =	simm.s32 @!p4 $0x1;
	s20 =	simm.s32 @p1 $0x1;
	p1 =	por $0x0, $0x0  }
0x1f4: {  	_ =	swait.ge @!p4 [sflag:s19], $0x1000;
	p1 =	por @!p4 p3, p3  }
0x1f5: {  	p0 =	por $0x0, $0x0;
	[smem:$0x7E5] =	sst s20;
	s20 =	simm.s32 @!p1 $0x0  }
0x1f6: {  	p0 =	por @!p4 p3, p3;
	s20 =	simm.s32 @p1 $0x1  }
0x1f7: {  	[smem:$0x7E6] =	sst s20;
	s20 =	simm.s32 @!p0 $0x0  }
0x1f8: {  	s20 =	simm.s32 @p0 $0x1;
	p0 =	por $0x0, $0x0  }
0x1f9: {  	p0 =	por @!p4 p3, p3  }
0x1fa: {  	[smem:$0x7E8] =	sst s20;
	s20 =	simm.s32 @!p0 $0x0  }
0x1fb: {  	p2 =	por $0x0, $0x0;
	s20 =	simm.s32 @p0 $0x1;
	p0 =	por $0x0, $0x0  }
0x1fc: {  	p6 =	por $0x0, $0x0;
	p2 =	por @!p4 p3, p3;
	p0 =	por @!p4 p3, p3  }
0x1fd: {  	p1 =	por $0x0, $0x0;
	[smem:$0x7EA] =	sst s20;
	s20 =	simm.s32 @!p0 $0x0  }
0x1fe: {  	s28 =	sld [smem:$0x7FD];
	p1 =	por @!p4 p3, p3;
	s20 =	simm.s32 @p0 $0x1  }
0x1ff: {  	p6 =	por @!p4 p3, p3;
	[smem:$0x7EC] =	sst s20;
	s20 =	simm.s32 @!p1 $0x0  }
0x200: {  	p0 =	por $0x0, $0x0;
	s20 =	simm.s32 @p1 $0x1;
	p1 =	por $0x0, $0x0  }
0x201: {  	p0 =	por @!p4 p3, p3;
	p1 =	por @!p4 p3, p3;
	p3 =	por $0x0, $0x0  }
0x202: {  	[smem:$0x7ED] =	sst s20;
	s20 =	simm.s32 @!p3 $0x0  }
0x203: {  	s29 =	sld [smem:$0x7FD];
	s20 =	simm.s32 @p3 $0x1  }
0x204: {  	[smem:$0x7E4] =	sst s20  }
0x205: {  	s30 =	sld [smem:$0x7E4]  }
0x206: {  	s31 =	sld [smem:$0x7FD]  }
0x207: {  	[sflag:s19] =	ssyncset.done @!p4 $0x0;
	s21 =	sld [smem:$0x7FD];
	p4 =	seq.s32 s28, $0x1  }
0x208: {  	p5 =	por @!p4 $0x0, $0x0;
	p4 =	seq.s32 s29, $0x1;
	p3 =	seq.s32 s30, $0x1  }
0x209: {  	s22 =	sld [smem:$0x7FD];
	p3 =	por @!p4 p5, p5;
	p4 =	seq.s32 s31, $0x1  }
0x20a: {  	s23 =	sld [smem:$0x7FD];
	s20 =	simm.s32 @!p3 $0x0;
	p5 =	por @!p4 $0x0, $0x0  }
0x20b: {  	p4 =	seq.s32 s21, $0x1;
	s20 =	simm.s32 @p3 $0x1;
	p3 =	por $0x0, $0x0  }
0x20c: {  	p3 =	por @!p4 p5, p5;
	p4 =	seq.s32 s22, $0x1  }
0x20d: {  	[smem:$0x7E4] =	sst s20;
	s20 =	simm.s32 @!p3 $0x0;
	p5 =	por @!p4 $0x0, $0x0  }
0x20e: {  	p4 =	seq.s32 s23, $0x1;
	s20 =	simm.s32 @p3 $0x1;
	p3 =	por $0x0, $0x0  }
0x20f: {  	s24 =	sld [smem:$0x7FD];
	p3 =	por @!p4 p5, p5  }
0x210: {  	[smem:$0x7EB] =	sst s20;
	s20 =	simm.s32 @!p3 $0x0  }
0x211: {  	s25 =	sld [smem:$0x7FD];
	s20 =	simm.s32 @p3 $0x1;
	p3 =	por $0x0, $0x0  }
0x212: {  	[smem:$0x7E9] =	sst s20;
	s20 =	simm.s32 @!p3 $0x0  }
0x213: {  	s28 =	sld [smem:$0x7FD];
	s20 =	simm.s32 @p3 $0x1  }
0x214: {  	[smem:$0x7E7] =	sst s20  }
0x215: {  	s26 =	sld [smem:$0x7E7]  }
0x216: {  	s29 =	sld [smem:$0x7FD]  }
0x217: {  	s31 =	sld [smem:$0x7FD];
	p4 =	seq.s32 s24, $0x1  }
0x218: {  	p5 =	por @!p4 $0x0, $0x0;
	p4 =	seq.s32 s25, $0x1;
	p3 =	seq.s32 s26, $0x1  }
.Ltmp34:
0x219: {  	p3 =	por @!p4 p5, p5;
	p4 =	seq.s32 s28, $0x1;
	(pc) =	sbr.rel .LBB2_50-.Ltmp34, $4  }
0x21a: {  	s30 =	sld [smem:$0x7E4];
	s20 =	simm.s32 @!p3 $0x0;
	p5 =	por @!p4 $0x0, $0x0  }
0x21b: {  	p4 =	seq.s32 s29, $0x1;
	s20 =	simm.s32 @p3 $0x1;
	p3 =	por $0x0, $0x0  }
0x21c: {  	p3 =	por @!p4 p5, p5;
	p5 =	seq.s32 s31, $0x1  }
0x21d: {  	[smem:$0x7E7] =	sst s20;
	p4 =	seq.s32 s30, $0x1;
	[sflag:s19] =	ssyncadd.s32 @!p5 $0xFFFFF000  }
.LBB2_53:
0x21e: {  	_ =	sfence.sel $0x180000  }
0x21f: {  	[bflag:$0x0] =	sbarrier.arrive $0xFFFF  }
0x220: {  	_ =	strace $0x90000047  }
0x221: {  	s0 =	sadd.s32 @!p5 $0x100000, s0;
	[bflag:$0x2] =	sbarrier.arrive $0xFFFF  }
0x222: {  	[sflag:s0] =	ssyncadd.tile.s32 @!p5 $0x1;
	_ =	shalt  }
.Lfunc_end2:
_tile_overlayer_lowered:
.L_overlay_start_2:
0x223: {  	(tag) =	ssettag $0x2  }
0x224: {  	s0 =	rddreg [dreg:$0x0];
	s2 =	stileid.u32  }
0x225: {  	s1 =	rddreg [dreg:$0x1];
	p0 =	sne.s32 s2, $0x0  }
0x226: {  	s3 =	rddreg [dreg:$0x2];
	[bflag:$0x3] =	sbarrier.arrive $0xFFFF;
	s2 =	simm.s32 @!p0 $0x1C01  }
0x227: {  	[timem:s3], [sflag:s2] =	dma.local @!p0 [hbm:s0], s1  }
0x228: {  	s0 =	simm.s32 @!p0 $0x1  }
0x229: {  	_ =	swait.ge @!p0 [sflag:s0], s1  }
0x22a: {  	s1 =	ssub.s32 @!p0 $0x0, s1;
	[sflag:s0] =	ssyncset.done @!p0 $0x0  }
0x22b: {  	[sflag:s0] =	ssyncadd.s32 @!p0 s1  }
0x22c: {  	[bflag:$0x3] =	sbarrier.arrive $0xFFFF  }
0x22d: {  	_ =	shalt  }

</sc_bundles>
